<compile_context>
chip_gen: v7x
topology: tpu7x:2x2x1
jax: 0.10.2.dev20260603
libtpu: 0.0.44.dev20260713+nightly
codegen_flags: <defaults>
</compile_context>

<pallas_src>
import functools

import jax
import jax.numpy as jnp
from jax import lax
from jax.experimental import pallas as pl
from jax.experimental.pallas import tpu as pltpu
from jax.experimental.pallas import tpu_sc as plsc

NC = 2
NS = 16
NW = NC * NS
CH = 128

BE = 4000


def _sp(x):
    return jnp.maximum(x, 0.0) + jnp.log1p(jnp.exp(-jnp.abs(x)))



def _sc_gather_x(x, idx_i, idx_j):
    E = idx_i.shape[0]
    N, DIM = x.shape
    ept = E // NW
    nfull = ept // CH
    tail = ept - nfull * CH
    mesh = plsc.VectorSubcoreMesh(core_axis_name="c", subcore_axis_name="s")

    @functools.partial(
        pl.kernel, mesh=mesh,
        out_type=(jax.ShapeDtypeStruct((E, DIM), x.dtype),
                  jax.ShapeDtypeStruct((E, DIM), x.dtype)),
        scratch_types=[pltpu.VMEM((ept,), jnp.int32),
                       pltpu.VMEM((ept,), jnp.int32),
                       pltpu.VMEM((CH, DIM), x.dtype),
                       pltpu.VMEM((CH, DIM), x.dtype),
                       pltpu.SemaphoreType.DMA,
                       pltpu.SemaphoreType.DMA,
                       pltpu.SemaphoreType.DMA,
                       pltpu.SemaphoreType.DMA],
    )
    def k(x_hbm, ii_hbm, ij_hbm, gi_hbm, gj_hbm,
          idxi_v, idxj_v, buf0, buf1, g0, g1, w0, w1):
        wid = lax.axis_index("s") * NC + lax.axis_index("c")
        base = wid * ept
        pltpu.sync_copy(ii_hbm.at[pl.ds(base, ept)], idxi_v)
        pltpu.sync_copy(ij_hbm.at[pl.ds(base, ept)], idxj_v)
        bufs = (buf0, buf1)
        gsem = (g0, g1)
        wsem = (w0, w1)

        for idx_v, out_hbm in ((idxi_v, gi_hbm), (idxj_v, gj_hbm)):
            def gat(cur, b):
                return pltpu.make_async_copy(
                    x_hbm.at[idx_v.at[pl.ds(cur * CH, CH)]], bufs[b], gsem[b])

            def wrb(cur, b):
                return pltpu.make_async_copy(
                    bufs[b], out_hbm.at[pl.ds(base + cur * CH, CH)], wsem[b])

            for b in range(2):
                gat(b, b).start()

            @pl.loop(0, nfull, step=2)
            def _(t):
                for b in range(2):
                    cur = t + b
                    gat(cur, b).wait()
                    wrb(cur, b).start()
                    wrb(cur, b).wait()

                    @pl.when(cur + 2 < nfull)
                    def _():
                        gat(cur + 2, b).start()

            if tail:
                pltpu.sync_copy(x_hbm.at[idx_v.at[pl.ds(nfull * CH, tail)]],
                                buf0.at[pl.ds(0, tail)])
                pltpu.sync_copy(buf0.at[pl.ds(0, tail)],
                                out_hbm.at[pl.ds(base + nfull * CH, tail)])

    return k(x, idx_i, idx_j)


def _sc_scatter_add(vals, idx_i, n_nodes, width):
    E = vals.shape[0]
    nchunks = E // CH
    per_core = nchunks // NC
    per_tile = -(-per_core // NS)
    n_pad = -(-n_nodes // (8 * NS)) * 8 * NS
    rows_per_tile = n_pad // NS
    mesh = plsc.VectorSubcoreMesh(core_axis_name="c", subcore_axis_name="s")
    zrows = jnp.zeros((rows_per_tile, width), jnp.float32)

    @functools.partial(
        pl.kernel, mesh=mesh,
        out_type=jax.ShapeDtypeStruct((NC, n_pad, width), jnp.float32),
        scratch_types=[pltpu.VMEM((CH,), jnp.int32),
                       pltpu.VMEM((CH,), jnp.int32),
                       pltpu.VMEM((CH, width), jnp.float32),
                       pltpu.VMEM((CH, width), jnp.float32),
                       pltpu.VMEM_SHARED((n_pad, width), jnp.float32),
                       pltpu.SemaphoreType.DMA,
                       pltpu.SemaphoreType.DMA,
                       pltpu.SemaphoreType.DMA,
                       pltpu.SemaphoreType.DMA,
                       pltpu.SemaphoreType.DMA,
                       pltpu.SemaphoreType.DMA],
        compiler_params=(pltpu.CompilerParams(use_tc_tiling_on_sc=False)
                         if width < 128 else None),
    )
    def k(v_hbm, ii_hbm, z_hbm, out_hbm, idx0, idx1, buf0, buf1, acc_shared,
          i0, i1, g0, g1, w0, w1):
        c = lax.axis_index("c")
        s = lax.axis_index("s")
        pltpu.sync_copy(z_hbm, acc_shared.at[pl.ds(s * rows_per_tile, rows_per_tile)])
        plsc.subcore_barrier()
        idxs = (idx0, idx1)
        bufs = (buf0, buf1)
        isem = (i0, i1)
        gsem = (g0, g1)
        wsem = (w0, w1)

        def chunk_of(t):
            return c * per_core + s + NS * t

        def load(t, b):
            base = chunk_of(t) * CH
            pltpu.make_async_copy(ii_hbm.at[pl.ds(base, CH)], idxs[b],
                                  isem[b]).start()
            pltpu.make_async_copy(v_hbm.at[pl.ds(base, CH)], bufs[b],
                                  gsem[b]).start()

        def load_wait(t, b):
            base = chunk_of(t) * CH
            pltpu.make_async_copy(ii_hbm.at[pl.ds(base, CH)], idxs[b],
                                  isem[b]).wait()
            pltpu.make_async_copy(v_hbm.at[pl.ds(base, CH)], bufs[b],
                                  gsem[b]).wait()

        for b in range(2):
            @pl.when(s + NS * b < per_core)
            def _():
                load(b, b)

        @pl.loop(0, per_tile, step=2)
        def _(t):
            for b in range(2):
                tt = t + b
                kk = s + NS * tt

                @pl.when(kk < per_core)
                def _():
                    load_wait(tt, b)
                    pltpu.async_copy(bufs[b], acc_shared.at[idxs[b]],
                                     wsem[b], add=True)
                    pltpu.make_async_copy(bufs[b], acc_shared.at[idxs[b]],
                                          wsem[b]).wait()

                    @pl.when(s + NS * (tt + 2) < per_core)
                    def _():
                        load(tt + 2, b)

        plsc.subcore_barrier()
        sl = pl.ds(s * rows_per_tile, rows_per_tile)
        pltpu.sync_copy(acc_shared.at[sl], out_hbm.at[c].at[sl])

    return k(vals, idx_i, zrows)


def _sc_denom_gather(den, idx_i):
    E = idx_i.shape[0]
    ept = E // NW
    nfull = ept // CH
    tail = ept - nfull * CH
    mesh = plsc.VectorSubcoreMesh(core_axis_name="c", subcore_axis_name="s")

    @functools.partial(
        pl.kernel, mesh=mesh,
        out_type=jax.ShapeDtypeStruct((E, 16), jnp.float32),
        scratch_types=[pltpu.VMEM((ept,), jnp.int32),
                       pltpu.VMEM((CH, 16), jnp.float32),
                       pltpu.VMEM((CH, 16), jnp.float32),
                       pltpu.SemaphoreType.DMA,
                       pltpu.SemaphoreType.DMA,
                       pltpu.SemaphoreType.DMA,
                       pltpu.SemaphoreType.DMA],
        compiler_params=pltpu.CompilerParams(use_tc_tiling_on_sc=False),
    )
    def k(den_hbm, ii_hbm, dg_hbm, idx_v, buf0, buf1, g0, g1, w0, w1):
        wid = lax.axis_index("s") * NC + lax.axis_index("c")
        base = wid * ept
        pltpu.sync_copy(ii_hbm.at[pl.ds(base, ept)], idx_v)
        bufs = (buf0, buf1)
        gsem = (g0, g1)
        wsem = (w0, w1)

        def gat(cur, b):
            return pltpu.make_async_copy(
                den_hbm.at[idx_v.at[pl.ds(cur * CH, CH)]], bufs[b], gsem[b])

        def wrb(cur, b):
            return pltpu.make_async_copy(
                bufs[b], dg_hbm.at[pl.ds(base + cur * CH, CH)], wsem[b])

        for b in range(2):
            gat(b, b).start()

        @pl.loop(0, nfull, step=2)
        def _(t):
            for b in range(2):
                cur = t + b
                gat(cur, b).wait()
                wrb(cur, b).start()
                wrb(cur, b).wait()

                @pl.when(cur + 2 < nfull)
                def _():
                    gat(cur + 2, b).start()

        if tail:
            pltpu.sync_copy(den_hbm.at[idx_v.at[pl.ds(nfull * CH, tail)]],
                            buf0.at[pl.ds(0, tail)])
            pltpu.sync_copy(buf0.at[pl.ds(0, tail)],
                            dg_hbm.at[pl.ds(base + nfull * CH, tail)])

    return k(den, idx_i)



def _tc_edge(gxi, gxj, ea, Wb, af, onesb):
    E, DIM = ea.shape
    HD = Wb.shape[1]
    H = onesb.shape[1]
    nb = E // BE

    def body(gxi_ref, gxj_ref, ea_ref, w_ref, af_ref, ones_ref,
             oj_ref, al_ref, s_ref, ss_ref):
        eab = ea_ref[...].astype(jnp.bfloat16)
        ci = jnp.concatenate([gxi_ref[...].astype(jnp.bfloat16), eab], axis=1)
        cj = jnp.concatenate([gxj_ref[...].astype(jnp.bfloat16), eab], axis=1)
        w = w_ref[...]
        ui = jnp.dot(ci, w, preferred_element_type=jnp.float32).astype(jnp.bfloat16)
        uj = jnp.dot(cj, w, preferred_element_type=jnp.float32).astype(jnp.bfloat16)
        oi = _sp(ui)
        oj = _sp(uj)
        oj_ref[...] = oj
        v = oi * af_ref[0:1, :] + oj * af_ref[1:2, :]
        al = jnp.dot(v, ones_ref[...], preferred_element_type=jnp.float32)
        al = _sp(al)
        al_ref[...] = al
        s_ref[...] = al.sum(axis=0).reshape(1, 1, H)
        ss_ref[...] = (al * al).sum(axis=0).reshape(1, 1, H)

    return pl.pallas_call(
        body,
        grid=(nb,),
        in_specs=[
            pl.BlockSpec((BE, DIM), lambda i: (i, 0)),
            pl.BlockSpec((BE, DIM), lambda i: (i, 0)),
            pl.BlockSpec((BE, DIM), lambda i: (i, 0)),
            pl.BlockSpec((2 * DIM, HD), lambda i: (0, 0)),
            pl.BlockSpec((8, HD), lambda i: (0, 0)),
            pl.BlockSpec((HD, H), lambda i: (0, 0)),
        ],
        out_specs=[
            pl.BlockSpec((BE, HD), lambda i: (i, 0)),
            pl.BlockSpec((BE, H), lambda i: (i, 0)),
            pl.BlockSpec((1, 1, H), lambda i: (i, 0, 0)),
            pl.BlockSpec((1, 1, H), lambda i: (i, 0, 0)),
        ],
        out_shape=[
            jax.ShapeDtypeStruct((E, HD), jnp.bfloat16),
            jax.ShapeDtypeStruct((E, H), jnp.float32),
            jax.ShapeDtypeStruct((nb, 1, H), jnp.float32),
            jax.ShapeDtypeStruct((nb, 1, H), jnp.float32),
        ],
    )(gxi, gxj, ea, Wb, af, onesb)


def _tc_bn_exp(alpha, params):
    E, H = alpha.shape
    BC = 10000
    nb = E // BC

    def body(al_ref, p_ref, ex_ref):
        al = al_ref[...]
        mean = p_ref[0:1, :]
        rstdg = p_ref[1:2, :]
        beta = p_ref[2:3, :]
        z = (al - mean) * rstdg + beta
        ex = jnp.exp(_sp(z))
        ex_ref[...] = jnp.concatenate(
            [ex, jnp.zeros((BC, 16 - H), jnp.float32)], axis=1)

    return pl.pallas_call(
        body,
        grid=(nb,),
        in_specs=[
            pl.BlockSpec((BC, H), lambda i: (i, 0)),
            pl.BlockSpec((8, H), lambda i: (0, 0)),
        ],
        out_specs=pl.BlockSpec((BC, 16), lambda i: (i, 0)),
        out_shape=jax.ShapeDtypeStruct((E, 16), jnp.float32),
    )(alpha, params)


def _tc_densum(den):
    NP = den.shape[1]
    BN = NP // 8

    def body(d_ref, o_ref):
        o_ref[...] = d_ref[0] + d_ref[1]

    return pl.pallas_call(
        body,
        grid=(8,),
        in_specs=[pl.BlockSpec((2, BN, 16), lambda i: (0, i, 0))],
        out_specs=pl.BlockSpec((BN, 16), lambda i: (i, 0)),
        out_shape=jax.ShapeDtypeStruct((NP, 16), jnp.float32),
    )(den)


def _tc_combine(oj, ex16, dg):
    E, HD = oj.shape
    H = 4
    DIM = HD // H
    nb = E // BE

    def body(oj_ref, ex_ref, d_ref, m_ref):
        w = (ex_ref[:, :H] / (d_ref[:, :H] + 1e-16) * 0.25).astype(jnp.bfloat16)
        oj = oj_ref[...]
        acc = oj[:, 0:DIM] * w[:, 0:1]
        for h in range(1, H):
            acc = acc + oj[:, h * DIM:(h + 1) * DIM] * w[:, h:h + 1]
        m_ref[...] = acc.astype(jnp.float32)

    return pl.pallas_call(
        body,
        grid=(nb,),
        in_specs=[
            pl.BlockSpec((BE, HD), lambda i: (i, 0)),
            pl.BlockSpec((BE, 16), lambda i: (i, 0)),
            pl.BlockSpec((BE, 16), lambda i: (i, 0)),
        ],
        out_specs=pl.BlockSpec((BE, DIM), lambda i: (i, 0)),
        out_shape=jax.ShapeDtypeStruct((E, DIM), jnp.float32),
    )(oj, ex16, dg)


def _tc_finalize(p0, p1, biasb):
    N, DIM = p0.shape
    BN = 1000
    nb = N // BN

    def body(a_ref, b_ref, bias_ref, o_ref):
        o_ref[...] = a_ref[...] + b_ref[...] + bias_ref[0:1, :]

    return pl.pallas_call(
        body,
        grid=(nb,),
        in_specs=[
            pl.BlockSpec((BN, DIM), lambda i: (i, 0)),
            pl.BlockSpec((BN, DIM), lambda i: (i, 0)),
            pl.BlockSpec((8, DIM), lambda i: (0, 0)),
        ],
        out_specs=pl.BlockSpec((BN, DIM), lambda i: (i, 0)),
        out_shape=jax.ShapeDtypeStruct((N, DIM), jnp.float32),
    )(p0, p1, biasb)



def kernel(x, edge_index, edge_attr, W, att, bias, bn_gamma, bn_beta):
    N, DIM = x.shape
    E = edge_attr.shape[0]
    H = att.shape[1]

    idx_i = edge_index[0]
    idx_j = edge_index[1]
    eye = jnp.eye(H, dtype=jnp.float32)
    af = jnp.zeros((8, H * DIM), jnp.float32)
    af = af.at[0].set(att[0, :, :DIM].reshape(-1)).at[1].set(att[0, :, DIM:].reshape(-1))
    af = af.astype(jnp.bfloat16)
    onesb = (jnp.ones((H, DIM, 1)) * eye[:, None, :]).reshape(H * DIM, H).astype(jnp.bfloat16)
    Wb = W.astype(jnp.bfloat16)

    gxi, gxj = _sc_gather_x(x, idx_i, idx_j)
    oj, alpha, s_part, ss_part = _tc_edge(gxi, gxj, edge_attr, Wb, af, onesb)

    s = s_part.sum(axis=(0, 1))
    ss = ss_part.sum(axis=(0, 1))
    mean = s / E
    var = ss / E - mean * mean
    rstdg = bn_gamma / jnp.sqrt(var + 1e-5)
    params = jnp.zeros((8, H), jnp.float32)
    params = params.at[0].set(mean).at[1].set(rstdg).at[2].set(bn_beta)

    ex16 = _tc_bn_exp(alpha, params)
    den = _sc_scatter_add(ex16, idx_i, N, 16)
    dg = _sc_denom_gather(_tc_densum(den), idx_i)
    msgr = _tc_combine(oj, ex16, dg)
    agg = _sc_scatter_add(msgr, idx_i, N, 128)
    biasb = jnp.broadcast_to(bias, (8, DIM))
    return _tc_finalize(agg[0, :N], agg[1, :N], biasb)

# --- scband reference (transcript-rebuilt; emitter-appended) ---
"""Pipeline reference for scband-deep-gatgnn-66090956751316 (READ-ONLY COPY).

The authoritative reference and input builder live on the scoring server;
editing this copy changes nothing except your own understanding.
"""

import jax, jax.numpy as jnp
import numpy as np

N = 10000
E = 320000
DIM = 128
HEADS = 4


def _glorot(key, shape):
    fan_in, fan_out = shape[-2], shape[-1]
    limit = float(np.sqrt(6.0 / (fan_in + fan_out)))
    return jax.random.uniform(key, shape, dtype=jnp.float32, minval=-limit, maxval=limit)


def setup_inputs(seed: int = 0) -> dict:
    key = jax.random.key(seed)
    ks = jax.random.split(key, 6)
    x = jax.random.normal(ks[0], (N, DIM), dtype=jnp.float32)
    edge_index = jax.random.randint(ks[1], (2, E), 0, N, dtype=jnp.int32)
    edge_attr = jax.random.normal(ks[2], (E, DIM), dtype=jnp.float32)
    W = _glorot(ks[3], (2 * DIM, HEADS * DIM))
    att = _glorot(ks[4], (1, HEADS, 2 * DIM))
    bias = jnp.zeros((DIM,), dtype=jnp.float32)
    bn_gamma = jnp.ones((HEADS,), dtype=jnp.float32)
    bn_beta = jnp.zeros((HEADS,), dtype=jnp.float32)
    return {"x": x, "edge_index": edge_index, "edge_attr": edge_attr,
            "W": W, "att": att, "bias": bias,
            "bn_gamma": bn_gamma, "bn_beta": bn_beta}


def _batchnorm1d(a, gamma, beta, eps=1e-5):
    # training-mode batch norm over the edge dimension (biased variance)
    mean = a.mean(axis=0)
    var = a.var(axis=0)
    return (a - mean) / jnp.sqrt(var + eps) * gamma + beta


def _segment_softmax(alpha, seg, num_segments):
    m = jax.ops.segment_max(alpha, seg, num_segments=num_segments)
    m = jnp.where(jnp.isfinite(m), m, 0.0)
    ex = jnp.exp(alpha - m[seg])
    denom = jax.ops.segment_sum(ex, seg, num_segments=num_segments)
    return ex / (denom[seg] + 1e-16)


def reference(x, edge_index, edge_attr, W, att, bias, bn_gamma, bn_beta):
    sp = jax.nn.softplus
    # flow='target_to_source': edge_index[0] is i (aggregation index), edge_index[1] is j
    idx_i = edge_index[0]
    idx_j = edge_index[1]
    x_i = x[idx_i]
    x_j = x[idx_j]
    out_i = sp(jnp.concatenate([x_i, edge_attr], axis=-1) @ W).reshape(-1, HEADS, DIM)
    out_j = sp(jnp.concatenate([x_j, edge_attr], axis=-1) @ W).reshape(-1, HEADS, DIM)
    alpha = sp((jnp.concatenate([out_i, out_j], axis=-1) * att).sum(axis=-1))  # [E, HEADS]
    alpha = sp(_batchnorm1d(alpha, bn_gamma, bn_beta))
    alpha = _segment_softmax(alpha, idx_i, N)
    # dropout_rate = 0.0 -> identity
    msg = out_j * alpha[:, :, None]  # [E, HEADS, DIM]
    aggr = jax.ops.segment_sum(msg, idx_i, num_segments=N)  # [N, HEADS, DIM]
    out = aggr.mean(axis=1) + bias  # update: mean over heads + bias
    return out

if __name__ == "__main__":
    import jax
    _d = setup_inputs()
    print(jax.jit(kernel)(*tuple(_d.values())))

</pallas_src>

<mosaic_0001>
#map = affine_map<(d0, d1) -> (0, 0)>
#map1 = affine_map<(d0, d1) -> (0)>
#map2 = affine_map<(d0, d1) -> (0, 0, 0)>
module attributes {stable_mosaic.version = 14 : i64} {
  func.func @k(%arg0: i32, %arg1: i32, %arg2: memref<320000x16xf32, #tpu.memory_space<hbm>>, %arg3: memref<320000xi32, #tpu.memory_space<hbm>>, %arg4: memref<632x16xf32, #tpu.memory_space<hbm>>, %arg5: memref<2x10112x16xf32, #tpu.memory_space<hbm>>, %arg6: memref<128xi32, #tpu.memory_space<vmem>>, %arg7: memref<128xi32, #tpu.memory_space<vmem>>, %arg8: memref<128x16xf32, #tpu.memory_space<vmem>>, %arg9: memref<128x16xf32, #tpu.memory_space<vmem>>, %arg10: memref<10112x16xf32, #tpu.memory_space<vmem_shared>>, %arg11: memref<!tpu.dma_semaphore, #tpu.memory_space<semaphore_mem>>, %arg12: memref<!tpu.dma_semaphore, #tpu.memory_space<semaphore_mem>>, %arg13: memref<!tpu.dma_semaphore, #tpu.memory_space<semaphore_mem>>, %arg14: memref<!tpu.dma_semaphore, #tpu.memory_space<semaphore_mem>>, %arg15: memref<!tpu.dma_semaphore, #tpu.memory_space<semaphore_mem>>, %arg16: memref<!tpu.dma_semaphore, #tpu.memory_space<semaphore_mem>>) attributes {dimension_semantics = [#tpu.dimension_semantics<core_parallel>, #tpu.dimension_semantics<subcore_parallel>], iteration_bounds = array<i64: 2, 16>, scalar_prefetch = 0 : i64, scratch_operands = 11 : i64, tpu.core_type = #tpu.core_type<sc_vector_subcore>, window_params = [{transform_indices = #map}, {transform_indices = #map1}, {transform_indices = #map}, {transform_indices = #map2}]} {
    %mul3A = arith.constant 632 : i32
    %mul3A_0 = arith.muli %arg1, %mul3A : i32
    "tpu.region"() ({
      %run_scoped3A = tpu.sem_alloc : memref<!tpu.dma_semaphore, #tpu.memory_space<semaphore_mem>>
      %dma_start3A = arith.constant 0 : i32
      %dma_start3A_18 = tpu.memref_slice %arg10[%mul3A_0, %dma_start3A] : memref<10112x16xf32, #tpu.memory_space<vmem_shared>> -> memref<632x16xf32, #tpu.memory_space<vmem_shared>>
      tpu.enqueue_dma source(%arg4 : memref<632x16xf32, #tpu.memory_space<hbm>>) target(%dma_start3A_18 : memref<632x16xf32, #tpu.memory_space<vmem_shared>>) target_semaphore(%run_scoped3A : memref<!tpu.dma_semaphore, #tpu.memory_space<semaphore_mem>>)
      %dma_wait3A = arith.constant 0 : i32
      %dma_wait3A_19 = tpu.memref_slice %arg10[%mul3A_0, %dma_wait3A] : memref<10112x16xf32, #tpu.memory_space<vmem_shared>> -> memref<632x16xf32, #tpu.memory_space<vmem_shared>>
      tpu.wait_dma2 semaphore(%run_scoped3A : memref<!tpu.dma_semaphore, #tpu.memory_space<semaphore_mem>>) src(%arg4 : memref<632x16xf32, #tpu.memory_space<hbm>>) dst(%dma_wait3A_19 : memref<632x16xf32, #tpu.memory_space<vmem_shared>>)
      tpu.yield
    }) : () -> ()
    %barrier3A = arith.constant 0 : index
    tpu.barrier barrier_id(%barrier3A)
    %add3A = arith.constant 0 : i32
    %add3A_1 = arith.addi %arg1, %add3A : i32
    %lt3A = arith.constant 1250 : i32
    %lt3A_2 = arith.cmpi slt, %add3A_1, %lt3A : i32
    %convert_element_type3A = arith.extui %lt3A_2 : i1 to i32
    %cond3A = arith.constant 0 : i32
    %cond3A_3 = arith.cmpi ne, %convert_element_type3A, %cond3A : i32
    scf.if %cond3A_3 {
      %mul3A_18 = arith.constant 1250 : i32
      %mul3A_19 = arith.muli %arg0, %mul3A_18 : i32
      %add3A_20 = arith.addi %mul3A_19, %arg1 : i32
      %add3A_21 = arith.constant 0 : i32
      %add3A_22 = arith.addi %add3A_20, %add3A_21 : i32
      %mul3A_23 = arith.constant 128 : i32
      %mul3A_24 = arith.muli %add3A_22, %mul3A_23 : i32
      %dma_start3A = tpu.memref_slice %arg3[%mul3A_24] : memref<320000xi32, #tpu.memory_space<hbm>> -> memref<128xi32, #tpu.memory_space<hbm>>
      %dma_start3A_25 = tpu.memref_slice %arg3[%mul3A_24] : memref<320000xi32, #tpu.memory_space<hbm>> -> memref<128xi32, #tpu.memory_space<hbm>>
      tpu.enqueue_dma source(%dma_start3A_25 : memref<128xi32, #tpu.memory_space<hbm>>) target(%arg6 : memref<128xi32, #tpu.memory_space<vmem>>) target_semaphore(%arg11 : memref<!tpu.dma_semaphore, #tpu.memory_space<semaphore_mem>>)
      %dma_start3A_26 = arith.constant 0 : i32
      %dma_start3A_27 = tpu.memref_slice %arg2[%mul3A_24, %dma_start3A_26] : memref<320000x16xf32, #tpu.memory_space<hbm>> -> memref<128x16xf32, #tpu.memory_space<hbm>>
      %dma_start3A_28 = arith.constant 0 : i32
      %dma_start3A_29 = tpu.memref_slice %arg2[%mul3A_24, %dma_start3A_28] : memref<320000x16xf32, #tpu.memory_space<hbm>> -> memref<128x16xf32, #tpu.memory_space<hbm>>
      tpu.enqueue_dma source(%dma_start3A_29 : memref<128x16xf32, #tpu.memory_space<hbm>>) target(%arg8 : memref<128x16xf32, #tpu.memory_space<vmem>>) target_semaphore(%arg13 : memref<!tpu.dma_semaphore, #tpu.memory_space<semaphore_mem>>)
    } else {
    }
    %add3A_4 = arith.constant 16 : i32
    %add3A_5 = arith.addi %arg1, %add3A_4 : i32
    %lt3A_6 = arith.constant 1250 : i32
    %lt3A_7 = arith.cmpi slt, %add3A_5, %lt3A_6 : i32
    %convert_element_type3A_8 = arith.extui %lt3A_7 : i1 to i32
    %cond3A_9 = arith.constant 0 : i32
    %cond3A_10 = arith.cmpi ne, %convert_element_type3A_8, %cond3A_9 : i32
    scf.if %cond3A_10 {
      %mul3A_18 = arith.constant 1250 : i32
      %mul3A_19 = arith.muli %arg0, %mul3A_18 : i32
      %add3A_20 = arith.addi %mul3A_19, %arg1 : i32
      %add3A_21 = arith.constant 16 : i32
      %add3A_22 = arith.addi %add3A_20, %add3A_21 : i32
      %mul3A_23 = arith.constant 128 : i32
      %mul3A_24 = arith.muli %add3A_22, %mul3A_23 : i32
      %dma_start3A = tpu.memref_slice %arg3[%mul3A_24] : memref<320000xi32, #tpu.memory_space<hbm>> -> memref<128xi32, #tpu.memory_space<hbm>>
      %dma_start3A_25 = tpu.memref_slice %arg3[%mul3A_24] : memref<320000xi32, #tpu.memory_space<hbm>> -> memref<128xi32, #tpu.memory_space<hbm>>
      tpu.enqueue_dma source(%dma_start3A_25 : memref<128xi32, #tpu.memory_space<hbm>>) target(%arg7 : memref<128xi32, #tpu.memory_space<vmem>>) target_semaphore(%arg12 : memref<!tpu.dma_semaphore, #tpu.memory_space<semaphore_mem>>)
      %dma_start3A_26 = arith.constant 0 : i32
      %dma_start3A_27 = tpu.memref_slice %arg2[%mul3A_24, %dma_start3A_26] : memref<320000x16xf32, #tpu.memory_space<hbm>> -> memref<128x16xf32, #tpu.memory_space<hbm>>
      %dma_start3A_28 = arith.constant 0 : i32
      %dma_start3A_29 = tpu.memref_slice %arg2[%mul3A_24, %dma_start3A_28] : memref<320000x16xf32, #tpu.memory_space<hbm>> -> memref<128x16xf32, #tpu.memory_space<hbm>>
      tpu.enqueue_dma source(%dma_start3A_29 : memref<128x16xf32, #tpu.memory_space<hbm>>) target(%arg9 : memref<128x16xf32, #tpu.memory_space<vmem>>) target_semaphore(%arg14 : memref<!tpu.dma_semaphore, #tpu.memory_space<semaphore_mem>>)
    } else {
    }
    %scan3A = arith.constant 0 : i32
    %scan3A_11 = arith.constant 40 : i32
    %scan3A_12 = arith.addi %scan3A, %scan3A_11 : i32
    %scan3A_13 = arith.constant 1 : i32
    scf.for %scan3A_18 = %scan3A to %scan3A_12 step %scan3A_13  : i32 {
      %mul3A_19 = arith.constant 2 : i32
      %mul3A_20 = arith.muli %scan3A_18, %mul3A_19 : i32
      %add3A_21 = arith.constant 0 : i32
      %add3A_22 = arith.addi %add3A_21, %mul3A_20 : i32
      %add3A_23 = arith.constant 0 : i32
      %add3A_24 = arith.addi %add3A_22, %add3A_23 : i32
      %mul3A_25 = arith.constant 16 : i32
      %mul3A_26 = arith.muli %mul3A_25, %add3A_24 : i32
      %add3A_27 = arith.addi %arg1, %mul3A_26 : i32
      %lt3A_28 = arith.constant 1250 : i32
      %lt3A_29 = arith.cmpi slt, %add3A_27, %lt3A_28 : i32
      %convert_element_type3A_30 = arith.extui %lt3A_29 : i1 to i32
      %cond3A_31 = arith.constant 0 : i32
      %cond3A_32 = arith.cmpi ne, %convert_element_type3A_30, %cond3A_31 : i32
      scf.if %cond3A_32 {
        %mul3A_43 = arith.constant 1250 : i32
        %mul3A_44 = arith.muli %arg0, %mul3A_43 : i32
        %add3A_45 = arith.addi %mul3A_44, %arg1 : i32
        %mul3A_46 = arith.constant 16 : i32
        %mul3A_47 = arith.muli %mul3A_46, %add3A_24 : i32
        %add3A_48 = arith.addi %add3A_45, %mul3A_47 : i32
        %mul3A_49 = arith.constant 128 : i32
        %mul3A_50 = arith.muli %add3A_48, %mul3A_49 : i32
        %dma_wait3A = tpu.memref_slice %arg3[%mul3A_50] : memref<320000xi32, #tpu.memory_space<hbm>> -> memref<128xi32, #tpu.memory_space<hbm>>
        %dma_wait3A_51 = tpu.memref_slice %arg3[%mul3A_50] : memref<320000xi32, #tpu.memory_space<hbm>> -> memref<128xi32, #tpu.memory_space<hbm>>
        tpu.wait_dma2 semaphore(%arg11 : memref<!tpu.dma_semaphore, #tpu.memory_space<semaphore_mem>>) src(%dma_wait3A_51 : memref<128xi32, #tpu.memory_space<hbm>>) dst(%arg6 : memref<128xi32, #tpu.memory_space<vmem>>)
        %dma_wait3A_52 = arith.constant 0 : i32
        %dma_wait3A_53 = tpu.memref_slice %arg2[%mul3A_50, %dma_wait3A_52] : memref<320000x16xf32, #tpu.memory_space<hbm>> -> memref<128x16xf32, #tpu.memory_space<hbm>>
        %dma_wait3A_54 = arith.constant 0 : i32
        %dma_wait3A_55 = tpu.memref_slice %arg2[%mul3A_50, %dma_wait3A_54] : memref<320000x16xf32, #tpu.memory_space<hbm>> -> memref<128x16xf32, #tpu.memory_space<hbm>>
        tpu.wait_dma2 semaphore(%arg13 : memref<!tpu.dma_semaphore, #tpu.memory_space<semaphore_mem>>) src(%dma_wait3A_55 : memref<128x16xf32, #tpu.memory_space<hbm>>) dst(%arg8 : memref<128x16xf32, #tpu.memory_space<vmem>>)
        %dma_start3A = arith.constant 0 : i32
        %dma_start3A_56 = arith.constant 0 : i32
        %dma_start3A_57 = tpu.memref_slice %arg10[%dma_start3A, %dma_start3A_56] : memref<10112x16xf32, #tpu.memory_space<vmem_shared>> -> memref<10112x16xf32, #tpu.memory_space<vmem_shared>>
        tpu.enqueue_indirect_dma source(%arg8 : memref<128x16xf32, #tpu.memory_space<vmem>>) target(%dma_start3A_57 : memref<10112x16xf32, #tpu.memory_space<vmem_shared>>) offsets(%arg6 : memref<128xi32, #tpu.memory_space<vmem>>) semaphore(%arg15 : memref<!tpu.dma_semaphore, #tpu.memory_space<semaphore_mem>>) {add = true}
        %dma_wait3A_58 = arith.constant 0 : i32
        %dma_wait3A_59 = arith.constant 0 : i32
        %dma_wait3A_60 = tpu.memref_slice %arg10[%dma_wait3A_58, %dma_wait3A_59] : memref<10112x16xf32, #tpu.memory_space<vmem_shared>> -> memref<10112x16xf32, #tpu.memory_space<vmem_shared>>
        tpu.wait_indirect_dma semaphore(%arg15 : memref<!tpu.dma_semaphore, #tpu.memory_space<semaphore_mem>>) src(%arg8 : memref<128x16xf32, #tpu.memory_space<vmem>>) dst(%dma_wait3A_60 : memref<10112x16xf32, #tpu.memory_space<vmem_shared>>)
        %add3A_61 = arith.constant 2 : i32
        %add3A_62 = arith.addi %add3A_24, %add3A_61 : i32
        %mul3A_63 = arith.constant 16 : i32
        %mul3A_64 = arith.muli %mul3A_63, %add3A_62 : i32
        %add3A_65 = arith.addi %arg1, %mul3A_64 : i32
        %lt3A_66 = arith.constant 1250 : i32
        %lt3A_67 = arith.cmpi slt, %add3A_65, %lt3A_66 : i32
        %convert_element_type3A_68 = arith.extui %lt3A_67 : i1 to i32
        %cond3A_69 = arith.constant 0 : i32
        %cond3A_70 = arith.cmpi ne, %convert_element_type3A_68, %cond3A_69 : i32
        scf.if %cond3A_70 {
          %add3A_71 = arith.constant 2 : i32
          %add3A_72 = arith.addi %add3A_24, %add3A_71 : i32
          %mul3A_73 = arith.constant 1250 : i32
          %mul3A_74 = arith.muli %arg0, %mul3A_73 : i32
          %add3A_75 = arith.addi %mul3A_74, %arg1 : i32
          %mul3A_76 = arith.constant 16 : i32
          %mul3A_77 = arith.muli %mul3A_76, %add3A_72 : i32
          %add3A_78 = arith.addi %add3A_75, %mul3A_77 : i32
          %mul3A_79 = arith.constant 128 : i32
          %mul3A_80 = arith.muli %add3A_78, %mul3A_79 : i32
          %dma_start3A_81 = tpu.memref_slice %arg3[%mul3A_80] : memref<320000xi32, #tpu.memory_space<hbm>> -> memref<128xi32, #tpu.memory_space<hbm>>
          %dma_start3A_82 = tpu.memref_slice %arg3[%mul3A_80] : memref<320000xi32, #tpu.memory_space<hbm>> -> memref<128xi32, #tpu.memory_space<hbm>>
          tpu.enqueue_dma source(%dma_start3A_82 : memref<128xi32, #tpu.memory_space<hbm>>) target(%arg6 : memref<128xi32, #tpu.memory_space<vmem>>) target_semaphore(%arg11 : memref<!tpu.dma_semaphore, #tpu.memory_space<semaphore_mem>>)
          %dma_start3A_83 = arith.constant 0 : i32
          %dma_start3A_84 = tpu.memref_slice %arg2[%mul3A_80, %dma_start3A_83] : memref<320000x16xf32, #tpu.memory_space<hbm>> -> memref<128x16xf32, #tpu.memory_space<hbm>>
          %dma_start3A_85 = arith.constant 0 : i32
          %dma_start3A_86 = tpu.memref_slice %arg2[%mul3A_80, %dma_start3A_85] : memref<320000x16xf32, #tpu.memory_space<hbm>> -> memref<128x16xf32, #tpu.memory_space<hbm>>
          tpu.enqueue_dma source(%dma_start3A_86 : memref<128x16xf32, #tpu.memory_space<hbm>>) target(%arg8 : memref<128x16xf32, #tpu.memory_space<vmem>>) target_semaphore(%arg13 : memref<!tpu.dma_semaphore, #tpu.memory_space<semaphore_mem>>)
        } else {
        }
      } else {
      }
      %add3A_33 = arith.constant 1 : i32
      %add3A_34 = arith.addi %add3A_22, %add3A_33 : i32
      %mul3A_35 = arith.constant 16 : i32
      %mul3A_36 = arith.muli %mul3A_35, %add3A_34 : i32
      %add3A_37 = arith.addi %arg1, %mul3A_36 : i32
      %lt3A_38 = arith.constant 1250 : i32
      %lt3A_39 = arith.cmpi slt, %add3A_37, %lt3A_38 : i32
      %convert_element_type3A_40 = arith.extui %lt3A_39 : i1 to i32
      %cond3A_41 = arith.constant 0 : i32
      %cond3A_42 = arith.cmpi ne, %convert_element_type3A_40, %cond3A_41 : i32
      scf.if %cond3A_42 {
        %mul3A_43 = arith.constant 1250 : i32
        %mul3A_44 = arith.muli %arg0, %mul3A_43 : i32
        %add3A_45 = arith.addi %mul3A_44, %arg1 : i32
        %mul3A_46 = arith.constant 16 : i32
        %mul3A_47 = arith.muli %mul3A_46, %add3A_34 : i32
        %add3A_48 = arith.addi %add3A_45, %mul3A_47 : i32
        %mul3A_49 = arith.constant 128 : i32
        %mul3A_50 = arith.muli %add3A_48, %mul3A_49 : i32
        %dma_wait3A = tpu.memref_slice %arg3[%mul3A_50] : memref<320000xi32, #tpu.memory_space<hbm>> -> memref<128xi32, #tpu.memory_space<hbm>>
        %dma_wait3A_51 = tpu.memref_slice %arg3[%mul3A_50] : memref<320000xi32, #tpu.memory_space<hbm>> -> memref<128xi32, #tpu.memory_space<hbm>>
        tpu.wait_dma2 semaphore(%arg12 : memref<!tpu.dma_semaphore, #tpu.memory_space<semaphore_mem>>) src(%dma_wait3A_51 : memref<128xi32, #tpu.memory_space<hbm>>) dst(%arg7 : memref<128xi32, #tpu.memory_space<vmem>>)
        %dma_wait3A_52 = arith.constant 0 : i32
        %dma_wait3A_53 = tpu.memref_slice %arg2[%mul3A_50, %dma_wait3A_52] : memref<320000x16xf32, #tpu.memory_space<hbm>> -> memref<128x16xf32, #tpu.memory_space<hbm>>
        %dma_wait3A_54 = arith.constant 0 : i32
        %dma_wait3A_55 = tpu.memref_slice %arg2[%mul3A_50, %dma_wait3A_54] : memref<320000x16xf32, #tpu.memory_space<hbm>> -> memref<128x16xf32, #tpu.memory_space<hbm>>
        tpu.wait_dma2 semaphore(%arg14 : memref<!tpu.dma_semaphore, #tpu.memory_space<semaphore_mem>>) src(%dma_wait3A_55 : memref<128x16xf32, #tpu.memory_space<hbm>>) dst(%arg9 : memref<128x16xf32, #tpu.memory_space<vmem>>)
        %dma_start3A = arith.constant 0 : i32
        %dma_start3A_56 = arith.constant 0 : i32
        %dma_start3A_57 = tpu.memref_slice %arg10[%dma_start3A, %dma_start3A_56] : memref<10112x16xf32, #tpu.memory_space<vmem_shared>> -> memref<10112x16xf32, #tpu.memory_space<vmem_shared>>
        tpu.enqueue_indirect_dma source(%arg9 : memref<128x16xf32, #tpu.memory_space<vmem>>) target(%dma_start3A_57 : memref<10112x16xf32, #tpu.memory_space<vmem_shared>>) offsets(%arg7 : memref<128xi32, #tpu.memory_space<vmem>>) semaphore(%arg16 : memref<!tpu.dma_semaphore, #tpu.memory_space<semaphore_mem>>) {add = true}
        %dma_wait3A_58 = arith.constant 0 : i32
        %dma_wait3A_59 = arith.constant 0 : i32
        %dma_wait3A_60 = tpu.memref_slice %arg10[%dma_wait3A_58, %dma_wait3A_59] : memref<10112x16xf32, #tpu.memory_space<vmem_shared>> -> memref<10112x16xf32, #tpu.memory_space<vmem_shared>>
        tpu.wait_indirect_dma semaphore(%arg16 : memref<!tpu.dma_semaphore, #tpu.memory_space<semaphore_mem>>) src(%arg9 : memref<128x16xf32, #tpu.memory_space<vmem>>) dst(%dma_wait3A_60 : memref<10112x16xf32, #tpu.memory_space<vmem_shared>>)
        %add3A_61 = arith.constant 2 : i32
        %add3A_62 = arith.addi %add3A_34, %add3A_61 : i32
        %mul3A_63 = arith.constant 16 : i32
        %mul3A_64 = arith.muli %mul3A_63, %add3A_62 : i32
        %add3A_65 = arith.addi %arg1, %mul3A_64 : i32
        %lt3A_66 = arith.constant 1250 : i32
        %lt3A_67 = arith.cmpi slt, %add3A_65, %lt3A_66 : i32
        %convert_element_type3A_68 = arith.extui %lt3A_67 : i1 to i32
        %cond3A_69 = arith.constant 0 : i32
        %cond3A_70 = arith.cmpi ne, %convert_element_type3A_68, %cond3A_69 : i32
        scf.if %cond3A_70 {
          %add3A_71 = arith.constant 2 : i32
          %add3A_72 = arith.addi %add3A_34, %add3A_71 : i32
          %mul3A_73 = arith.constant 1250 : i32
          %mul3A_74 = arith.muli %arg0, %mul3A_73 : i32
          %add3A_75 = arith.addi %mul3A_74, %arg1 : i32
          %mul3A_76 = arith.constant 16 : i32
          %mul3A_77 = arith.muli %mul3A_76, %add3A_72 : i32
          %add3A_78 = arith.addi %add3A_75, %mul3A_77 : i32
          %mul3A_79 = arith.constant 128 : i32
          %mul3A_80 = arith.muli %add3A_78, %mul3A_79 : i32
          %dma_start3A_81 = tpu.memref_slice %arg3[%mul3A_80] : memref<320000xi32, #tpu.memory_space<hbm>> -> memref<128xi32, #tpu.memory_space<hbm>>
          %dma_start3A_82 = tpu.memref_slice %arg3[%mul3A_80] : memref<320000xi32, #tpu.memory_space<hbm>> -> memref<128xi32, #tpu.memory_space<hbm>>
          tpu.enqueue_dma source(%dma_start3A_82 : memref<128xi32, #tpu.memory_space<hbm>>) target(%arg7 : memref<128xi32, #tpu.memory_space<vmem>>) target_semaphore(%arg12 : memref<!tpu.dma_semaphore, #tpu.memory_space<semaphore_mem>>)
          %dma_start3A_83 = arith.constant 0 : i32
          %dma_start3A_84 = tpu.memref_slice %arg2[%mul3A_80, %dma_start3A_83] : memref<320000x16xf32, #tpu.memory_space<hbm>> -> memref<128x16xf32, #tpu.memory_space<hbm>>
          %dma_start3A_85 = arith.constant 0 : i32
          %dma_start3A_86 = tpu.memref_slice %arg2[%mul3A_80, %dma_start3A_85] : memref<320000x16xf32, #tpu.memory_space<hbm>> -> memref<128x16xf32, #tpu.memory_space<hbm>>
          tpu.enqueue_dma source(%dma_start3A_86 : memref<128x16xf32, #tpu.memory_space<hbm>>) target(%arg9 : memref<128x16xf32, #tpu.memory_space<vmem>>) target_semaphore(%arg14 : memref<!tpu.dma_semaphore, #tpu.memory_space<semaphore_mem>>)
        } else {
        }
      } else {
      }
    }
    %scan3A_14 = arith.constant 40 : i32
    %barrier3A_15 = arith.constant 0 : index
    tpu.barrier barrier_id(%barrier3A_15)
    %mul3A_16 = arith.constant 632 : i32
    %mul3A_17 = arith.muli %arg1, %mul3A_16 : i32
    "tpu.region"() ({
      %run_scoped3A = tpu.sem_alloc : memref<!tpu.dma_semaphore, #tpu.memory_space<semaphore_mem>>
      %dma_start3A = arith.constant 0 : i32
      %dma_start3A_18 = arith.constant 0 : i32
      %dma_start3A_19 = tpu.memref_slice %arg5[%arg0, %dma_start3A, %dma_start3A_18] : memref<2x10112x16xf32, #tpu.memory_space<hbm>> -> memref<1x10112x16xf32, #tpu.memory_space<hbm>>
      %dma_start3A_20 = tpu.memref_squeeze %dma_start3A_19 : memref<1x10112x16xf32, #tpu.memory_space<hbm>> -> memref<10112x16xf32, #tpu.memory_space<hbm>>
      %dma_start3A_21 = arith.constant 0 : i32
      %dma_start3A_22 = tpu.memref_slice %dma_start3A_20[%mul3A_17, %dma_start3A_21] : memref<10112x16xf32, #tpu.memory_space<hbm>> -> memref<632x16xf32, #tpu.memory_space<hbm>>
      %dma_start3A_23 = arith.constant 0 : i32
      %dma_start3A_24 = tpu.memref_slice %arg10[%mul3A_17, %dma_start3A_23] : memref<10112x16xf32, #tpu.memory_space<vmem_shared>> -> memref<632x16xf32, #tpu.memory_space<vmem_shared>>
      tpu.enqueue_dma source(%dma_start3A_24 : memref<632x16xf32, #tpu.memory_space<vmem_shared>>) target(%dma_start3A_22 : memref<632x16xf32, #tpu.memory_space<hbm>>) target_semaphore(%run_scoped3A : memref<!tpu.dma_semaphore, #tpu.memory_space<semaphore_mem>>)
      %dma_wait3A = arith.constant 0 : i32
      %dma_wait3A_25 = arith.constant 0 : i32
      %dma_wait3A_26 = tpu.memref_slice %arg5[%arg0, %dma_wait3A, %dma_wait3A_25] : memref<2x10112x16xf32, #tpu.memory_space<hbm>> -> memref<1x10112x16xf32, #tpu.memory_space<hbm>>
      %dma_wait3A_27 = tpu.memref_squeeze %dma_wait3A_26 : memref<1x10112x16xf32, #tpu.memory_space<hbm>> -> memref<10112x16xf32, #tpu.memory_space<hbm>>
      %dma_wait3A_28 = arith.constant 0 : i32
      %dma_wait3A_29 = tpu.memref_slice %dma_wait3A_27[%mul3A_17, %dma_wait3A_28] : memref<10112x16xf32, #tpu.memory_space<hbm>> -> memref<632x16xf32, #tpu.memory_space<hbm>>
      %dma_wait3A_30 = arith.constant 0 : i32
      %dma_wait3A_31 = tpu.memref_slice %arg10[%mul3A_17, %dma_wait3A_30] : memref<10112x16xf32, #tpu.memory_space<vmem_shared>> -> memref<632x16xf32, #tpu.memory_space<vmem_shared>>
      tpu.wait_dma2 semaphore(%run_scoped3A : memref<!tpu.dma_semaphore, #tpu.memory_space<semaphore_mem>>) src(%dma_wait3A_31 : memref<632x16xf32, #tpu.memory_space<vmem_shared>>) dst(%dma_wait3A_29 : memref<632x16xf32, #tpu.memory_space<hbm>>)
      tpu.yield
    }) : () -> ()
    return
  }
}

#map = affine_map<(d0, d1) -> (0, 0)>
#map1 = affine_map<(d0, d1) -> (0)>
module attributes {stable_mosaic.version = 14 : i64} {
  func.func @k(%arg0: i32, %arg1: i32, %arg2: memref<10000x128xf32, #tpu.memory_space<hbm>>, %arg3: memref<320000xi32, #tpu.memory_space<hbm>>, %arg4: memref<320000xi32, #tpu.memory_space<hbm>>, %arg5: memref<320000x128xf32, #tpu.memory_space<hbm>>, %arg6: memref<320000x128xf32, #tpu.memory_space<hbm>>, %arg7: memref<10000xi32, #tpu.memory_space<vmem>>, %arg8: memref<10000xi32, #tpu.memory_space<vmem>>, %arg9: memref<128x128xf32, #tpu.memory_space<vmem>>, %arg10: memref<128x128xf32, #tpu.memory_space<vmem>>, %arg11: memref<!tpu.dma_semaphore, #tpu.memory_space<semaphore_mem>>, %arg12: memref<!tpu.dma_semaphore, #tpu.memory_space<semaphore_mem>>, %arg13: memref<!tpu.dma_semaphore, #tpu.memory_space<semaphore_mem>>, %arg14: memref<!tpu.dma_semaphore, #tpu.memory_space<semaphore_mem>>) attributes {dimension_semantics = [#tpu.dimension_semantics<core_parallel>, #tpu.dimension_semantics<subcore_parallel>], iteration_bounds = array<i64: 2, 16>, scalar_prefetch = 0 : i64, scratch_operands = 8 : i64, tpu.core_type = #tpu.core_type<sc_vector_subcore>, window_params = [{transform_indices = #map}, {transform_indices = #map1}, {transform_indices = #map1}, {transform_indices = #map}, {transform_indices = #map}]} {
    %mul3A = arith.constant 2 : i32
    %mul3A_0 = arith.muli %arg1, %mul3A : i32
    %add3A = arith.addi %mul3A_0, %arg0 : i32
    %mul3A_1 = arith.constant 10000 : i32
    %mul3A_2 = arith.muli %add3A, %mul3A_1 : i32
    "tpu.region"() ({
      %run_scoped3A = tpu.sem_alloc : memref<!tpu.dma_semaphore, #tpu.memory_space<semaphore_mem>>
      %dma_start3A_35 = tpu.memref_slice %arg3[%mul3A_2] : memref<320000xi32, #tpu.memory_space<hbm>> -> memref<10000xi32, #tpu.memory_space<hbm>>
      %dma_start3A_36 = tpu.memref_slice %arg3[%mul3A_2] : memref<320000xi32, #tpu.memory_space<hbm>> -> memref<10000xi32, #tpu.memory_space<hbm>>
      tpu.enqueue_dma source(%dma_start3A_36 : memref<10000xi32, #tpu.memory_space<hbm>>) target(%arg7 : memref<10000xi32, #tpu.memory_space<vmem>>) target_semaphore(%run_scoped3A : memref<!tpu.dma_semaphore, #tpu.memory_space<semaphore_mem>>)
      %dma_wait3A = tpu.memref_slice %arg3[%mul3A_2] : memref<320000xi32, #tpu.memory_space<hbm>> -> memref<10000xi32, #tpu.memory_space<hbm>>
      %dma_wait3A_37 = tpu.memref_slice %arg3[%mul3A_2] : memref<320000xi32, #tpu.memory_space<hbm>> -> memref<10000xi32, #tpu.memory_space<hbm>>
      tpu.wait_dma2 semaphore(%run_scoped3A : memref<!tpu.dma_semaphore, #tpu.memory_space<semaphore_mem>>) src(%dma_wait3A_37 : memref<10000xi32, #tpu.memory_space<hbm>>) dst(%arg7 : memref<10000xi32, #tpu.memory_space<vmem>>)
      tpu.yield
    }) : () -> ()
    "tpu.region"() ({
      %run_scoped3A = tpu.sem_alloc : memref<!tpu.dma_semaphore, #tpu.memory_space<semaphore_mem>>
      %dma_start3A_35 = tpu.memref_slice %arg4[%mul3A_2] : memref<320000xi32, #tpu.memory_space<hbm>> -> memref<10000xi32, #tpu.memory_space<hbm>>
      %dma_start3A_36 = tpu.memref_slice %arg4[%mul3A_2] : memref<320000xi32, #tpu.memory_space<hbm>> -> memref<10000xi32, #tpu.memory_space<hbm>>
      tpu.enqueue_dma source(%dma_start3A_36 : memref<10000xi32, #tpu.memory_space<hbm>>) target(%arg8 : memref<10000xi32, #tpu.memory_space<vmem>>) target_semaphore(%run_scoped3A : memref<!tpu.dma_semaphore, #tpu.memory_space<semaphore_mem>>)
      %dma_wait3A = tpu.memref_slice %arg4[%mul3A_2] : memref<320000xi32, #tpu.memory_space<hbm>> -> memref<10000xi32, #tpu.memory_space<hbm>>
      %dma_wait3A_37 = tpu.memref_slice %arg4[%mul3A_2] : memref<320000xi32, #tpu.memory_space<hbm>> -> memref<10000xi32, #tpu.memory_space<hbm>>
      tpu.wait_dma2 semaphore(%run_scoped3A : memref<!tpu.dma_semaphore, #tpu.memory_space<semaphore_mem>>) src(%dma_wait3A_37 : memref<10000xi32, #tpu.memory_space<hbm>>) dst(%arg8 : memref<10000xi32, #tpu.memory_space<vmem>>)
      tpu.yield
    }) : () -> ()
    %dma_start3A = arith.constant 0 : i32
    %dma_start3A_3 = tpu.memref_slice %arg7[%dma_start3A] : memref<10000xi32, #tpu.memory_space<vmem>> -> memref<128xi32, #tpu.memory_space<vmem>>
    %dma_start3A_4 = arith.constant 0 : i32
    %dma_start3A_5 = arith.constant 0 : i32
    %dma_start3A_6 = tpu.memref_slice %arg2[%dma_start3A_4, %dma_start3A_5] : memref<10000x128xf32, #tpu.memory_space<hbm>> -> memref<10000x128xf32, #tpu.memory_space<hbm>>
    tpu.enqueue_indirect_dma source(%dma_start3A_6 : memref<10000x128xf32, #tpu.memory_space<hbm>>) target(%arg9 : memref<128x128xf32, #tpu.memory_space<vmem>>) offsets(%dma_start3A_3 : memref<128xi32, #tpu.memory_space<vmem>>) semaphore(%arg11 : memref<!tpu.dma_semaphore, #tpu.memory_space<semaphore_mem>>)
    %dma_start3A_7 = arith.constant 128 : i32
    %dma_start3A_8 = tpu.memref_slice %arg7[%dma_start3A_7] : memref<10000xi32, #tpu.memory_space<vmem>> -> memref<128xi32, #tpu.memory_space<vmem>>
    %dma_start3A_9 = arith.constant 0 : i32
    %dma_start3A_10 = arith.constant 0 : i32
    %dma_start3A_11 = tpu.memref_slice %arg2[%dma_start3A_9, %dma_start3A_10] : memref<10000x128xf32, #tpu.memory_space<hbm>> -> memref<10000x128xf32, #tpu.memory_space<hbm>>
    tpu.enqueue_indirect_dma source(%dma_start3A_11 : memref<10000x128xf32, #tpu.memory_space<hbm>>) target(%arg10 : memref<128x128xf32, #tpu.memory_space<vmem>>) offsets(%dma_start3A_8 : memref<128xi32, #tpu.memory_space<vmem>>) semaphore(%arg12 : memref<!tpu.dma_semaphore, #tpu.memory_space<semaphore_mem>>)
    %scan3A = arith.constant 0 : i32
    %scan3A_12 = arith.constant 39 : i32
    %scan3A_13 = arith.addi %scan3A, %scan3A_12 : i32
    %scan3A_14 = arith.constant 1 : i32
    scf.for %scan3A_35 = %scan3A to %scan3A_13 step %scan3A_14  : i32 {
      %mul3A_36 = arith.constant 2 : i32
      %mul3A_37 = arith.muli %scan3A_35, %mul3A_36 : i32
      %add3A_38 = arith.constant 0 : i32
      %add3A_39 = arith.addi %add3A_38, %mul3A_37 : i32
      %add3A_40 = arith.constant 0 : i32
      %add3A_41 = arith.addi %add3A_39, %add3A_40 : i32
      %mul3A_42 = arith.constant 128 : i32
      %mul3A_43 = arith.muli %add3A_41, %mul3A_42 : i32
      %dma_wait3A = tpu.memref_slice %arg7[%mul3A_43] : memref<10000xi32, #tpu.memory_space<vmem>> -> memref<128xi32, #tpu.memory_space<vmem>>
      %dma_wait3A_44 = arith.constant 0 : i32
      %dma_wait3A_45 = arith.constant 0 : i32
      %dma_wait3A_46 = tpu.memref_slice %arg2[%dma_wait3A_44, %dma_wait3A_45] : memref<10000x128xf32, #tpu.memory_space<hbm>> -> memref<10000x128xf32, #tpu.memory_space<hbm>>
      tpu.wait_indirect_dma semaphore(%arg11 : memref<!tpu.dma_semaphore, #tpu.memory_space<semaphore_mem>>) src(%dma_wait3A_46 : memref<10000x128xf32, #tpu.memory_space<hbm>>) dst(%arg9 : memref<128x128xf32, #tpu.memory_space<vmem>>)
      %mul3A_47 = arith.constant 128 : i32
      %mul3A_48 = arith.muli %add3A_41, %mul3A_47 : i32
      %add3A_49 = arith.addi %mul3A_2, %mul3A_48 : i32
      %dma_start3A_50 = arith.constant 0 : i32
      %dma_start3A_51 = tpu.memref_slice %arg5[%add3A_49, %dma_start3A_50] : memref<320000x128xf32, #tpu.memory_space<hbm>> -> memref<128x128xf32, #tpu.memory_space<hbm>>
      %dma_start3A_52 = arith.constant 0 : i32
      %dma_start3A_53 = tpu.memref_slice %arg5[%add3A_49, %dma_start3A_52] : memref<320000x128xf32, #tpu.memory_space<hbm>> -> memref<128x128xf32, #tpu.memory_space<hbm>>
      tpu.enqueue_dma source(%arg9 : memref<128x128xf32, #tpu.memory_space<vmem>>) target(%dma_start3A_53 : memref<128x128xf32, #tpu.memory_space<hbm>>) target_semaphore(%arg13 : memref<!tpu.dma_semaphore, #tpu.memory_space<semaphore_mem>>)
      %mul3A_54 = arith.constant 128 : i32
      %mul3A_55 = arith.muli %add3A_41, %mul3A_54 : i32
      %add3A_56 = arith.addi %mul3A_2, %mul3A_55 : i32
      %dma_wait3A_57 = arith.constant 0 : i32
      %dma_wait3A_58 = tpu.memref_slice %arg5[%add3A_56, %dma_wait3A_57] : memref<320000x128xf32, #tpu.memory_space<hbm>> -> memref<128x128xf32, #tpu.memory_space<hbm>>
      %dma_wait3A_59 = arith.constant 0 : i32
      %dma_wait3A_60 = tpu.memref_slice %arg5[%add3A_56, %dma_wait3A_59] : memref<320000x128xf32, #tpu.memory_space<hbm>> -> memref<128x128xf32, #tpu.memory_space<hbm>>
      tpu.wait_dma2 semaphore(%arg13 : memref<!tpu.dma_semaphore, #tpu.memory_space<semaphore_mem>>) src(%arg9 : memref<128x128xf32, #tpu.memory_space<vmem>>) dst(%dma_wait3A_60 : memref<128x128xf32, #tpu.memory_space<hbm>>)
      %add3A_61 = arith.constant 2 : i32
      %add3A_62 = arith.addi %add3A_41, %add3A_61 : i32
      %lt3A = arith.constant 78 : i32
      %lt3A_63 = arith.cmpi slt, %add3A_62, %lt3A : i32
      %convert_element_type3A = arith.extui %lt3A_63 : i1 to i32
      %cond3A = arith.constant 0 : i32
      %cond3A_64 = arith.cmpi ne, %convert_element_type3A, %cond3A : i32
      scf.if %cond3A_64 {
        %add3A_94 = arith.constant 2 : i32
        %add3A_95 = arith.addi %add3A_41, %add3A_94 : i32
        %mul3A_96 = arith.constant 128 : i32
        %mul3A_97 = arith.muli %add3A_95, %mul3A_96 : i32
        %dma_start3A_98 = tpu.memref_slice %arg7[%mul3A_97] : memref<10000xi32, #tpu.memory_space<vmem>> -> memref<128xi32, #tpu.memory_space<vmem>>
        %dma_start3A_99 = arith.constant 0 : i32
        %dma_start3A_100 = arith.constant 0 : i32
        %dma_start3A_101 = tpu.memref_slice %arg2[%dma_start3A_99, %dma_start3A_100] : memref<10000x128xf32, #tpu.memory_space<hbm>> -> memref<10000x128xf32, #tpu.memory_space<hbm>>
        tpu.enqueue_indirect_dma source(%dma_start3A_101 : memref<10000x128xf32, #tpu.memory_space<hbm>>) target(%arg9 : memref<128x128xf32, #tpu.memory_space<vmem>>) offsets(%dma_start3A_98 : memref<128xi32, #tpu.memory_space<vmem>>) semaphore(%arg11 : memref<!tpu.dma_semaphore, #tpu.memory_space<semaphore_mem>>)
      } else {
      }
      %add3A_65 = arith.constant 1 : i32
      %add3A_66 = arith.addi %add3A_39, %add3A_65 : i32
      %mul3A_67 = arith.constant 128 : i32
      %mul3A_68 = arith.muli %add3A_66, %mul3A_67 : i32
      %dma_wait3A_69 = tpu.memref_slice %arg7[%mul3A_68] : memref<10000xi32, #tpu.memory_space<vmem>> -> memref<128xi32, #tpu.memory_space<vmem>>
      %dma_wait3A_70 = arith.constant 0 : i32
      %dma_wait3A_71 = arith.constant 0 : i32
      %dma_wait3A_72 = tpu.memref_slice %arg2[%dma_wait3A_70, %dma_wait3A_71] : memref<10000x128xf32, #tpu.memory_space<hbm>> -> memref<10000x128xf32, #tpu.memory_space<hbm>>
      tpu.wait_indirect_dma semaphore(%arg12 : memref<!tpu.dma_semaphore, #tpu.memory_space<semaphore_mem>>) src(%dma_wait3A_72 : memref<10000x128xf32, #tpu.memory_space<hbm>>) dst(%arg10 : memref<128x128xf32, #tpu.memory_space<vmem>>)
      %mul3A_73 = arith.constant 128 : i32
      %mul3A_74 = arith.muli %add3A_66, %mul3A_73 : i32
      %add3A_75 = arith.addi %mul3A_2, %mul3A_74 : i32
      %dma_start3A_76 = arith.constant 0 : i32
      %dma_start3A_77 = tpu.memref_slice %arg5[%add3A_75, %dma_start3A_76] : memref<320000x128xf32, #tpu.memory_space<hbm>> -> memref<128x128xf32, #tpu.memory_space<hbm>>
      %dma_start3A_78 = arith.constant 0 : i32
      %dma_start3A_79 = tpu.memref_slice %arg5[%add3A_75, %dma_start3A_78] : memref<320000x128xf32, #tpu.memory_space<hbm>> -> memref<128x128xf32, #tpu.memory_space<hbm>>
      tpu.enqueue_dma source(%arg10 : memref<128x128xf32, #tpu.memory_space<vmem>>) target(%dma_start3A_79 : memref<128x128xf32, #tpu.memory_space<hbm>>) target_semaphore(%arg14 : memref<!tpu.dma_semaphore, #tpu.memory_space<semaphore_mem>>)
      %mul3A_80 = arith.constant 128 : i32
      %mul3A_81 = arith.muli %add3A_66, %mul3A_80 : i32
      %add3A_82 = arith.addi %mul3A_2, %mul3A_81 : i32
      %dma_wait3A_83 = arith.constant 0 : i32
      %dma_wait3A_84 = tpu.memref_slice %arg5[%add3A_82, %dma_wait3A_83] : memref<320000x128xf32, #tpu.memory_space<hbm>> -> memref<128x128xf32, #tpu.memory_space<hbm>>
      %dma_wait3A_85 = arith.constant 0 : i32
      %dma_wait3A_86 = tpu.memref_slice %arg5[%add3A_82, %dma_wait3A_85] : memref<320000x128xf32, #tpu.memory_space<hbm>> -> memref<128x128xf32, #tpu.memory_space<hbm>>
      tpu.wait_dma2 semaphore(%arg14 : memref<!tpu.dma_semaphore, #tpu.memory_space<semaphore_mem>>) src(%arg10 : memref<128x128xf32, #tpu.memory_space<vmem>>) dst(%dma_wait3A_86 : memref<128x128xf32, #tpu.memory_space<hbm>>)
      %add3A_87 = arith.constant 2 : i32
      %add3A_88 = arith.addi %add3A_66, %add3A_87 : i32
      %lt3A_89 = arith.constant 78 : i32
      %lt3A_90 = arith.cmpi slt, %add3A_88, %lt3A_89 : i32
      %convert_element_type3A_91 = arith.extui %lt3A_90 : i1 to i32
      %cond3A_92 = arith.constant 0 : i32
      %cond3A_93 = arith.cmpi ne, %convert_element_type3A_91, %cond3A_92 : i32
      scf.if %cond3A_93 {
        %add3A_94 = arith.constant 2 : i32
        %add3A_95 = arith.addi %add3A_66, %add3A_94 : i32
        %mul3A_96 = arith.constant 128 : i32
        %mul3A_97 = arith.muli %add3A_95, %mul3A_96 : i32
        %dma_start3A_98 = tpu.memref_slice %arg7[%mul3A_97] : memref<10000xi32, #tpu.memory_space<vmem>> -> memref<128xi32, #tpu.memory_space<vmem>>
        %dma_start3A_99 = arith.constant 0 : i32
        %dma_start3A_100 = arith.constant 0 : i32
        %dma_start3A_101 = tpu.memref_slice %arg2[%dma_start3A_99, %dma_start3A_100] : memref<10000x128xf32, #tpu.memory_space<hbm>> -> memref<10000x128xf32, #tpu.memory_space<hbm>>
        tpu.enqueue_indirect_dma source(%dma_start3A_101 : memref<10000x128xf32, #tpu.memory_space<hbm>>) target(%arg10 : memref<128x128xf32, #tpu.memory_space<vmem>>) offsets(%dma_start3A_98 : memref<128xi32, #tpu.memory_space<vmem>>) semaphore(%arg12 : memref<!tpu.dma_semaphore, #tpu.memory_space<semaphore_mem>>)
      } else {
      }
    }
    %scan3A_15 = arith.constant 39 : i32
    "tpu.region"() ({
      %run_scoped3A = tpu.sem_alloc : memref<!tpu.dma_semaphore, #tpu.memory_space<semaphore_mem>>
      %dma_start3A_35 = arith.constant 0 : i32
      %dma_start3A_36 = arith.constant 0 : i32
      %dma_start3A_37 = tpu.memref_slice %arg9[%dma_start3A_35, %dma_start3A_36] : memref<128x128xf32, #tpu.memory_space<vmem>> -> memref<16x128xf32, #tpu.memory_space<vmem>>
      %dma_start3A_38 = arith.constant 9984 : i32
      %dma_start3A_39 = tpu.memref_slice %arg7[%dma_start3A_38] : memref<10000xi32, #tpu.memory_space<vmem>> -> memref<16xi32, #tpu.memory_space<vmem>>
      %dma_start3A_40 = arith.constant 0 : i32
      %dma_start3A_41 = arith.constant 0 : i32
      %dma_start3A_42 = tpu.memref_slice %arg2[%dma_start3A_40, %dma_start3A_41] : memref<10000x128xf32, #tpu.memory_space<hbm>> -> memref<10000x128xf32, #tpu.memory_space<hbm>>
      tpu.enqueue_indirect_dma source(%dma_start3A_42 : memref<10000x128xf32, #tpu.memory_space<hbm>>) target(%dma_start3A_37 : memref<16x128xf32, #tpu.memory_space<vmem>>) offsets(%dma_start3A_39 : memref<16xi32, #tpu.memory_space<vmem>>) semaphore(%run_scoped3A : memref<!tpu.dma_semaphore, #tpu.memory_space<semaphore_mem>>)
      %dma_wait3A = arith.constant 0 : i32
      %dma_wait3A_43 = arith.constant 0 : i32
      %dma_wait3A_44 = tpu.memref_slice %arg9[%dma_wait3A, %dma_wait3A_43] : memref<128x128xf32, #tpu.memory_space<vmem>> -> memref<16x128xf32, #tpu.memory_space<vmem>>
      %dma_wait3A_45 = arith.constant 9984 : i32
      %dma_wait3A_46 = tpu.memref_slice %arg7[%dma_wait3A_45] : memref<10000xi32, #tpu.memory_space<vmem>> -> memref<16xi32, #tpu.memory_space<vmem>>
      %dma_wait3A_47 = arith.constant 0 : i32
      %dma_wait3A_48 = arith.constant 0 : i32
      %dma_wait3A_49 = tpu.memref_slice %arg2[%dma_wait3A_47, %dma_wait3A_48] : memref<10000x128xf32, #tpu.memory_space<hbm>> -> memref<10000x128xf32, #tpu.memory_space<hbm>>
      tpu.wait_indirect_dma semaphore(%run_scoped3A : memref<!tpu.dma_semaphore, #tpu.memory_space<semaphore_mem>>) src(%dma_wait3A_49 : memref<10000x128xf32, #tpu.memory_space<hbm>>) dst(%dma_wait3A_44 : memref<16x128xf32, #tpu.memory_space<vmem>>)
      tpu.yield
    }) : () -> ()
    %add3A_16 = arith.constant 9984 : i32
    %add3A_17 = arith.addi %mul3A_2, %add3A_16 : i32
    "tpu.region"() ({
      %run_scoped3A = tpu.sem_alloc : memref<!tpu.dma_semaphore, #tpu.memory_space<semaphore_mem>>
      %dma_start3A_35 = arith.constant 0 : i32
      %dma_start3A_36 = arith.constant 0 : i32
      %dma_start3A_37 = tpu.memref_slice %arg9[%dma_start3A_35, %dma_start3A_36] : memref<128x128xf32, #tpu.memory_space<vmem>> -> memref<16x128xf32, #tpu.memory_space<vmem>>
      %dma_start3A_38 = arith.constant 0 : i32
      %dma_start3A_39 = tpu.memref_slice %arg5[%add3A_17, %dma_start3A_38] : memref<320000x128xf32, #tpu.memory_space<hbm>> -> memref<16x128xf32, #tpu.memory_space<hbm>>
      %dma_start3A_40 = arith.constant 0 : i32
      %dma_start3A_41 = tpu.memref_slice %arg5[%add3A_17, %dma_start3A_40] : memref<320000x128xf32, #tpu.memory_space<hbm>> -> memref<16x128xf32, #tpu.memory_space<hbm>>
      %dma_start3A_42 = arith.constant 0 : i32
      %dma_start3A_43 = arith.constant 0 : i32
      %dma_start3A_44 = tpu.memref_slice %arg9[%dma_start3A_42, %dma_start3A_43] : memref<128x128xf32, #tpu.memory_space<vmem>> -> memref<16x128xf32, #tpu.memory_space<vmem>>
      tpu.enqueue_dma source(%dma_start3A_44 : memref<16x128xf32, #tpu.memory_space<vmem>>) target(%dma_start3A_41 : memref<16x128xf32, #tpu.memory_space<hbm>>) target_semaphore(%run_scoped3A : memref<!tpu.dma_semaphore, #tpu.memory_space<semaphore_mem>>)
      %dma_wait3A = arith.constant 0 : i32
      %dma_wait3A_45 = arith.constant 0 : i32
      %dma_wait3A_46 = tpu.memref_slice %arg9[%dma_wait3A, %dma_wait3A_45] : memref<128x128xf32, #tpu.memory_space<vmem>> -> memref<16x128xf32, #tpu.memory_space<vmem>>
      %dma_wait3A_47 = arith.constant 0 : i32
      %dma_wait3A_48 = tpu.memref_slice %arg5[%add3A_17, %dma_wait3A_47] : memref<320000x128xf32, #tpu.memory_space<hbm>> -> memref<16x128xf32, #tpu.memory_space<hbm>>
      %dma_wait3A_49 = arith.constant 0 : i32
      %dma_wait3A_50 = tpu.memref_slice %arg5[%add3A_17, %dma_wait3A_49] : memref<320000x128xf32, #tpu.memory_space<hbm>> -> memref<16x128xf32, #tpu.memory_space<hbm>>
      %dma_wait3A_51 = arith.constant 0 : i32
      %dma_wait3A_52 = arith.constant 0 : i32
      %dma_wait3A_53 = tpu.memref_slice %arg9[%dma_wait3A_51, %dma_wait3A_52] : memref<128x128xf32, #tpu.memory_space<vmem>> -> memref<16x128xf32, #tpu.memory_space<vmem>>
      tpu.wait_dma2 semaphore(%run_scoped3A : memref<!tpu.dma_semaphore, #tpu.memory_space<semaphore_mem>>) src(%dma_wait3A_53 : memref<16x128xf32, #tpu.memory_space<vmem>>) dst(%dma_wait3A_50 : memref<16x128xf32, #tpu.memory_space<hbm>>)
      tpu.yield
    }) : () -> ()
    %dma_start3A_18 = arith.constant 0 : i32
    %dma_start3A_19 = tpu.memref_slice %arg8[%dma_start3A_18] : memref<10000xi32, #tpu.memory_space<vmem>> -> memref<128xi32, #tpu.memory_space<vmem>>
    %dma_start3A_20 = arith.constant 0 : i32
    %dma_start3A_21 = arith.constant 0 : i32
    %dma_start3A_22 = tpu.memref_slice %arg2[%dma_start3A_20, %dma_start3A_21] : memref<10000x128xf32, #tpu.memory_space<hbm>> -> memref<10000x128xf32, #tpu.memory_space<hbm>>
    tpu.enqueue_indirect_dma source(%dma_start3A_22 : memref<10000x128xf32, #tpu.memory_space<hbm>>) target(%arg9 : memref<128x128xf32, #tpu.memory_space<vmem>>) offsets(%dma_start3A_19 : memref<128xi32, #tpu.memory_space<vmem>>) semaphore(%arg11 : memref<!tpu.dma_semaphore, #tpu.memory_space<semaphore_mem>>)
    %dma_start3A_23 = arith.constant 128 : i32
    %dma_start3A_24 = tpu.memref_slice %arg8[%dma_start3A_23] : memref<10000xi32, #tpu.memory_space<vmem>> -> memref<128xi32, #tpu.memory_space<vmem>>
    %dma_start3A_25 = arith.constant 0 : i32
    %dma_start3A_26 = arith.constant 0 : i32
    %dma_start3A_27 = tpu.memref_slice %arg2[%dma_start3A_25, %dma_start3A_26] : memref<10000x128xf32, #tpu.memory_space<hbm>> -> memref<10000x128xf32, #tpu.memory_space<hbm>>
    tpu.enqueue_indirect_dma source(%dma_start3A_27 : memref<10000x128xf32, #tpu.memory_space<hbm>>) target(%arg10 : memref<128x128xf32, #tpu.memory_space<vmem>>) offsets(%dma_start3A_24 : memref<128xi32, #tpu.memory_space<vmem>>) semaphore(%arg12 : memref<!tpu.dma_semaphore, #tpu.memory_space<semaphore_mem>>)
    %scan3A_28 = arith.constant 0 : i32
    %scan3A_29 = arith.constant 39 : i32
    %scan3A_30 = arith.addi %scan3A_28, %scan3A_29 : i32
    %scan3A_31 = arith.constant 1 : i32
    scf.for %scan3A_35 = %scan3A_28 to %scan3A_30 step %scan3A_31  : i32 {
      %mul3A_36 = arith.constant 2 : i32
      %mul3A_37 = arith.muli %scan3A_35, %mul3A_36 : i32
      %add3A_38 = arith.constant 0 : i32
      %add3A_39 = arith.addi %add3A_38, %mul3A_37 : i32
      %add3A_40 = arith.constant 0 : i32
      %add3A_41 = arith.addi %add3A_39, %add3A_40 : i32
      %mul3A_42 = arith.constant 128 : i32
      %mul3A_43 = arith.muli %add3A_41, %mul3A_42 : i32
      %dma_wait3A = tpu.memref_slice %arg8[%mul3A_43] : memref<10000xi32, #tpu.memory_space<vmem>> -> memref<128xi32, #tpu.memory_space<vmem>>
      %dma_wait3A_44 = arith.constant 0 : i32
      %dma_wait3A_45 = arith.constant 0 : i32
      %dma_wait3A_46 = tpu.memref_slice %arg2[%dma_wait3A_44, %dma_wait3A_45] : memref<10000x128xf32, #tpu.memory_space<hbm>> -> memref<10000x128xf32, #tpu.memory_space<hbm>>
      tpu.wait_indirect_dma semaphore(%arg11 : memref<!tpu.dma_semaphore, #tpu.memory_space<semaphore_mem>>) src(%dma_wait3A_46 : memref<10000x128xf32, #tpu.memory_space<hbm>>) dst(%arg9 : memref<128x128xf32, #tpu.memory_space<vmem>>)
      %mul3A_47 = arith.constant 128 : i32
      %mul3A_48 = arith.muli %add3A_41, %mul3A_47 : i32
      %add3A_49 = arith.addi %mul3A_2, %mul3A_48 : i32
      %dma_start3A_50 = arith.constant 0 : i32
      %dma_start3A_51 = tpu.memref_slice %arg6[%add3A_49, %dma_start3A_50] : memref<320000x128xf32, #tpu.memory_space<hbm>> -> memref<128x128xf32, #tpu.memory_space<hbm>>
      %dma_start3A_52 = arith.constant 0 : i32
      %dma_start3A_53 = tpu.memref_slice %arg6[%add3A_49, %dma_start3A_52] : memref<320000x128xf32, #tpu.memory_space<hbm>> -> memref<128x128xf32, #tpu.memory_space<hbm>>
      tpu.enqueue_dma source(%arg9 : memref<128x128xf32, #tpu.memory_space<vmem>>) target(%dma_start3A_53 : memref<128x128xf32, #tpu.memory_space<hbm>>) target_semaphore(%arg13 : memref<!tpu.dma_semaphore, #tpu.memory_space<semaphore_mem>>)
      %mul3A_54 = arith.constant 128 : i32
      %mul3A_55 = arith.muli %add3A_41, %mul3A_54 : i32
      %add3A_56 = arith.addi %mul3A_2, %mul3A_55 : i32
      %dma_wait3A_57 = arith.constant 0 : i32
      %dma_wait3A_58 = tpu.memref_slice %arg6[%add3A_56, %dma_wait3A_57] : memref<320000x128xf32, #tpu.memory_space<hbm>> -> memref<128x128xf32, #tpu.memory_space<hbm>>
      %dma_wait3A_59 = arith.constant 0 : i32
      %dma_wait3A_60 = tpu.memref_slice %arg6[%add3A_56, %dma_wait3A_59] : memref<320000x128xf32, #tpu.memory_space<hbm>> -> memref<128x128xf32, #tpu.memory_space<hbm>>
      tpu.wait_dma2 semaphore(%arg13 : memref<!tpu.dma_semaphore, #tpu.memory_space<semaphore_mem>>) src(%arg9 : memref<128x128xf32, #tpu.memory_space<vmem>>) dst(%dma_wait3A_60 : memref<128x128xf32, #tpu.memory_space<hbm>>)
      %add3A_61 = arith.constant 2 : i32
      %add3A_62 = arith.addi %add3A_41, %add3A_61 : i32
      %lt3A = arith.constant 78 : i32
      %lt3A_63 = arith.cmpi slt, %add3A_62, %lt3A : i32
      %convert_element_type3A = arith.extui %lt3A_63 : i1 to i32
      %cond3A = arith.constant 0 : i32
      %cond3A_64 = arith.cmpi ne, %convert_element_type3A, %cond3A : i32
      scf.if %cond3A_64 {
        %add3A_94 = arith.constant 2 : i32
        %add3A_95 = arith.addi %add3A_41, %add3A_94 : i32
        %mul3A_96 = arith.constant 128 : i32
        %mul3A_97 = arith.muli %add3A_95, %mul3A_96 : i32
        %dma_start3A_98 = tpu.memref_slice %arg8[%mul3A_97] : memref<10000xi32, #tpu.memory_space<vmem>> -> memref<128xi32, #tpu.memory_space<vmem>>
        %dma_start3A_99 = arith.constant 0 : i32
        %dma_start3A_100 = arith.constant 0 : i32
        %dma_start3A_101 = tpu.memref_slice %arg2[%dma_start3A_99, %dma_start3A_100] : memref<10000x128xf32, #tpu.memory_space<hbm>> -> memref<10000x128xf32, #tpu.memory_space<hbm>>
        tpu.enqueue_indirect_dma source(%dma_start3A_101 : memref<10000x128xf32, #tpu.memory_space<hbm>>) target(%arg9 : memref<128x128xf32, #tpu.memory_space<vmem>>) offsets(%dma_start3A_98 : memref<128xi32, #tpu.memory_space<vmem>>) semaphore(%arg11 : memref<!tpu.dma_semaphore, #tpu.memory_space<semaphore_mem>>)
      } else {
      }
      %add3A_65 = arith.constant 1 : i32
      %add3A_66 = arith.addi %add3A_39, %add3A_65 : i32
      %mul3A_67 = arith.constant 128 : i32
      %mul3A_68 = arith.muli %add3A_66, %mul3A_67 : i32
      %dma_wait3A_69 = tpu.memref_slice %arg8[%mul3A_68] : memref<10000xi32, #tpu.memory_space<vmem>> -> memref<128xi32, #tpu.memory_space<vmem>>
      %dma_wait3A_70 = arith.constant 0 : i32
      %dma_wait3A_71 = arith.constant 0 : i32
      %dma_wait3A_72 = tpu.memref_slice %arg2[%dma_wait3A_70, %dma_wait3A_71] : memref<10000x128xf32, #tpu.memory_space<hbm>> -> memref<10000x128xf32, #tpu.memory_space<hbm>>
      tpu.wait_indirect_dma semaphore(%arg12 : memref<!tpu.dma_semaphore, #tpu.memory_space<semaphore_mem>>) src(%dma_wait3A_72 : memref<10000x128xf32, #tpu.memory_space<hbm>>) dst(%arg10 : memref<128x128xf32, #tpu.memory_space<vmem>>)
      %mul3A_73 = arith.constant 128 : i32
      %mul3A_74 = arith.muli %add3A_66, %mul3A_73 : i32
      %add3A_75 = arith.addi %mul3A_2, %mul3A_74 : i32
      %dma_start3A_76 = arith.constant 0 : i32
      %dma_start3A_77 = tpu.memref_slice %arg6[%add3A_75, %dma_start3A_76] : memref<320000x128xf32, #tpu.memory_space<hbm>> -> memref<128x128xf32, #tpu.memory_space<hbm>>
      %dma_start3A_78 = arith.constant 0 : i32
      %dma_start3A_79 = tpu.memref_slice %arg6[%add3A_75, %dma_start3A_78] : memref<320000x128xf32, #tpu.memory_space<hbm>> -> memref<128x128xf32, #tpu.memory_space<hbm>>
      tpu.enqueue_dma source(%arg10 : memref<128x128xf32, #tpu.memory_space<vmem>>) target(%dma_start3A_79 : memref<128x128xf32, #tpu.memory_space<hbm>>) target_semaphore(%arg14 : memref<!tpu.dma_semaphore, #tpu.memory_space<semaphore_mem>>)
      %mul3A_80 = arith.constant 128 : i32
      %mul3A_81 = arith.muli %add3A_66, %mul3A_80 : i32
      %add3A_82 = arith.addi %mul3A_2, %mul3A_81 : i32
      %dma_wait3A_83 = arith.constant 0 : i32
      %dma_wait3A_84 = tpu.memref_slice %arg6[%add3A_82, %dma_wait3A_83] : memref<320000x128xf32, #tpu.memory_space<hbm>> -> memref<128x128xf32, #tpu.memory_space<hbm>>
      %dma_wait3A_85 = arith.constant 0 : i32
      %dma_wait3A_86 = tpu.memref_slice %arg6[%add3A_82, %dma_wait3A_85] : memref<320000x128xf32, #tpu.memory_space<hbm>> -> memref<128x128xf32, #tpu.memory_space<hbm>>
      tpu.wait_dma2 semaphore(%arg14 : memref<!tpu.dma_semaphore, #tpu.memory_space<semaphore_mem>>) src(%arg10 : memref<128x128xf32, #tpu.memory_space<vmem>>) dst(%dma_wait3A_86 : memref<128x128xf32, #tpu.memory_space<hbm>>)
      %add3A_87 = arith.constant 2 : i32
      %add3A_88 = arith.addi %add3A_66, %add3A_87 : i32
      %lt3A_89 = arith.constant 78 : i32
      %lt3A_90 = arith.cmpi slt, %add3A_88, %lt3A_89 : i32
      %convert_element_type3A_91 = arith.extui %lt3A_90 : i1 to i32
      %cond3A_92 = arith.constant 0 : i32
      %cond3A_93 = arith.cmpi ne, %convert_element_type3A_91, %cond3A_92 : i32
      scf.if %cond3A_93 {
        %add3A_94 = arith.constant 2 : i32
        %add3A_95 = arith.addi %add3A_66, %add3A_94 : i32
        %mul3A_96 = arith.constant 128 : i32
        %mul3A_97 = arith.muli %add3A_95, %mul3A_96 : i32
        %dma_start3A_98 = tpu.memref_slice %arg8[%mul3A_97] : memref<10000xi32, #tpu.memory_space<vmem>> -> memref<128xi32, #tpu.memory_space<vmem>>
        %dma_start3A_99 = arith.constant 0 : i32
        %dma_start3A_100 = arith.constant 0 : i32
        %dma_start3A_101 = tpu.memref_slice %arg2[%dma_start3A_99, %dma_start3A_100] : memref<10000x128xf32, #tpu.memory_space<hbm>> -> memref<10000x128xf32, #tpu.memory_space<hbm>>
        tpu.enqueue_indirect_dma source(%dma_start3A_101 : memref<10000x128xf32, #tpu.memory_space<hbm>>) target(%arg10 : memref<128x128xf32, #tpu.memory_space<vmem>>) offsets(%dma_start3A_98 : memref<128xi32, #tpu.memory_space<vmem>>) semaphore(%arg12 : memref<!tpu.dma_semaphore, #tpu.memory_space<semaphore_mem>>)
      } else {
      }
    }
    %scan3A_32 = arith.constant 39 : i32
    "tpu.region"() ({
      %run_scoped3A = tpu.sem_alloc : memref<!tpu.dma_semaphore, #tpu.memory_space<semaphore_mem>>
      %dma_start3A_35 = arith.constant 0 : i32
      %dma_start3A_36 = arith.constant 0 : i32
      %dma_start3A_37 = tpu.memref_slice %arg9[%dma_start3A_35, %dma_start3A_36] : memref<128x128xf32, #tpu.memory_space<vmem>> -> memref<16x128xf32, #tpu.memory_space<vmem>>
      %dma_start3A_38 = arith.constant 9984 : i32
      %dma_start3A_39 = tpu.memref_slice %arg8[%dma_start3A_38] : memref<10000xi32, #tpu.memory_space<vmem>> -> memref<16xi32, #tpu.memory_space<vmem>>
      %dma_start3A_40 = arith.constant 0 : i32
      %dma_start3A_41 = arith.constant 0 : i32
      %dma_start3A_42 = tpu.memref_slice %arg2[%dma_start3A_40, %dma_start3A_41] : memref<10000x128xf32, #tpu.memory_space<hbm>> -> memref<10000x128xf32, #tpu.memory_space<hbm>>
      tpu.enqueue_indirect_dma source(%dma_start3A_42 : memref<10000x128xf32, #tpu.memory_space<hbm>>) target(%dma_start3A_37 : memref<16x128xf32, #tpu.memory_space<vmem>>) offsets(%dma_start3A_39 : memref<16xi32, #tpu.memory_space<vmem>>) semaphore(%run_scoped3A : memref<!tpu.dma_semaphore, #tpu.memory_space<semaphore_mem>>)
      %dma_wait3A = arith.constant 0 : i32
      %dma_wait3A_43 = arith.constant 0 : i32
      %dma_wait3A_44 = tpu.memref_slice %arg9[%dma_wait3A, %dma_wait3A_43] : memref<128x128xf32, #tpu.memory_space<vmem>> -> memref<16x128xf32, #tpu.memory_space<vmem>>
      %dma_wait3A_45 = arith.constant 9984 : i32
      %dma_wait3A_46 = tpu.memref_slice %arg8[%dma_wait3A_45] : memref<10000xi32, #tpu.memory_space<vmem>> -> memref<16xi32, #tpu.memory_space<vmem>>
      %dma_wait3A_47 = arith.constant 0 : i32
      %dma_wait3A_48 = arith.constant 0 : i32
      %dma_wait3A_49 = tpu.memref_slice %arg2[%dma_wait3A_47, %dma_wait3A_48] : memref<10000x128xf32, #tpu.memory_space<hbm>> -> memref<10000x128xf32, #tpu.memory_space<hbm>>
      tpu.wait_indirect_dma semaphore(%run_scoped3A : memref<!tpu.dma_semaphore, #tpu.memory_space<semaphore_mem>>) src(%dma_wait3A_49 : memref<10000x128xf32, #tpu.memory_space<hbm>>) dst(%dma_wait3A_44 : memref<16x128xf32, #tpu.memory_space<vmem>>)
      tpu.yield
    }) : () -> ()
    %add3A_33 = arith.constant 9984 : i32
    %add3A_34 = arith.addi %mul3A_2, %add3A_33 : i32
    "tpu.region"() ({
      %run_scoped3A = tpu.sem_alloc : memref<!tpu.dma_semaphore, #tpu.memory_space<semaphore_mem>>
      %dma_start3A_35 = arith.constant 0 : i32
      %dma_start3A_36 = arith.constant 0 : i32
      %dma_start3A_37 = tpu.memref_slice %arg9[%dma_start3A_35, %dma_start3A_36] : memref<128x128xf32, #tpu.memory_space<vmem>> -> memref<16x128xf32, #tpu.memory_space<vmem>>
      %dma_start3A_38 = arith.constant 0 : i32
      %dma_start3A_39 = tpu.memref_slice %arg6[%add3A_34, %dma_start3A_38] : memref<320000x128xf32, #tpu.memory_space<hbm>> -> memref<16x128xf32, #tpu.memory_space<hbm>>
      %dma_start3A_40 = arith.constant 0 : i32
      %dma_start3A_41 = tpu.memref_slice %arg6[%add3A_34, %dma_start3A_40] : memref<320000x128xf32, #tpu.memory_space<hbm>> -> memref<16x128xf32, #tpu.memory_space<hbm>>
      %dma_start3A_42 = arith.constant 0 : i32
      %dma_start3A_43 = arith.constant 0 : i32
      %dma_start3A_44 = tpu.memref_slice %arg9[%dma_start3A_42, %dma_start3A_43] : memref<128x128xf32, #tpu.memory_space<vmem>> -> memref<16x128xf32, #tpu.memory_space<vmem>>
      tpu.enqueue_dma source(%dma_start3A_44 : memref<16x128xf32, #tpu.memory_space<vmem>>) target(%dma_start3A_41 : memref<16x128xf32, #tpu.memory_space<hbm>>) target_semaphore(%run_scoped3A : memref<!tpu.dma_semaphore, #tpu.memory_space<semaphore_mem>>)
      %dma_wait3A = arith.constant 0 : i32
      %dma_wait3A_45 = arith.constant 0 : i32
      %dma_wait3A_46 = tpu.memref_slice %arg9[%dma_wait3A, %dma_wait3A_45] : memref<128x128xf32, #tpu.memory_space<vmem>> -> memref<16x128xf32, #tpu.memory_space<vmem>>
      %dma_wait3A_47 = arith.constant 0 : i32
      %dma_wait3A_48 = tpu.memref_slice %arg6[%add3A_34, %dma_wait3A_47] : memref<320000x128xf32, #tpu.memory_space<hbm>> -> memref<16x128xf32, #tpu.memory_space<hbm>>
      %dma_wait3A_49 = arith.constant 0 : i32
      %dma_wait3A_50 = tpu.memref_slice %arg6[%add3A_34, %dma_wait3A_49] : memref<320000x128xf32, #tpu.memory_space<hbm>> -> memref<16x128xf32, #tpu.memory_space<hbm>>
      %dma_wait3A_51 = arith.constant 0 : i32
      %dma_wait3A_52 = arith.constant 0 : i32
      %dma_wait3A_53 = tpu.memref_slice %arg9[%dma_wait3A_51, %dma_wait3A_52] : memref<128x128xf32, #tpu.memory_space<vmem>> -> memref<16x128xf32, #tpu.memory_space<vmem>>
      tpu.wait_dma2 semaphore(%run_scoped3A : memref<!tpu.dma_semaphore, #tpu.memory_space<semaphore_mem>>) src(%dma_wait3A_53 : memref<16x128xf32, #tpu.memory_space<vmem>>) dst(%dma_wait3A_50 : memref<16x128xf32, #tpu.memory_space<hbm>>)
      tpu.yield
    }) : () -> ()
    return
  }
}

#map = affine_map<(d0, d1) -> (0, 0)>
#map1 = affine_map<(d0, d1) -> (0)>
module attributes {stable_mosaic.version = 14 : i64} {
  func.func @k(%arg0: i32, %arg1: i32, %arg2: memref<10112x16xf32, #tpu.memory_space<hbm>>, %arg3: memref<320000xi32, #tpu.memory_space<hbm>>, %arg4: memref<320000x16xf32, #tpu.memory_space<hbm>>, %arg5: memref<10000xi32, #tpu.memory_space<vmem>>, %arg6: memref<128x16xf32, #tpu.memory_space<vmem>>, %arg7: memref<128x16xf32, #tpu.memory_space<vmem>>, %arg8: memref<!tpu.dma_semaphore, #tpu.memory_space<semaphore_mem>>, %arg9: memref<!tpu.dma_semaphore, #tpu.memory_space<semaphore_mem>>, %arg10: memref<!tpu.dma_semaphore, #tpu.memory_space<semaphore_mem>>, %arg11: memref<!tpu.dma_semaphore, #tpu.memory_space<semaphore_mem>>) attributes {dimension_semantics = [#tpu.dimension_semantics<core_parallel>, #tpu.dimension_semantics<subcore_parallel>], iteration_bounds = array<i64: 2, 16>, scalar_prefetch = 0 : i64, scratch_operands = 7 : i64, tpu.core_type = #tpu.core_type<sc_vector_subcore>, window_params = [{transform_indices = #map}, {transform_indices = #map1}, {transform_indices = #map}]} {
    %mul3A = arith.constant 2 : i32
    %mul3A_0 = arith.muli %arg1, %mul3A : i32
    %add3A = arith.addi %mul3A_0, %arg0 : i32
    %mul3A_1 = arith.constant 10000 : i32
    %mul3A_2 = arith.muli %add3A, %mul3A_1 : i32
    "tpu.region"() ({
      %run_scoped3A = tpu.sem_alloc : memref<!tpu.dma_semaphore, #tpu.memory_space<semaphore_mem>>
      %dma_start3A_18 = tpu.memref_slice %arg3[%mul3A_2] : memref<320000xi32, #tpu.memory_space<hbm>> -> memref<10000xi32, #tpu.memory_space<hbm>>
      %dma_start3A_19 = tpu.memref_slice %arg3[%mul3A_2] : memref<320000xi32, #tpu.memory_space<hbm>> -> memref<10000xi32, #tpu.memory_space<hbm>>
      tpu.enqueue_dma source(%dma_start3A_19 : memref<10000xi32, #tpu.memory_space<hbm>>) target(%arg5 : memref<10000xi32, #tpu.memory_space<vmem>>) target_semaphore(%run_scoped3A : memref<!tpu.dma_semaphore, #tpu.memory_space<semaphore_mem>>)
      %dma_wait3A = tpu.memref_slice %arg3[%mul3A_2] : memref<320000xi32, #tpu.memory_space<hbm>> -> memref<10000xi32, #tpu.memory_space<hbm>>
      %dma_wait3A_20 = tpu.memref_slice %arg3[%mul3A_2] : memref<320000xi32, #tpu.memory_space<hbm>> -> memref<10000xi32, #tpu.memory_space<hbm>>
      tpu.wait_dma2 semaphore(%run_scoped3A : memref<!tpu.dma_semaphore, #tpu.memory_space<semaphore_mem>>) src(%dma_wait3A_20 : memref<10000xi32, #tpu.memory_space<hbm>>) dst(%arg5 : memref<10000xi32, #tpu.memory_space<vmem>>)
      tpu.yield
    }) : () -> ()
    %dma_start3A = arith.constant 0 : i32
    %dma_start3A_3 = tpu.memref_slice %arg5[%dma_start3A] : memref<10000xi32, #tpu.memory_space<vmem>> -> memref<128xi32, #tpu.memory_space<vmem>>
    %dma_start3A_4 = arith.constant 0 : i32
    %dma_start3A_5 = arith.constant 0 : i32
    %dma_start3A_6 = tpu.memref_slice %arg2[%dma_start3A_4, %dma_start3A_5] : memref<10112x16xf32, #tpu.memory_space<hbm>> -> memref<10112x16xf32, #tpu.memory_space<hbm>>
    tpu.enqueue_indirect_dma source(%dma_start3A_6 : memref<10112x16xf32, #tpu.memory_space<hbm>>) target(%arg6 : memref<128x16xf32, #tpu.memory_space<vmem>>) offsets(%dma_start3A_3 : memref<128xi32, #tpu.memory_space<vmem>>) semaphore(%arg8 : memref<!tpu.dma_semaphore, #tpu.memory_space<semaphore_mem>>)
    %dma_start3A_7 = arith.constant 128 : i32
    %dma_start3A_8 = tpu.memref_slice %arg5[%dma_start3A_7] : memref<10000xi32, #tpu.memory_space<vmem>> -> memref<128xi32, #tpu.memory_space<vmem>>
    %dma_start3A_9 = arith.constant 0 : i32
    %dma_start3A_10 = arith.constant 0 : i32
    %dma_start3A_11 = tpu.memref_slice %arg2[%dma_start3A_9, %dma_start3A_10] : memref<10112x16xf32, #tpu.memory_space<hbm>> -> memref<10112x16xf32, #tpu.memory_space<hbm>>
    tpu.enqueue_indirect_dma source(%dma_start3A_11 : memref<10112x16xf32, #tpu.memory_space<hbm>>) target(%arg7 : memref<128x16xf32, #tpu.memory_space<vmem>>) offsets(%dma_start3A_8 : memref<128xi32, #tpu.memory_space<vmem>>) semaphore(%arg9 : memref<!tpu.dma_semaphore, #tpu.memory_space<semaphore_mem>>)
    %scan3A = arith.constant 0 : i32
    %scan3A_12 = arith.constant 39 : i32
    %scan3A_13 = arith.addi %scan3A, %scan3A_12 : i32
    %scan3A_14 = arith.constant 1 : i32
    scf.for %scan3A_18 = %scan3A to %scan3A_13 step %scan3A_14  : i32 {
      %mul3A_19 = arith.constant 2 : i32
      %mul3A_20 = arith.muli %scan3A_18, %mul3A_19 : i32
      %add3A_21 = arith.constant 0 : i32
      %add3A_22 = arith.addi %add3A_21, %mul3A_20 : i32
      %add3A_23 = arith.constant 0 : i32
      %add3A_24 = arith.addi %add3A_22, %add3A_23 : i32
      %mul3A_25 = arith.constant 128 : i32
      %mul3A_26 = arith.muli %add3A_24, %mul3A_25 : i32
      %dma_wait3A = tpu.memref_slice %arg5[%mul3A_26] : memref<10000xi32, #tpu.memory_space<vmem>> -> memref<128xi32, #tpu.memory_space<vmem>>
      %dma_wait3A_27 = arith.constant 0 : i32
      %dma_wait3A_28 = arith.constant 0 : i32
      %dma_wait3A_29 = tpu.memref_slice %arg2[%dma_wait3A_27, %dma_wait3A_28] : memref<10112x16xf32, #tpu.memory_space<hbm>> -> memref<10112x16xf32, #tpu.memory_space<hbm>>
      tpu.wait_indirect_dma semaphore(%arg8 : memref<!tpu.dma_semaphore, #tpu.memory_space<semaphore_mem>>) src(%dma_wait3A_29 : memref<10112x16xf32, #tpu.memory_space<hbm>>) dst(%arg6 : memref<128x16xf32, #tpu.memory_space<vmem>>)
      %mul3A_30 = arith.constant 128 : i32
      %mul3A_31 = arith.muli %add3A_24, %mul3A_30 : i32
      %add3A_32 = arith.addi %mul3A_2, %mul3A_31 : i32
      %dma_start3A_33 = arith.constant 0 : i32
      %dma_start3A_34 = tpu.memref_slice %arg4[%add3A_32, %dma_start3A_33] : memref<320000x16xf32, #tpu.memory_space<hbm>> -> memref<128x16xf32, #tpu.memory_space<hbm>>
      %dma_start3A_35 = arith.constant 0 : i32
      %dma_start3A_36 = tpu.memref_slice %arg4[%add3A_32, %dma_start3A_35] : memref<320000x16xf32, #tpu.memory_space<hbm>> -> memref<128x16xf32, #tpu.memory_space<hbm>>
      tpu.enqueue_dma source(%arg6 : memref<128x16xf32, #tpu.memory_space<vmem>>) target(%dma_start3A_36 : memref<128x16xf32, #tpu.memory_space<hbm>>) target_semaphore(%arg10 : memref<!tpu.dma_semaphore, #tpu.memory_space<semaphore_mem>>)
      %mul3A_37 = arith.constant 128 : i32
      %mul3A_38 = arith.muli %add3A_24, %mul3A_37 : i32
      %add3A_39 = arith.addi %mul3A_2, %mul3A_38 : i32
      %dma_wait3A_40 = arith.constant 0 : i32
      %dma_wait3A_41 = tpu.memref_slice %arg4[%add3A_39, %dma_wait3A_40] : memref<320000x16xf32, #tpu.memory_space<hbm>> -> memref<128x16xf32, #tpu.memory_space<hbm>>
      %dma_wait3A_42 = arith.constant 0 : i32
      %dma_wait3A_43 = tpu.memref_slice %arg4[%add3A_39, %dma_wait3A_42] : memref<320000x16xf32, #tpu.memory_space<hbm>> -> memref<128x16xf32, #tpu.memory_space<hbm>>
      tpu.wait_dma2 semaphore(%arg10 : memref<!tpu.dma_semaphore, #tpu.memory_space<semaphore_mem>>) src(%arg6 : memref<128x16xf32, #tpu.memory_space<vmem>>) dst(%dma_wait3A_43 : memref<128x16xf32, #tpu.memory_space<hbm>>)
      %add3A_44 = arith.constant 2 : i32
      %add3A_45 = arith.addi %add3A_24, %add3A_44 : i32
      %lt3A = arith.constant 78 : i32
      %lt3A_46 = arith.cmpi slt, %add3A_45, %lt3A : i32
      %convert_element_type3A = arith.extui %lt3A_46 : i1 to i32
      %cond3A = arith.constant 0 : i32
      %cond3A_47 = arith.cmpi ne, %convert_element_type3A, %cond3A : i32
      scf.if %cond3A_47 {
        %add3A_77 = arith.constant 2 : i32
        %add3A_78 = arith.addi %add3A_24, %add3A_77 : i32
        %mul3A_79 = arith.constant 128 : i32
        %mul3A_80 = arith.muli %add3A_78, %mul3A_79 : i32
        %dma_start3A_81 = tpu.memref_slice %arg5[%mul3A_80] : memref<10000xi32, #tpu.memory_space<vmem>> -> memref<128xi32, #tpu.memory_space<vmem>>
        %dma_start3A_82 = arith.constant 0 : i32
        %dma_start3A_83 = arith.constant 0 : i32
        %dma_start3A_84 = tpu.memref_slice %arg2[%dma_start3A_82, %dma_start3A_83] : memref<10112x16xf32, #tpu.memory_space<hbm>> -> memref<10112x16xf32, #tpu.memory_space<hbm>>
        tpu.enqueue_indirect_dma source(%dma_start3A_84 : memref<10112x16xf32, #tpu.memory_space<hbm>>) target(%arg6 : memref<128x16xf32, #tpu.memory_space<vmem>>) offsets(%dma_start3A_81 : memref<128xi32, #tpu.memory_space<vmem>>) semaphore(%arg8 : memref<!tpu.dma_semaphore, #tpu.memory_space<semaphore_mem>>)
      } else {
      }
      %add3A_48 = arith.constant 1 : i32
      %add3A_49 = arith.addi %add3A_22, %add3A_48 : i32
      %mul3A_50 = arith.constant 128 : i32
      %mul3A_51 = arith.muli %add3A_49, %mul3A_50 : i32
      %dma_wait3A_52 = tpu.memref_slice %arg5[%mul3A_51] : memref<10000xi32, #tpu.memory_space<vmem>> -> memref<128xi32, #tpu.memory_space<vmem>>
      %dma_wait3A_53 = arith.constant 0 : i32
      %dma_wait3A_54 = arith.constant 0 : i32
      %dma_wait3A_55 = tpu.memref_slice %arg2[%dma_wait3A_53, %dma_wait3A_54] : memref<10112x16xf32, #tpu.memory_space<hbm>> -> memref<10112x16xf32, #tpu.memory_space<hbm>>
      tpu.wait_indirect_dma semaphore(%arg9 : memref<!tpu.dma_semaphore, #tpu.memory_space<semaphore_mem>>) src(%dma_wait3A_55 : memref<10112x16xf32, #tpu.memory_space<hbm>>) dst(%arg7 : memref<128x16xf32, #tpu.memory_space<vmem>>)
      %mul3A_56 = arith.constant 128 : i32
      %mul3A_57 = arith.muli %add3A_49, %mul3A_56 : i32
      %add3A_58 = arith.addi %mul3A_2, %mul3A_57 : i32
      %dma_start3A_59 = arith.constant 0 : i32
      %dma_start3A_60 = tpu.memref_slice %arg4[%add3A_58, %dma_start3A_59] : memref<320000x16xf32, #tpu.memory_space<hbm>> -> memref<128x16xf32, #tpu.memory_space<hbm>>
      %dma_start3A_61 = arith.constant 0 : i32
      %dma_start3A_62 = tpu.memref_slice %arg4[%add3A_58, %dma_start3A_61] : memref<320000x16xf32, #tpu.memory_space<hbm>> -> memref<128x16xf32, #tpu.memory_space<hbm>>
      tpu.enqueue_dma source(%arg7 : memref<128x16xf32, #tpu.memory_space<vmem>>) target(%dma_start3A_62 : memref<128x16xf32, #tpu.memory_space<hbm>>) target_semaphore(%arg11 : memref<!tpu.dma_semaphore, #tpu.memory_space<semaphore_mem>>)
      %mul3A_63 = arith.constant 128 : i32
      %mul3A_64 = arith.muli %add3A_49, %mul3A_63 : i32
      %add3A_65 = arith.addi %mul3A_2, %mul3A_64 : i32
      %dma_wait3A_66 = arith.constant 0 : i32
      %dma_wait3A_67 = tpu.memref_slice %arg4[%add3A_65, %dma_wait3A_66] : memref<320000x16xf32, #tpu.memory_space<hbm>> -> memref<128x16xf32, #tpu.memory_space<hbm>>
      %dma_wait3A_68 = arith.constant 0 : i32
      %dma_wait3A_69 = tpu.memref_slice %arg4[%add3A_65, %dma_wait3A_68] : memref<320000x16xf32, #tpu.memory_space<hbm>> -> memref<128x16xf32, #tpu.memory_space<hbm>>
      tpu.wait_dma2 semaphore(%arg11 : memref<!tpu.dma_semaphore, #tpu.memory_space<semaphore_mem>>) src(%arg7 : memref<128x16xf32, #tpu.memory_space<vmem>>) dst(%dma_wait3A_69 : memref<128x16xf32, #tpu.memory_space<hbm>>)
      %add3A_70 = arith.constant 2 : i32
      %add3A_71 = arith.addi %add3A_49, %add3A_70 : i32
      %lt3A_72 = arith.constant 78 : i32
      %lt3A_73 = arith.cmpi slt, %add3A_71, %lt3A_72 : i32
      %convert_element_type3A_74 = arith.extui %lt3A_73 : i1 to i32
      %cond3A_75 = arith.constant 0 : i32
      %cond3A_76 = arith.cmpi ne, %convert_element_type3A_74, %cond3A_75 : i32
      scf.if %cond3A_76 {
        %add3A_77 = arith.constant 2 : i32
        %add3A_78 = arith.addi %add3A_49, %add3A_77 : i32
        %mul3A_79 = arith.constant 128 : i32
        %mul3A_80 = arith.muli %add3A_78, %mul3A_79 : i32
        %dma_start3A_81 = tpu.memref_slice %arg5[%mul3A_80] : memref<10000xi32, #tpu.memory_space<vmem>> -> memref<128xi32, #tpu.memory_space<vmem>>
        %dma_start3A_82 = arith.constant 0 : i32
        %dma_start3A_83 = arith.constant 0 : i32
        %dma_start3A_84 = tpu.memref_slice %arg2[%dma_start3A_82, %dma_start3A_83] : memref<10112x16xf32, #tpu.memory_space<hbm>> -> memref<10112x16xf32, #tpu.memory_space<hbm>>
        tpu.enqueue_indirect_dma source(%dma_start3A_84 : memref<10112x16xf32, #tpu.memory_space<hbm>>) target(%arg7 : memref<128x16xf32, #tpu.memory_space<vmem>>) offsets(%dma_start3A_81 : memref<128xi32, #tpu.memory_space<vmem>>) semaphore(%arg9 : memref<!tpu.dma_semaphore, #tpu.memory_space<semaphore_mem>>)
      } else {
      }
    }
    %scan3A_15 = arith.constant 39 : i32
    "tpu.region"() ({
      %run_scoped3A = tpu.sem_alloc : memref<!tpu.dma_semaphore, #tpu.memory_space<semaphore_mem>>
      %dma_start3A_18 = arith.constant 0 : i32
      %dma_start3A_19 = arith.constant 0 : i32
      %dma_start3A_20 = tpu.memref_slice %arg6[%dma_start3A_18, %dma_start3A_19] : memref<128x16xf32, #tpu.memory_space<vmem>> -> memref<16x16xf32, #tpu.memory_space<vmem>>
      %dma_start3A_21 = arith.constant 9984 : i32
      %dma_start3A_22 = tpu.memref_slice %arg5[%dma_start3A_21] : memref<10000xi32, #tpu.memory_space<vmem>> -> memref<16xi32, #tpu.memory_space<vmem>>
      %dma_start3A_23 = arith.constant 0 : i32
      %dma_start3A_24 = arith.constant 0 : i32
      %dma_start3A_25 = tpu.memref_slice %arg2[%dma_start3A_23, %dma_start3A_24] : memref<10112x16xf32, #tpu.memory_space<hbm>> -> memref<10112x16xf32, #tpu.memory_space<hbm>>
      tpu.enqueue_indirect_dma source(%dma_start3A_25 : memref<10112x16xf32, #tpu.memory_space<hbm>>) target(%dma_start3A_20 : memref<16x16xf32, #tpu.memory_space<vmem>>) offsets(%dma_start3A_22 : memref<16xi32, #tpu.memory_space<vmem>>) semaphore(%run_scoped3A : memref<!tpu.dma_semaphore, #tpu.memory_space<semaphore_mem>>)
      %dma_wait3A = arith.constant 0 : i32
      %dma_wait3A_26 = arith.constant 0 : i32
      %dma_wait3A_27 = tpu.memref_slice %arg6[%dma_wait3A, %dma_wait3A_26] : memref<128x16xf32, #tpu.memory_space<vmem>> -> memref<16x16xf32, #tpu.memory_space<vmem>>
      %dma_wait3A_28 = arith.constant 9984 : i32
      %dma_wait3A_29 = tpu.memref_slice %arg5[%dma_wait3A_28] : memref<10000xi32, #tpu.memory_space<vmem>> -> memref<16xi32, #tpu.memory_space<vmem>>
      %dma_wait3A_30 = arith.constant 0 : i32
      %dma_wait3A_31 = arith.constant 0 : i32
      %dma_wait3A_32 = tpu.memref_slice %arg2[%dma_wait3A_30, %dma_wait3A_31] : memref<10112x16xf32, #tpu.memory_space<hbm>> -> memref<10112x16xf32, #tpu.memory_space<hbm>>
      tpu.wait_indirect_dma semaphore(%run_scoped3A : memref<!tpu.dma_semaphore, #tpu.memory_space<semaphore_mem>>) src(%dma_wait3A_32 : memref<10112x16xf32, #tpu.memory_space<hbm>>) dst(%dma_wait3A_27 : memref<16x16xf32, #tpu.memory_space<vmem>>)
      tpu.yield
    }) : () -> ()
    %add3A_16 = arith.constant 9984 : i32
    %add3A_17 = arith.addi %mul3A_2, %add3A_16 : i32
    "tpu.region"() ({
      %run_scoped3A = tpu.sem_alloc : memref<!tpu.dma_semaphore, #tpu.memory_space<semaphore_mem>>
      %dma_start3A_18 = arith.constant 0 : i32
      %dma_start3A_19 = arith.constant 0 : i32
      %dma_start3A_20 = tpu.memref_slice %arg6[%dma_start3A_18, %dma_start3A_19] : memref<128x16xf32, #tpu.memory_space<vmem>> -> memref<16x16xf32, #tpu.memory_space<vmem>>
      %dma_start3A_21 = arith.constant 0 : i32
      %dma_start3A_22 = tpu.memref_slice %arg4[%add3A_17, %dma_start3A_21] : memref<320000x16xf32, #tpu.memory_space<hbm>> -> memref<16x16xf32, #tpu.memory_space<hbm>>
      %dma_start3A_23 = arith.constant 0 : i32
      %dma_start3A_24 = tpu.memref_slice %arg4[%add3A_17, %dma_start3A_23] : memref<320000x16xf32, #tpu.memory_space<hbm>> -> memref<16x16xf32, #tpu.memory_space<hbm>>
      %dma_start3A_25 = arith.constant 0 : i32
      %dma_start3A_26 = arith.constant 0 : i32
      %dma_start3A_27 = tpu.memref_slice %arg6[%dma_start3A_25, %dma_start3A_26] : memref<128x16xf32, #tpu.memory_space<vmem>> -> memref<16x16xf32, #tpu.memory_space<vmem>>
      tpu.enqueue_dma source(%dma_start3A_27 : memref<16x16xf32, #tpu.memory_space<vmem>>) target(%dma_start3A_24 : memref<16x16xf32, #tpu.memory_space<hbm>>) target_semaphore(%run_scoped3A : memref<!tpu.dma_semaphore, #tpu.memory_space<semaphore_mem>>)
      %dma_wait3A = arith.constant 0 : i32
      %dma_wait3A_28 = arith.constant 0 : i32
      %dma_wait3A_29 = tpu.memref_slice %arg6[%dma_wait3A, %dma_wait3A_28] : memref<128x16xf32, #tpu.memory_space<vmem>> -> memref<16x16xf32, #tpu.memory_space<vmem>>
      %dma_wait3A_30 = arith.constant 0 : i32
      %dma_wait3A_31 = tpu.memref_slice %arg4[%add3A_17, %dma_wait3A_30] : memref<320000x16xf32, #tpu.memory_space<hbm>> -> memref<16x16xf32, #tpu.memory_space<hbm>>
      %dma_wait3A_32 = arith.constant 0 : i32
      %dma_wait3A_33 = tpu.memref_slice %arg4[%add3A_17, %dma_wait3A_32] : memref<320000x16xf32, #tpu.memory_space<hbm>> -> memref<16x16xf32, #tpu.memory_space<hbm>>
      %dma_wait3A_34 = arith.constant 0 : i32
      %dma_wait3A_35 = arith.constant 0 : i32
      %dma_wait3A_36 = tpu.memref_slice %arg6[%dma_wait3A_34, %dma_wait3A_35] : memref<128x16xf32, #tpu.memory_space<vmem>> -> memref<16x16xf32, #tpu.memory_space<vmem>>
      tpu.wait_dma2 semaphore(%run_scoped3A : memref<!tpu.dma_semaphore, #tpu.memory_space<semaphore_mem>>) src(%dma_wait3A_36 : memref<16x16xf32, #tpu.memory_space<vmem>>) dst(%dma_wait3A_33 : memref<16x16xf32, #tpu.memory_space<hbm>>)
      tpu.yield
    }) : () -> ()
    return
  }
}

#map = affine_map<(d0, d1) -> (0, 0)>
#map1 = affine_map<(d0, d1) -> (0)>
#map2 = affine_map<(d0, d1) -> (0, 0, 0)>
module attributes {stable_mosaic.version = 14 : i64} {
  func.func @k(%arg0: i32, %arg1: i32, %arg2: memref<320000x128xf32, #tpu.memory_space<hbm>>, %arg3: memref<320000xi32, #tpu.memory_space<hbm>>, %arg4: memref<632x128xf32, #tpu.memory_space<hbm>>, %arg5: memref<2x10112x128xf32, #tpu.memory_space<hbm>>, %arg6: memref<128xi32, #tpu.memory_space<vmem>>, %arg7: memref<128xi32, #tpu.memory_space<vmem>>, %arg8: memref<128x128xf32, #tpu.memory_space<vmem>>, %arg9: memref<128x128xf32, #tpu.memory_space<vmem>>, %arg10: memref<10112x128xf32, #tpu.memory_space<vmem_shared>>, %arg11: memref<!tpu.dma_semaphore, #tpu.memory_space<semaphore_mem>>, %arg12: memref<!tpu.dma_semaphore, #tpu.memory_space<semaphore_mem>>, %arg13: memref<!tpu.dma_semaphore, #tpu.memory_space<semaphore_mem>>, %arg14: memref<!tpu.dma_semaphore, #tpu.memory_space<semaphore_mem>>, %arg15: memref<!tpu.dma_semaphore, #tpu.memory_space<semaphore_mem>>, %arg16: memref<!tpu.dma_semaphore, #tpu.memory_space<semaphore_mem>>) attributes {dimension_semantics = [#tpu.dimension_semantics<core_parallel>, #tpu.dimension_semantics<subcore_parallel>], iteration_bounds = array<i64: 2, 16>, scalar_prefetch = 0 : i64, scratch_operands = 11 : i64, tpu.core_type = #tpu.core_type<sc_vector_subcore>, window_params = [{transform_indices = #map}, {transform_indices = #map1}, {transform_indices = #map}, {transform_indices = #map2}]} {
    %mul3A = arith.constant 632 : i32
    %mul3A_0 = arith.muli %arg1, %mul3A : i32
    "tpu.region"() ({
      %run_scoped3A = tpu.sem_alloc : memref<!tpu.dma_semaphore, #tpu.memory_space<semaphore_mem>>
      %dma_start3A = arith.constant 0 : i32
      %dma_start3A_18 = tpu.memref_slice %arg10[%mul3A_0, %dma_start3A] : memref<10112x128xf32, #tpu.memory_space<vmem_shared>> -> memref<632x128xf32, #tpu.memory_space<vmem_shared>>
      tpu.enqueue_dma source(%arg4 : memref<632x128xf32, #tpu.memory_space<hbm>>) target(%dma_start3A_18 : memref<632x128xf32, #tpu.memory_space<vmem_shared>>) target_semaphore(%run_scoped3A : memref<!tpu.dma_semaphore, #tpu.memory_space<semaphore_mem>>)
      %dma_wait3A = arith.constant 0 : i32
      %dma_wait3A_19 = tpu.memref_slice %arg10[%mul3A_0, %dma_wait3A] : memref<10112x128xf32, #tpu.memory_space<vmem_shared>> -> memref<632x128xf32, #tpu.memory_space<vmem_shared>>
      tpu.wait_dma2 semaphore(%run_scoped3A : memref<!tpu.dma_semaphore, #tpu.memory_space<semaphore_mem>>) src(%arg4 : memref<632x128xf32, #tpu.memory_space<hbm>>) dst(%dma_wait3A_19 : memref<632x128xf32, #tpu.memory_space<vmem_shared>>)
      tpu.yield
    }) : () -> ()
    %barrier3A = arith.constant 0 : index
    tpu.barrier barrier_id(%barrier3A)
    %add3A = arith.constant 0 : i32
    %add3A_1 = arith.addi %arg1, %add3A : i32
    %lt3A = arith.constant 1250 : i32
    %lt3A_2 = arith.cmpi slt, %add3A_1, %lt3A : i32
    %convert_element_type3A = arith.extui %lt3A_2 : i1 to i32
    %cond3A = arith.constant 0 : i32
    %cond3A_3 = arith.cmpi ne, %convert_element_type3A, %cond3A : i32
    scf.if %cond3A_3 {
      %mul3A_18 = arith.constant 1250 : i32
      %mul3A_19 = arith.muli %arg0, %mul3A_18 : i32
      %add3A_20 = arith.addi %mul3A_19, %arg1 : i32
      %add3A_21 = arith.constant 0 : i32
      %add3A_22 = arith.addi %add3A_20, %add3A_21 : i32
      %mul3A_23 = arith.constant 128 : i32
      %mul3A_24 = arith.muli %add3A_22, %mul3A_23 : i32
      %dma_start3A = tpu.memref_slice %arg3[%mul3A_24] : memref<320000xi32, #tpu.memory_space<hbm>> -> memref<128xi32, #tpu.memory_space<hbm>>
      %dma_start3A_25 = tpu.memref_slice %arg3[%mul3A_24] : memref<320000xi32, #tpu.memory_space<hbm>> -> memref<128xi32, #tpu.memory_space<hbm>>
      tpu.enqueue_dma source(%dma_start3A_25 : memref<128xi32, #tpu.memory_space<hbm>>) target(%arg6 : memref<128xi32, #tpu.memory_space<vmem>>) target_semaphore(%arg11 : memref<!tpu.dma_semaphore, #tpu.memory_space<semaphore_mem>>)
      %dma_start3A_26 = arith.constant 0 : i32
      %dma_start3A_27 = tpu.memref_slice %arg2[%mul3A_24, %dma_start3A_26] : memref<320000x128xf32, #tpu.memory_space<hbm>> -> memref<128x128xf32, #tpu.memory_space<hbm>>
      %dma_start3A_28 = arith.constant 0 : i32
      %dma_start3A_29 = tpu.memref_slice %arg2[%mul3A_24, %dma_start3A_28] : memref<320000x128xf32, #tpu.memory_space<hbm>> -> memref<128x128xf32, #tpu.memory_space<hbm>>
      tpu.enqueue_dma source(%dma_start3A_29 : memref<128x128xf32, #tpu.memory_space<hbm>>) target(%arg8 : memref<128x128xf32, #tpu.memory_space<vmem>>) target_semaphore(%arg13 : memref<!tpu.dma_semaphore, #tpu.memory_space<semaphore_mem>>)
    } else {
    }
    %add3A_4 = arith.constant 16 : i32
    %add3A_5 = arith.addi %arg1, %add3A_4 : i32
    %lt3A_6 = arith.constant 1250 : i32
    %lt3A_7 = arith.cmpi slt, %add3A_5, %lt3A_6 : i32
    %convert_element_type3A_8 = arith.extui %lt3A_7 : i1 to i32
    %cond3A_9 = arith.constant 0 : i32
    %cond3A_10 = arith.cmpi ne, %convert_element_type3A_8, %cond3A_9 : i32
    scf.if %cond3A_10 {
      %mul3A_18 = arith.constant 1250 : i32
      %mul3A_19 = arith.muli %arg0, %mul3A_18 : i32
      %add3A_20 = arith.addi %mul3A_19, %arg1 : i32
      %add3A_21 = arith.constant 16 : i32
      %add3A_22 = arith.addi %add3A_20, %add3A_21 : i32
      %mul3A_23 = arith.constant 128 : i32
      %mul3A_24 = arith.muli %add3A_22, %mul3A_23 : i32
      %dma_start3A = tpu.memref_slice %arg3[%mul3A_24] : memref<320000xi32, #tpu.memory_space<hbm>> -> memref<128xi32, #tpu.memory_space<hbm>>
      %dma_start3A_25 = tpu.memref_slice %arg3[%mul3A_24] : memref<320000xi32, #tpu.memory_space<hbm>> -> memref<128xi32, #tpu.memory_space<hbm>>
      tpu.enqueue_dma source(%dma_start3A_25 : memref<128xi32, #tpu.memory_space<hbm>>) target(%arg7 : memref<128xi32, #tpu.memory_space<vmem>>) target_semaphore(%arg12 : memref<!tpu.dma_semaphore, #tpu.memory_space<semaphore_mem>>)
      %dma_start3A_26 = arith.constant 0 : i32
      %dma_start3A_27 = tpu.memref_slice %arg2[%mul3A_24, %dma_start3A_26] : memref<320000x128xf32, #tpu.memory_space<hbm>> -> memref<128x128xf32, #tpu.memory_space<hbm>>
      %dma_start3A_28 = arith.constant 0 : i32
      %dma_start3A_29 = tpu.memref_slice %arg2[%mul3A_24, %dma_start3A_28] : memref<320000x128xf32, #tpu.memory_space<hbm>> -> memref<128x128xf32, #tpu.memory_space<hbm>>
      tpu.enqueue_dma source(%dma_start3A_29 : memref<128x128xf32, #tpu.memory_space<hbm>>) target(%arg9 : memref<128x128xf32, #tpu.memory_space<vmem>>) target_semaphore(%arg14 : memref<!tpu.dma_semaphore, #tpu.memory_space<semaphore_mem>>)
    } else {
    }
    %scan3A = arith.constant 0 : i32
    %scan3A_11 = arith.constant 40 : i32
    %scan3A_12 = arith.addi %scan3A, %scan3A_11 : i32
    %scan3A_13 = arith.constant 1 : i32
    scf.for %scan3A_18 = %scan3A to %scan3A_12 step %scan3A_13  : i32 {
      %mul3A_19 = arith.constant 2 : i32
      %mul3A_20 = arith.muli %scan3A_18, %mul3A_19 : i32
      %add3A_21 = arith.constant 0 : i32
      %add3A_22 = arith.addi %add3A_21, %mul3A_20 : i32
      %add3A_23 = arith.constant 0 : i32
      %add3A_24 = arith.addi %add3A_22, %add3A_23 : i32
      %mul3A_25 = arith.constant 16 : i32
      %mul3A_26 = arith.muli %mul3A_25, %add3A_24 : i32
      %add3A_27 = arith.addi %arg1, %mul3A_26 : i32
      %lt3A_28 = arith.constant 1250 : i32
      %lt3A_29 = arith.cmpi slt, %add3A_27, %lt3A_28 : i32
      %convert_element_type3A_30 = arith.extui %lt3A_29 : i1 to i32
      %cond3A_31 = arith.constant 0 : i32
      %cond3A_32 = arith.cmpi ne, %convert_element_type3A_30, %cond3A_31 : i32
      scf.if %cond3A_32 {
        %mul3A_43 = arith.constant 1250 : i32
        %mul3A_44 = arith.muli %arg0, %mul3A_43 : i32
        %add3A_45 = arith.addi %mul3A_44, %arg1 : i32
        %mul3A_46 = arith.constant 16 : i32
        %mul3A_47 = arith.muli %mul3A_46, %add3A_24 : i32
        %add3A_48 = arith.addi %add3A_45, %mul3A_47 : i32
        %mul3A_49 = arith.constant 128 : i32
        %mul3A_50 = arith.muli %add3A_48, %mul3A_49 : i32
        %dma_wait3A = tpu.memref_slice %arg3[%mul3A_50] : memref<320000xi32, #tpu.memory_space<hbm>> -> memref<128xi32, #tpu.memory_space<hbm>>
        %dma_wait3A_51 = tpu.memref_slice %arg3[%mul3A_50] : memref<320000xi32, #tpu.memory_space<hbm>> -> memref<128xi32, #tpu.memory_space<hbm>>
        tpu.wait_dma2 semaphore(%arg11 : memref<!tpu.dma_semaphore, #tpu.memory_space<semaphore_mem>>) src(%dma_wait3A_51 : memref<128xi32, #tpu.memory_space<hbm>>) dst(%arg6 : memref<128xi32, #tpu.memory_space<vmem>>)
        %dma_wait3A_52 = arith.constant 0 : i32
        %dma_wait3A_53 = tpu.memref_slice %arg2[%mul3A_50, %dma_wait3A_52] : memref<320000x128xf32, #tpu.memory_space<hbm>> -> memref<128x128xf32, #tpu.memory_space<hbm>>
        %dma_wait3A_54 = arith.constant 0 : i32
        %dma_wait3A_55 = tpu.memref_slice %arg2[%mul3A_50, %dma_wait3A_54] : memref<320000x128xf32, #tpu.memory_space<hbm>> -> memref<128x128xf32, #tpu.memory_space<hbm>>
        tpu.wait_dma2 semaphore(%arg13 : memref<!tpu.dma_semaphore, #tpu.memory_space<semaphore_mem>>) src(%dma_wait3A_55 : memref<128x128xf32, #tpu.memory_space<hbm>>) dst(%arg8 : memref<128x128xf32, #tpu.memory_space<vmem>>)
        %dma_start3A = arith.constant 0 : i32
        %dma_start3A_56 = arith.constant 0 : i32
        %dma_start3A_57 = tpu.memref_slice %arg10[%dma_start3A, %dma_start3A_56] : memref<10112x128xf32, #tpu.memory_space<vmem_shared>> -> memref<10112x128xf32, #tpu.memory_space<vmem_shared>>
        tpu.enqueue_indirect_dma source(%arg8 : memref<128x128xf32, #tpu.memory_space<vmem>>) target(%dma_start3A_57 : memref<10112x128xf32, #tpu.memory_space<vmem_shared>>) offsets(%arg6 : memref<128xi32, #tpu.memory_space<vmem>>) semaphore(%arg15 : memref<!tpu.dma_semaphore, #tpu.memory_space<semaphore_mem>>) {add = true}
        %dma_wait3A_58 = arith.constant 0 : i32
        %dma_wait3A_59 = arith.constant 0 : i32
        %dma_wait3A_60 = tpu.memref_slice %arg10[%dma_wait3A_58, %dma_wait3A_59] : memref<10112x128xf32, #tpu.memory_space<vmem_shared>> -> memref<10112x128xf32, #tpu.memory_space<vmem_shared>>
        tpu.wait_indirect_dma semaphore(%arg15 : memref<!tpu.dma_semaphore, #tpu.memory_space<semaphore_mem>>) src(%arg8 : memref<128x128xf32, #tpu.memory_space<vmem>>) dst(%dma_wait3A_60 : memref<10112x128xf32, #tpu.memory_space<vmem_shared>>)
        %add3A_61 = arith.constant 2 : i32
        %add3A_62 = arith.addi %add3A_24, %add3A_61 : i32
        %mul3A_63 = arith.constant 16 : i32
        %mul3A_64 = arith.muli %mul3A_63, %add3A_62 : i32
        %add3A_65 = arith.addi %arg1, %mul3A_64 : i32
        %lt3A_66 = arith.constant 1250 : i32
        %lt3A_67 = arith.cmpi slt, %add3A_65, %lt3A_66 : i32
        %convert_element_type3A_68 = arith.extui %lt3A_67 : i1 to i32
        %cond3A_69 = arith.constant 0 : i32
        %cond3A_70 = arith.cmpi ne, %convert_element_type3A_68, %cond3A_69 : i32
        scf.if %cond3A_70 {
          %add3A_71 = arith.constant 2 : i32
          %add3A_72 = arith.addi %add3A_24, %add3A_71 : i32
          %mul3A_73 = arith.constant 1250 : i32
          %mul3A_74 = arith.muli %arg0, %mul3A_73 : i32
          %add3A_75 = arith.addi %mul3A_74, %arg1 : i32
          %mul3A_76 = arith.constant 16 : i32
          %mul3A_77 = arith.muli %mul3A_76, %add3A_72 : i32
          %add3A_78 = arith.addi %add3A_75, %mul3A_77 : i32
          %mul3A_79 = arith.constant 128 : i32
          %mul3A_80 = arith.muli %add3A_78, %mul3A_79 : i32
          %dma_start3A_81 = tpu.memref_slice %arg3[%mul3A_80] : memref<320000xi32, #tpu.memory_space<hbm>> -> memref<128xi32, #tpu.memory_space<hbm>>
          %dma_start3A_82 = tpu.memref_slice %arg3[%mul3A_80] : memref<320000xi32, #tpu.memory_space<hbm>> -> memref<128xi32, #tpu.memory_space<hbm>>
          tpu.enqueue_dma source(%dma_start3A_82 : memref<128xi32, #tpu.memory_space<hbm>>) target(%arg6 : memref<128xi32, #tpu.memory_space<vmem>>) target_semaphore(%arg11 : memref<!tpu.dma_semaphore, #tpu.memory_space<semaphore_mem>>)
          %dma_start3A_83 = arith.constant 0 : i32
          %dma_start3A_84 = tpu.memref_slice %arg2[%mul3A_80, %dma_start3A_83] : memref<320000x128xf32, #tpu.memory_space<hbm>> -> memref<128x128xf32, #tpu.memory_space<hbm>>
          %dma_start3A_85 = arith.constant 0 : i32
          %dma_start3A_86 = tpu.memref_slice %arg2[%mul3A_80, %dma_start3A_85] : memref<320000x128xf32, #tpu.memory_space<hbm>> -> memref<128x128xf32, #tpu.memory_space<hbm>>
          tpu.enqueue_dma source(%dma_start3A_86 : memref<128x128xf32, #tpu.memory_space<hbm>>) target(%arg8 : memref<128x128xf32, #tpu.memory_space<vmem>>) target_semaphore(%arg13 : memref<!tpu.dma_semaphore, #tpu.memory_space<semaphore_mem>>)
        } else {
        }
      } else {
      }
      %add3A_33 = arith.constant 1 : i32
      %add3A_34 = arith.addi %add3A_22, %add3A_33 : i32
      %mul3A_35 = arith.constant 16 : i32
      %mul3A_36 = arith.muli %mul3A_35, %add3A_34 : i32
      %add3A_37 = arith.addi %arg1, %mul3A_36 : i32
      %lt3A_38 = arith.constant 1250 : i32
      %lt3A_39 = arith.cmpi slt, %add3A_37, %lt3A_38 : i32
      %convert_element_type3A_40 = arith.extui %lt3A_39 : i1 to i32
      %cond3A_41 = arith.constant 0 : i32
      %cond3A_42 = arith.cmpi ne, %convert_element_type3A_40, %cond3A_41 : i32
      scf.if %cond3A_42 {
        %mul3A_43 = arith.constant 1250 : i32
        %mul3A_44 = arith.muli %arg0, %mul3A_43 : i32
        %add3A_45 = arith.addi %mul3A_44, %arg1 : i32
        %mul3A_46 = arith.constant 16 : i32
        %mul3A_47 = arith.muli %mul3A_46, %add3A_34 : i32
        %add3A_48 = arith.addi %add3A_45, %mul3A_47 : i32
        %mul3A_49 = arith.constant 128 : i32
        %mul3A_50 = arith.muli %add3A_48, %mul3A_49 : i32
        %dma_wait3A = tpu.memref_slice %arg3[%mul3A_50] : memref<320000xi32, #tpu.memory_space<hbm>> -> memref<128xi32, #tpu.memory_space<hbm>>
        %dma_wait3A_51 = tpu.memref_slice %arg3[%mul3A_50] : memref<320000xi32, #tpu.memory_space<hbm>> -> memref<128xi32, #tpu.memory_space<hbm>>
        tpu.wait_dma2 semaphore(%arg12 : memref<!tpu.dma_semaphore, #tpu.memory_space<semaphore_mem>>) src(%dma_wait3A_51 : memref<128xi32, #tpu.memory_space<hbm>>) dst(%arg7 : memref<128xi32, #tpu.memory_space<vmem>>)
        %dma_wait3A_52 = arith.constant 0 : i32
        %dma_wait3A_53 = tpu.memref_slice %arg2[%mul3A_50, %dma_wait3A_52] : memref<320000x128xf32, #tpu.memory_space<hbm>> -> memref<128x128xf32, #tpu.memory_space<hbm>>
        %dma_wait3A_54 = arith.constant 0 : i32
        %dma_wait3A_55 = tpu.memref_slice %arg2[%mul3A_50, %dma_wait3A_54] : memref<320000x128xf32, #tpu.memory_space<hbm>> -> memref<128x128xf32, #tpu.memory_space<hbm>>
        tpu.wait_dma2 semaphore(%arg14 : memref<!tpu.dma_semaphore, #tpu.memory_space<semaphore_mem>>) src(%dma_wait3A_55 : memref<128x128xf32, #tpu.memory_space<hbm>>) dst(%arg9 : memref<128x128xf32, #tpu.memory_space<vmem>>)
        %dma_start3A = arith.constant 0 : i32
        %dma_start3A_56 = arith.constant 0 : i32
        %dma_start3A_57 = tpu.memref_slice %arg10[%dma_start3A, %dma_start3A_56] : memref<10112x128xf32, #tpu.memory_space<vmem_shared>> -> memref<10112x128xf32, #tpu.memory_space<vmem_shared>>
        tpu.enqueue_indirect_dma source(%arg9 : memref<128x128xf32, #tpu.memory_space<vmem>>) target(%dma_start3A_57 : memref<10112x128xf32, #tpu.memory_space<vmem_shared>>) offsets(%arg7 : memref<128xi32, #tpu.memory_space<vmem>>) semaphore(%arg16 : memref<!tpu.dma_semaphore, #tpu.memory_space<semaphore_mem>>) {add = true}
        %dma_wait3A_58 = arith.constant 0 : i32
        %dma_wait3A_59 = arith.constant 0 : i32
        %dma_wait3A_60 = tpu.memref_slice %arg10[%dma_wait3A_58, %dma_wait3A_59] : memref<10112x128xf32, #tpu.memory_space<vmem_shared>> -> memref<10112x128xf32, #tpu.memory_space<vmem_shared>>
        tpu.wait_indirect_dma semaphore(%arg16 : memref<!tpu.dma_semaphore, #tpu.memory_space<semaphore_mem>>) src(%arg9 : memref<128x128xf32, #tpu.memory_space<vmem>>) dst(%dma_wait3A_60 : memref<10112x128xf32, #tpu.memory_space<vmem_shared>>)
        %add3A_61 = arith.constant 2 : i32
        %add3A_62 = arith.addi %add3A_34, %add3A_61 : i32
        %mul3A_63 = arith.constant 16 : i32
        %mul3A_64 = arith.muli %mul3A_63, %add3A_62 : i32
        %add3A_65 = arith.addi %arg1, %mul3A_64 : i32
        %lt3A_66 = arith.constant 1250 : i32
        %lt3A_67 = arith.cmpi slt, %add3A_65, %lt3A_66 : i32
        %convert_element_type3A_68 = arith.extui %lt3A_67 : i1 to i32
        %cond3A_69 = arith.constant 0 : i32
        %cond3A_70 = arith.cmpi ne, %convert_element_type3A_68, %cond3A_69 : i32
        scf.if %cond3A_70 {
          %add3A_71 = arith.constant 2 : i32
          %add3A_72 = arith.addi %add3A_34, %add3A_71 : i32
          %mul3A_73 = arith.constant 1250 : i32
          %mul3A_74 = arith.muli %arg0, %mul3A_73 : i32
          %add3A_75 = arith.addi %mul3A_74, %arg1 : i32
          %mul3A_76 = arith.constant 16 : i32
          %mul3A_77 = arith.muli %mul3A_76, %add3A_72 : i32
          %add3A_78 = arith.addi %add3A_75, %mul3A_77 : i32
          %mul3A_79 = arith.constant 128 : i32
          %mul3A_80 = arith.muli %add3A_78, %mul3A_79 : i32
          %dma_start3A_81 = tpu.memref_slice %arg3[%mul3A_80] : memref<320000xi32, #tpu.memory_space<hbm>> -> memref<128xi32, #tpu.memory_space<hbm>>
          %dma_start3A_82 = tpu.memref_slice %arg3[%mul3A_80] : memref<320000xi32, #tpu.memory_space<hbm>> -> memref<128xi32, #tpu.memory_space<hbm>>
          tpu.enqueue_dma source(%dma_start3A_82 : memref<128xi32, #tpu.memory_space<hbm>>) target(%arg7 : memref<128xi32, #tpu.memory_space<vmem>>) target_semaphore(%arg12 : memref<!tpu.dma_semaphore, #tpu.memory_space<semaphore_mem>>)
          %dma_start3A_83 = arith.constant 0 : i32
          %dma_start3A_84 = tpu.memref_slice %arg2[%mul3A_80, %dma_start3A_83] : memref<320000x128xf32, #tpu.memory_space<hbm>> -> memref<128x128xf32, #tpu.memory_space<hbm>>
          %dma_start3A_85 = arith.constant 0 : i32
          %dma_start3A_86 = tpu.memref_slice %arg2[%mul3A_80, %dma_start3A_85] : memref<320000x128xf32, #tpu.memory_space<hbm>> -> memref<128x128xf32, #tpu.memory_space<hbm>>
          tpu.enqueue_dma source(%dma_start3A_86 : memref<128x128xf32, #tpu.memory_space<hbm>>) target(%arg9 : memref<128x128xf32, #tpu.memory_space<vmem>>) target_semaphore(%arg14 : memref<!tpu.dma_semaphore, #tpu.memory_space<semaphore_mem>>)
        } else {
        }
      } else {
      }
    }
    %scan3A_14 = arith.constant 40 : i32
    %barrier3A_15 = arith.constant 0 : index
    tpu.barrier barrier_id(%barrier3A_15)
    %mul3A_16 = arith.constant 632 : i32
    %mul3A_17 = arith.muli %arg1, %mul3A_16 : i32
    "tpu.region"() ({
      %run_scoped3A = tpu.sem_alloc : memref<!tpu.dma_semaphore, #tpu.memory_space<semaphore_mem>>
      %dma_start3A = arith.constant 0 : i32
      %dma_start3A_18 = arith.constant 0 : i32
      %dma_start3A_19 = tpu.memref_slice %arg5[%arg0, %dma_start3A, %dma_start3A_18] : memref<2x10112x128xf32, #tpu.memory_space<hbm>> -> memref<1x10112x128xf32, #tpu.memory_space<hbm>>
      %dma_start3A_20 = tpu.memref_squeeze %dma_start3A_19 : memref<1x10112x128xf32, #tpu.memory_space<hbm>> -> memref<10112x128xf32, #tpu.memory_space<hbm>>
      %dma_start3A_21 = arith.constant 0 : i32
      %dma_start3A_22 = tpu.memref_slice %dma_start3A_20[%mul3A_17, %dma_start3A_21] : memref<10112x128xf32, #tpu.memory_space<hbm>> -> memref<632x128xf32, #tpu.memory_space<hbm>>
      %dma_start3A_23 = arith.constant 0 : i32
      %dma_start3A_24 = tpu.memref_slice %arg10[%mul3A_17, %dma_start3A_23] : memref<10112x128xf32, #tpu.memory_space<vmem_shared>> -> memref<632x128xf32, #tpu.memory_space<vmem_shared>>
      tpu.enqueue_dma source(%dma_start3A_24 : memref<632x128xf32, #tpu.memory_space<vmem_shared>>) target(%dma_start3A_22 : memref<632x128xf32, #tpu.memory_space<hbm>>) target_semaphore(%run_scoped3A : memref<!tpu.dma_semaphore, #tpu.memory_space<semaphore_mem>>)
      %dma_wait3A = arith.constant 0 : i32
      %dma_wait3A_25 = arith.constant 0 : i32
      %dma_wait3A_26 = tpu.memref_slice %arg5[%arg0, %dma_wait3A, %dma_wait3A_25] : memref<2x10112x128xf32, #tpu.memory_space<hbm>> -> memref<1x10112x128xf32, #tpu.memory_space<hbm>>
      %dma_wait3A_27 = tpu.memref_squeeze %dma_wait3A_26 : memref<1x10112x128xf32, #tpu.memory_space<hbm>> -> memref<10112x128xf32, #tpu.memory_space<hbm>>
      %dma_wait3A_28 = arith.constant 0 : i32
      %dma_wait3A_29 = tpu.memref_slice %dma_wait3A_27[%mul3A_17, %dma_wait3A_28] : memref<10112x128xf32, #tpu.memory_space<hbm>> -> memref<632x128xf32, #tpu.memory_space<hbm>>
      %dma_wait3A_30 = arith.constant 0 : i32
      %dma_wait3A_31 = tpu.memref_slice %arg10[%mul3A_17, %dma_wait3A_30] : memref<10112x128xf32, #tpu.memory_space<vmem_shared>> -> memref<632x128xf32, #tpu.memory_space<vmem_shared>>
      tpu.wait_dma2 semaphore(%run_scoped3A : memref<!tpu.dma_semaphore, #tpu.memory_space<semaphore_mem>>) src(%dma_wait3A_31 : memref<632x128xf32, #tpu.memory_space<vmem_shared>>) dst(%dma_wait3A_29 : memref<632x128xf32, #tpu.memory_space<hbm>>)
      tpu.yield
    }) : () -> ()
    return
  }
}

module attributes {stable_mosaic.version = 14 : i64} {
  func.func @body(%arg0: i32, %arg1: memref<4000x128xf32, #tpu.memory_space<vmem>>, %arg2: memref<4000x128xf32, #tpu.memory_space<vmem>>, %arg3: memref<4000x128xf32, #tpu.memory_space<vmem>>, %arg4: memref<256x512xbf16, #tpu.memory_space<vmem>>, %arg5: memref<8x512xbf16, #tpu.memory_space<vmem>>, %arg6: memref<512x4xbf16, #tpu.memory_space<vmem>>, %arg7: memref<4000x512xbf16, #tpu.memory_space<vmem>>, %arg8: memref<4000x4xf32, #tpu.memory_space<vmem>>, %arg9: memref<1x1x4xf32, #tpu.memory_space<vmem>>, %arg10: memref<1x1x4xf32, #tpu.memory_space<vmem>>) attributes {dimension_semantics = [#tpu.dimension_semantics<arbitrary>], iteration_bounds = array<i64: 80>, scalar_prefetch = 0 : i64, scratch_operands = 0 : i64, tpu.core_type = #tpu.core_type<tc>, window_params = [{transform_indices = @transform_0, window_bounds = array<i64: 4000, 128>}, {transform_indices = @transform_1, window_bounds = array<i64: 4000, 128>}, {transform_indices = @transform_2, window_bounds = array<i64: 4000, 128>}, {pipeline_mode = #tpu.pipeline_mode<synchronous>, transform_indices = @transform_3, window_bounds = array<i64: 256, 512>}, {pipeline_mode = #tpu.pipeline_mode<synchronous>, transform_indices = @transform_4, window_bounds = array<i64: 8, 512>}, {pipeline_mode = #tpu.pipeline_mode<synchronous>, transform_indices = @transform_5, window_bounds = array<i64: 512, 4>}, {transform_indices = @transform_6, window_bounds = array<i64: 4000, 512>}, {transform_indices = @transform_7, window_bounds = array<i64: 4000, 4>}, {transform_indices = @transform_8, window_bounds = array<i64: 1, 1, 4>}, {transform_indices = @transform_9, window_bounds = array<i64: 1, 1, 4>}]} {
    %get3A = arith.constant 0 : index
    %get3A_0 = arith.constant 0 : index
    %get3A_1 = vector.load %arg3[%get3A, %get3A_0] : memref<4000x128xf32, #tpu.memory_space<vmem>>, vector<4000x128xf32>
    %convert_element_type3A = arith.truncf %get3A_1 : vector<4000x128xf32> to vector<4000x128xbf16>
    %get3A_2 = arith.constant 0 : index
    %get3A_3 = arith.constant 0 : index
    %get3A_4 = vector.load %arg1[%get3A_2, %get3A_3] : memref<4000x128xf32, #tpu.memory_space<vmem>>, vector<4000x128xf32>
    %convert_element_type3A_5 = arith.truncf %get3A_4 : vector<4000x128xf32> to vector<4000x128xbf16>
    %concatenate3A = tpu.concatenate %convert_element_type3A_5, %convert_element_type3A in 1 : vector<4000x128xbf16>, vector<4000x128xbf16> -> vector<4000x256xbf16>
    %get3A_6 = arith.constant 0 : index
    %get3A_7 = arith.constant 0 : index
    %get3A_8 = vector.load %arg2[%get3A_6, %get3A_7] : memref<4000x128xf32, #tpu.memory_space<vmem>>, vector<4000x128xf32>
    %convert_element_type3A_9 = arith.truncf %get3A_8 : vector<4000x128xf32> to vector<4000x128xbf16>
    %concatenate3A_10 = tpu.concatenate %convert_element_type3A_9, %convert_element_type3A in 1 : vector<4000x128xbf16>, vector<4000x128xbf16> -> vector<4000x256xbf16>
    %get3A_11 = arith.constant 0 : index
    %get3A_12 = arith.constant 0 : index
    %get3A_13 = vector.load %arg4[%get3A_11, %get3A_12] : memref<256x512xbf16, #tpu.memory_space<vmem>>, vector<256x512xbf16>
    %dot_general3A = arith.constant dense<0.000000e+00> : vector<4000x512xf32>
    %dot_general3A_14 = tpu.matmul %concatenate3A, %get3A_13, %dot_general3A {dimension_numbers = #tpu.dot_dimension_numbers<[1], [0], [0], [1], [0, 0, 1, 1], [], []>, transpose_lhs_hint = false} : vector<4000x256xbf16>, vector<256x512xbf16>, vector<4000x512xf32> -> vector<4000x512xf32>
    %convert_element_type3A_15 = arith.truncf %dot_general3A_14 : vector<4000x512xf32> to vector<4000x512xbf16>
    %dot_general3A_16 = arith.constant dense<0.000000e+00> : vector<4000x512xf32>
    %dot_general3A_17 = tpu.matmul %concatenate3A_10, %get3A_13, %dot_general3A_16 {dimension_numbers = #tpu.dot_dimension_numbers<[1], [0], [0], [1], [0, 0, 1, 1], [], []>, transpose_lhs_hint = false} : vector<4000x256xbf16>, vector<256x512xbf16>, vector<4000x512xf32> -> vector<4000x512xf32>
    %convert_element_type3A_18 = arith.truncf %dot_general3A_17 : vector<4000x512xf32> to vector<4000x512xbf16>
    %max3A = arith.constant 0.000000e+00 : bf16
    %max3A_19 = vector.broadcast %max3A : bf16 to vector<4000x512xbf16>
    %max3A_20 = arith.maximumf %convert_element_type3A_15, %max3A_19 : vector<4000x512xbf16>
    %abs3A = math.absf %convert_element_type3A_15 : vector<4000x512xbf16>
    %neg3A = arith.constant 0.000000e+00 : bf16
    %neg3A_21 = vector.broadcast %neg3A : bf16 to vector<4000x512xbf16>
    %neg3A_22 = arith.subf %neg3A_21, %abs3A : vector<4000x512xbf16>
    %exp3A = math.exp %neg3A_22 : vector<4000x512xbf16>
    %log1p3A = math.log1p %exp3A : vector<4000x512xbf16>
    %add3A = arith.addf %max3A_20, %log1p3A : vector<4000x512xbf16>
    %max3A_23 = arith.constant 0.000000e+00 : bf16
    %max3A_24 = vector.broadcast %max3A_23 : bf16 to vector<4000x512xbf16>
    %max3A_25 = arith.maximumf %convert_element_type3A_18, %max3A_24 : vector<4000x512xbf16>
    %abs3A_26 = math.absf %convert_element_type3A_18 : vector<4000x512xbf16>
    %neg3A_27 = arith.constant 0.000000e+00 : bf16
    %neg3A_28 = vector.broadcast %neg3A_27 : bf16 to vector<4000x512xbf16>
    %neg3A_29 = arith.subf %neg3A_28, %abs3A_26 : vector<4000x512xbf16>
    %exp3A_30 = math.exp %neg3A_29 : vector<4000x512xbf16>
    %log1p3A_31 = math.log1p %exp3A_30 : vector<4000x512xbf16>
    %add3A_32 = arith.addf %max3A_25, %log1p3A_31 : vector<4000x512xbf16>
    %swap3A = arith.constant 0 : index
    %swap3A_33 = arith.constant 0 : index
    %swap3A_34 = vector.load %arg7[%swap3A, %swap3A_33] : memref<4000x512xbf16, #tpu.memory_space<vmem>>, vector<4000x512xbf16>
    tpu.vector_store %arg7[%swap3A, %swap3A_33], %add3A_32 {strides = array<i32>} : memref<4000x512xbf16, #tpu.memory_space<vmem>>, vector<4000x512xbf16>,
    %get3A_35 = arith.constant 0 : index
    %get3A_36 = arith.constant 0 : index
    %get3A_37 = vector.load %arg5[%get3A_35, %get3A_36] : memref<8x512xbf16, #tpu.memory_space<vmem>>, vector<1x512xbf16>
    %mul3A = vector.broadcast %get3A_37 : vector<1x512xbf16> to vector<4000x512xbf16>
    %mul3A_38 = arith.mulf %add3A, %mul3A : vector<4000x512xbf16>
    %get3A_39 = arith.constant 1 : index
    %get3A_40 = arith.constant 0 : index
    %get3A_41 = vector.load %arg5[%get3A_39, %get3A_40] : memref<8x512xbf16, #tpu.memory_space<vmem>>, vector<1x512xbf16>
    %mul3A_42 = vector.broadcast %get3A_41 : vector<1x512xbf16> to vector<4000x512xbf16>
    %mul3A_43 = arith.mulf %add3A_32, %mul3A_42 : vector<4000x512xbf16>
    %add3A_44 = arith.addf %mul3A_38, %mul3A_43 : vector<4000x512xbf16>
    %get3A_45 = arith.constant 0 : index
    %get3A_46 = arith.constant 0 : index
    %get3A_47 = vector.load %arg6[%get3A_45, %get3A_46] : memref<512x4xbf16, #tpu.memory_space<vmem>>, vector<512x4xbf16>
    %dot_general3A_48 = arith.constant dense<0.000000e+00> : vector<4000x4xf32>
    %dot_general3A_49 = tpu.matmul %add3A_44, %get3A_47, %dot_general3A_48 {dimension_numbers = #tpu.dot_dimension_numbers<[1], [0], [0], [1], [0, 0, 1, 1], [], []>, transpose_lhs_hint = false} : vector<4000x512xbf16>, vector<512x4xbf16>, vector<4000x4xf32> -> vector<4000x4xf32>
    %max3A_50 = arith.constant 0.000000e+00 : f32
    %max3A_51 = vector.broadcast %max3A_50 : f32 to vector<4000x4xf32>
    %max3A_52 = arith.maximumf %dot_general3A_49, %max3A_51 : vector<4000x4xf32>
    %abs3A_53 = math.absf %dot_general3A_49 : vector<4000x4xf32>
    %neg3A_54 = arith.constant 0.000000e+00 : f32
    %neg3A_55 = vector.broadcast %neg3A_54 : f32 to vector<4000x4xf32>
    %neg3A_56 = arith.subf %neg3A_55, %abs3A_53 : vector<4000x4xf32>
    %exp3A_57 = math.exp %neg3A_56 : vector<4000x4xf32>
    %log1p3A_58 = math.log1p %exp3A_57 : vector<4000x4xf32>
    %add3A_59 = arith.addf %max3A_52, %log1p3A_58 : vector<4000x4xf32>
    %swap3A_60 = arith.constant 0 : index
    %swap3A_61 = arith.constant 0 : index
    %swap3A_62 = vector.load %arg8[%swap3A_60, %swap3A_61] : memref<4000x4xf32, #tpu.memory_space<vmem>>, vector<4000x4xf32>
    tpu.vector_store %arg8[%swap3A_60, %swap3A_61], %add3A_59 {strides = array<i32>} : memref<4000x4xf32, #tpu.memory_space<vmem>>, vector<4000x4xf32>,
    %reduce_sum3A = arith.constant dense<0.000000e+00> : vector<4xf32>
    %reduce_sum3A_63 = vector.multi_reduction <add>, %add3A_59, %reduce_sum3A [0] : vector<4000x4xf32> to vector<4xf32>
    %reshape3A = vector.shape_cast %reduce_sum3A_63 : vector<4xf32> to vector<1x1x4xf32>
    %swap3A_64 = arith.constant 0 : index
    %swap3A_65 = arith.constant 0 : index
    %swap3A_66 = arith.constant 0 : index
    %swap3A_67 = vector.load %arg9[%swap3A_64, %swap3A_65, %swap3A_66] : memref<1x1x4xf32, #tpu.memory_space<vmem>>, vector<1x1x4xf32>
    tpu.vector_store %arg9[%swap3A_64, %swap3A_65, %swap3A_66], %reshape3A {strides = array<i32>} : memref<1x1x4xf32, #tpu.memory_space<vmem>>, vector<1x1x4xf32>,
    %mul3A_68 = arith.mulf %add3A_59, %add3A_59 : vector<4000x4xf32>
    %reduce_sum3A_69 = arith.constant dense<0.000000e+00> : vector<4xf32>
    %reduce_sum3A_70 = vector.multi_reduction <add>, %mul3A_68, %reduce_sum3A_69 [0] : vector<4000x4xf32> to vector<4xf32>
    %reshape3A_71 = vector.shape_cast %reduce_sum3A_70 : vector<4xf32> to vector<1x1x4xf32>
    %swap3A_72 = arith.constant 0 : index
    %swap3A_73 = arith.constant 0 : index
    %swap3A_74 = arith.constant 0 : index
    %swap3A_75 = vector.load %arg10[%swap3A_72, %swap3A_73, %swap3A_74] : memref<1x1x4xf32, #tpu.memory_space<vmem>>, vector<1x1x4xf32>
    tpu.vector_store %arg10[%swap3A_72, %swap3A_73, %swap3A_74], %reshape3A_71 {strides = array<i32>} : memref<1x1x4xf32, #tpu.memory_space<vmem>>, vector<1x1x4xf32>,
    return
  }
  func.func @transform_0(%arg0: i32) -> (i32, i32) {
    %c0_i32 = arith.constant 0 : i32
    %c0_i32_0 = arith.constant 0 : i32
    return %arg0, %c0_i32 : i32, i32
  }
  func.func @transform_1(%arg0: i32) -> (i32, i32) {
    %c0_i32 = arith.constant 0 : i32
    %c0_i32_0 = arith.constant 0 : i32
    return %arg0, %c0_i32 : i32, i32
  }
  func.func @transform_2(%arg0: i32) -> (i32, i32) {
    %c0_i32 = arith.constant 0 : i32
    %c0_i32_0 = arith.constant 0 : i32
    return %arg0, %c0_i32 : i32, i32
  }
  func.func @transform_3(%arg0: i32) -> (i32, i32) {
    %c0_i32 = arith.constant 0 : i32
    %c0_i32_0 = arith.constant 0 : i32
    %c0_i32_1 = arith.constant 0 : i32
    return %c0_i32, %c0_i32_0 : i32, i32
  }
  func.func @transform_4(%arg0: i32) -> (i32, i32) {
    %c0_i32 = arith.constant 0 : i32
    %c0_i32_0 = arith.constant 0 : i32
    %c0_i32_1 = arith.constant 0 : i32
    return %c0_i32, %c0_i32_0 : i32, i32
  }
  func.func @transform_5(%arg0: i32) -> (i32, i32) {
    %c0_i32 = arith.constant 0 : i32
    %c0_i32_0 = arith.constant 0 : i32
    %c0_i32_1 = arith.constant 0 : i32
    return %c0_i32, %c0_i32_0 : i32, i32
  }
  func.func @transform_6(%arg0: i32) -> (i32, i32) {
    %c0_i32 = arith.constant 0 : i32
    %c0_i32_0 = arith.constant 0 : i32
    return %arg0, %c0_i32 : i32, i32
  }
  func.func @transform_7(%arg0: i32) -> (i32, i32) {
    %c0_i32 = arith.constant 0 : i32
    %c0_i32_0 = arith.constant 0 : i32
    return %arg0, %c0_i32 : i32, i32
  }
  func.func @transform_8(%arg0: i32) -> (i32, i32, i32) {
    %c0_i32 = arith.constant 0 : i32
    %c0_i32_0 = arith.constant 0 : i32
    %c0_i32_1 = arith.constant 0 : i32
    return %arg0, %c0_i32, %c0_i32_0 : i32, i32, i32
  }
  func.func @transform_9(%arg0: i32) -> (i32, i32, i32) {
    %c0_i32 = arith.constant 0 : i32
    %c0_i32_0 = arith.constant 0 : i32
    %c0_i32_1 = arith.constant 0 : i32
    return %arg0, %c0_i32, %c0_i32_0 : i32, i32, i32
  }
}

module attributes {stable_mosaic.version = 14 : i64} {
  func.func @body(%arg0: i32, %arg1: memref<10000x4xf32, #tpu.memory_space<vmem>>, %arg2: memref<8x4xf32, #tpu.memory_space<vmem>>, %arg3: memref<10000x16xf32, #tpu.memory_space<vmem>>) attributes {dimension_semantics = [#tpu.dimension_semantics<arbitrary>], iteration_bounds = array<i64: 32>, scalar_prefetch = 0 : i64, scratch_operands = 0 : i64, tpu.core_type = #tpu.core_type<tc>, window_params = [{transform_indices = @transform_0, window_bounds = array<i64: 10000, 4>}, {pipeline_mode = #tpu.pipeline_mode<synchronous>, transform_indices = @transform_1, window_bounds = array<i64: 8, 4>}, {transform_indices = @transform_2, window_bounds = array<i64: 10000, 16>}]} {
    %get3A = arith.constant 0 : index
    %get3A_0 = arith.constant 0 : index
    %get3A_1 = vector.load %arg1[%get3A, %get3A_0] : memref<10000x4xf32, #tpu.memory_space<vmem>>, vector<10000x4xf32>
    %get3A_2 = arith.constant 0 : index
    %get3A_3 = arith.constant 0 : index
    %get3A_4 = vector.load %arg2[%get3A_2, %get3A_3] : memref<8x4xf32, #tpu.memory_space<vmem>>, vector<1x4xf32>
    %get3A_5 = arith.constant 1 : index
    %get3A_6 = arith.constant 0 : index
    %get3A_7 = vector.load %arg2[%get3A_5, %get3A_6] : memref<8x4xf32, #tpu.memory_space<vmem>>, vector<1x4xf32>
    %get3A_8 = arith.constant 2 : index
    %get3A_9 = arith.constant 0 : index
    %get3A_10 = vector.load %arg2[%get3A_8, %get3A_9] : memref<8x4xf32, #tpu.memory_space<vmem>>, vector<1x4xf32>
    %sub3A = vector.broadcast %get3A_4 : vector<1x4xf32> to vector<10000x4xf32>
    %sub3A_11 = arith.subf %get3A_1, %sub3A : vector<10000x4xf32>
    %mul3A = vector.broadcast %get3A_7 : vector<1x4xf32> to vector<10000x4xf32>
    %mul3A_12 = arith.mulf %sub3A_11, %mul3A : vector<10000x4xf32>
    %add3A = vector.broadcast %get3A_10 : vector<1x4xf32> to vector<10000x4xf32>
    %add3A_13 = arith.addf %mul3A_12, %add3A : vector<10000x4xf32>
    %max3A = arith.constant 0.000000e+00 : f32
    %max3A_14 = vector.broadcast %max3A : f32 to vector<10000x4xf32>
    %max3A_15 = arith.maximumf %add3A_13, %max3A_14 : vector<10000x4xf32>
    %abs3A = math.absf %add3A_13 : vector<10000x4xf32>
    %neg3A = arith.constant 0.000000e+00 : f32
    %neg3A_16 = vector.broadcast %neg3A : f32 to vector<10000x4xf32>
    %neg3A_17 = arith.subf %neg3A_16, %abs3A : vector<10000x4xf32>
    %exp3A = math.exp %neg3A_17 : vector<10000x4xf32>
    %log1p3A = math.log1p %exp3A : vector<10000x4xf32>
    %add3A_18 = arith.addf %max3A_15, %log1p3A : vector<10000x4xf32>
    %exp3A_19 = math.exp %add3A_18 : vector<10000x4xf32>
    %broadcast_in_dim3A = arith.constant 0.000000e+00 : f32
    %broadcast_in_dim3A_20 = vector.broadcast %broadcast_in_dim3A : f32 to vector<10000x12xf32>
    %concatenate3A = tpu.concatenate %exp3A_19, %broadcast_in_dim3A_20 in 1 : vector<10000x4xf32>, vector<10000x12xf32> -> vector<10000x16xf32>
    %swap3A = arith.constant 0 : index
    %swap3A_21 = arith.constant 0 : index
    %swap3A_22 = vector.load %arg3[%swap3A, %swap3A_21] : memref<10000x16xf32, #tpu.memory_space<vmem>>, vector<10000x16xf32>
    tpu.vector_store %arg3[%swap3A, %swap3A_21], %concatenate3A {strides = array<i32>} : memref<10000x16xf32, #tpu.memory_space<vmem>>, vector<10000x16xf32>,
    return
  }
  func.func @transform_0(%arg0: i32) -> (i32, i32) {
    %c0_i32 = arith.constant 0 : i32
    %c0_i32_0 = arith.constant 0 : i32
    return %arg0, %c0_i32 : i32, i32
  }
  func.func @transform_1(%arg0: i32) -> (i32, i32) {
    %c0_i32 = arith.constant 0 : i32
    %c0_i32_0 = arith.constant 0 : i32
    %c0_i32_1 = arith.constant 0 : i32
    return %c0_i32, %c0_i32_0 : i32, i32
  }
  func.func @transform_2(%arg0: i32) -> (i32, i32) {
    %c0_i32 = arith.constant 0 : i32
    %c0_i32_0 = arith.constant 0 : i32
    return %arg0, %c0_i32 : i32, i32
  }
}

module attributes {stable_mosaic.version = 14 : i64} {
  func.func @body(%arg0: i32, %arg1: memref<2x1264x16xf32, #tpu.memory_space<vmem>>, %arg2: memref<1264x16xf32, #tpu.memory_space<vmem>>) attributes {dimension_semantics = [#tpu.dimension_semantics<arbitrary>], iteration_bounds = array<i64: 8>, scalar_prefetch = 0 : i64, scratch_operands = 0 : i64, tpu.core_type = #tpu.core_type<tc>, window_params = [{transform_indices = @transform_0, window_bounds = array<i64: 2, 1264, 16>}, {transform_indices = @transform_1, window_bounds = array<i64: 1264, 16>}]} {
    %get3A = arith.constant 0 : index
    %get3A_0 = arith.constant 0 : index
    %get3A_1 = arith.constant 0 : index
    %get3A_2 = vector.load %arg1[%get3A, %get3A_0, %get3A_1] : memref<2x1264x16xf32, #tpu.memory_space<vmem>>, vector<1x1264x16xf32>
    %get3A_3 = vector.shape_cast %get3A_2 : vector<1x1264x16xf32> to vector<1264x16xf32>
    %get3A_4 = arith.constant 1 : index
    %get3A_5 = arith.constant 0 : index
    %get3A_6 = arith.constant 0 : index
    %get3A_7 = vector.load %arg1[%get3A_4, %get3A_5, %get3A_6] : memref<2x1264x16xf32, #tpu.memory_space<vmem>>, vector<1x1264x16xf32>
    %get3A_8 = vector.shape_cast %get3A_7 : vector<1x1264x16xf32> to vector<1264x16xf32>
    %add3A = arith.addf %get3A_3, %get3A_8 : vector<1264x16xf32>
    %swap3A = arith.constant 0 : index
    %swap3A_9 = arith.constant 0 : index
    %swap3A_10 = vector.load %arg2[%swap3A, %swap3A_9] : memref<1264x16xf32, #tpu.memory_space<vmem>>, vector<1264x16xf32>
    tpu.vector_store %arg2[%swap3A, %swap3A_9], %add3A {strides = array<i32>} : memref<1264x16xf32, #tpu.memory_space<vmem>>, vector<1264x16xf32>,
    return
  }
  func.func @transform_0(%arg0: i32) -> (i32, i32, i32) {
    %c0_i32 = arith.constant 0 : i32
    %c0_i32_0 = arith.constant 0 : i32
    %c0_i32_1 = arith.constant 0 : i32
    return %c0_i32, %arg0, %c0_i32_0 : i32, i32, i32
  }
  func.func @transform_1(%arg0: i32) -> (i32, i32) {
    %c0_i32 = arith.constant 0 : i32
    %c0_i32_0 = arith.constant 0 : i32
    return %arg0, %c0_i32 : i32, i32
  }
}

module attributes {stable_mosaic.version = 14 : i64} {
  func.func @body(%arg0: i32, %arg1: memref<4000x512xbf16, #tpu.memory_space<vmem>>, %arg2: memref<4000x16xf32, #tpu.memory_space<vmem>>, %arg3: memref<4000x16xf32, #tpu.memory_space<vmem>>, %arg4: memref<4000x128xf32, #tpu.memory_space<vmem>>) attributes {dimension_semantics = [#tpu.dimension_semantics<arbitrary>], iteration_bounds = array<i64: 80>, scalar_prefetch = 0 : i64, scratch_operands = 0 : i64, tpu.core_type = #tpu.core_type<tc>, window_params = [{transform_indices = @transform_0, window_bounds = array<i64: 4000, 512>}, {transform_indices = @transform_1, window_bounds = array<i64: 4000, 16>}, {transform_indices = @transform_2, window_bounds = array<i64: 4000, 16>}, {transform_indices = @transform_3, window_bounds = array<i64: 4000, 128>}]} {
    %get3A = arith.constant 0 : index
    %get3A_0 = arith.constant 0 : index
    %get3A_1 = vector.load %arg2[%get3A, %get3A_0] : memref<4000x16xf32, #tpu.memory_space<vmem>>, vector<4000x4xf32>
    %get3A_2 = arith.constant 0 : index
    %get3A_3 = arith.constant 0 : index
    %get3A_4 = vector.load %arg3[%get3A_2, %get3A_3] : memref<4000x16xf32, #tpu.memory_space<vmem>>, vector<4000x4xf32>
    %add3A = arith.constant 1.000000e-16 : f32
    %add3A_5 = vector.broadcast %add3A : f32 to vector<4000x4xf32>
    %add3A_6 = arith.addf %get3A_4, %add3A_5 : vector<4000x4xf32>
    %div3A = arith.divf %get3A_1, %add3A_6 : vector<4000x4xf32>
    %mul3A = arith.constant 2.500000e-01 : f32
    %mul3A_7 = vector.broadcast %mul3A : f32 to vector<4000x4xf32>
    %mul3A_8 = arith.mulf %div3A, %mul3A_7 : vector<4000x4xf32>
    %convert_element_type3A = arith.truncf %mul3A_8 : vector<4000x4xf32> to vector<4000x4xbf16>
    %get3A_9 = arith.constant 0 : index
    %get3A_10 = arith.constant 0 : index
    %get3A_11 = vector.load %arg1[%get3A_9, %get3A_10] : memref<4000x512xbf16, #tpu.memory_space<vmem>>, vector<4000x512xbf16>
    %slice3A = vector.extract_strided_slice %get3A_11 {offsets = [0, 0], sizes = [4000, 128], strides = [1, 1]} : vector<4000x512xbf16> to vector<4000x128xbf16>
    %slice3A_12 = vector.extract_strided_slice %convert_element_type3A {offsets = [0, 0], sizes = [4000, 1], strides = [1, 1]} : vector<4000x4xbf16> to vector<4000x1xbf16>
    %mul3A_13 = vector.broadcast %slice3A_12 : vector<4000x1xbf16> to vector<4000x128xbf16>
    %mul3A_14 = arith.mulf %slice3A, %mul3A_13 : vector<4000x128xbf16>
    %slice3A_15 = vector.extract_strided_slice %get3A_11 {offsets = [0, 128], sizes = [4000, 128], strides = [1, 1]} : vector<4000x512xbf16> to vector<4000x128xbf16>
    %slice3A_16 = vector.extract_strided_slice %convert_element_type3A {offsets = [0, 1], sizes = [4000, 1], strides = [1, 1]} : vector<4000x4xbf16> to vector<4000x1xbf16>
    %mul3A_17 = vector.broadcast %slice3A_16 : vector<4000x1xbf16> to vector<4000x128xbf16>
    %mul3A_18 = arith.mulf %slice3A_15, %mul3A_17 : vector<4000x128xbf16>
    %add3A_19 = arith.addf %mul3A_14, %mul3A_18 : vector<4000x128xbf16>
    %slice3A_20 = vector.extract_strided_slice %get3A_11 {offsets = [0, 256], sizes = [4000, 128], strides = [1, 1]} : vector<4000x512xbf16> to vector<4000x128xbf16>
    %slice3A_21 = vector.extract_strided_slice %convert_element_type3A {offsets = [0, 2], sizes = [4000, 1], strides = [1, 1]} : vector<4000x4xbf16> to vector<4000x1xbf16>
    %mul3A_22 = vector.broadcast %slice3A_21 : vector<4000x1xbf16> to vector<4000x128xbf16>
    %mul3A_23 = arith.mulf %slice3A_20, %mul3A_22 : vector<4000x128xbf16>
    %add3A_24 = arith.addf %add3A_19, %mul3A_23 : vector<4000x128xbf16>
    %slice3A_25 = vector.extract_strided_slice %get3A_11 {offsets = [0, 384], sizes = [4000, 128], strides = [1, 1]} : vector<4000x512xbf16> to vector<4000x128xbf16>
    %slice3A_26 = vector.extract_strided_slice %convert_element_type3A {offsets = [0, 3], sizes = [4000, 1], strides = [1, 1]} : vector<4000x4xbf16> to vector<4000x1xbf16>
    %mul3A_27 = vector.broadcast %slice3A_26 : vector<4000x1xbf16> to vector<4000x128xbf16>
    %mul3A_28 = arith.mulf %slice3A_25, %mul3A_27 : vector<4000x128xbf16>
    %add3A_29 = arith.addf %add3A_24, %mul3A_28 : vector<4000x128xbf16>
    %convert_element_type3A_30 = arith.extf %add3A_29 : vector<4000x128xbf16> to vector<4000x128xf32>
    %swap3A = arith.constant 0 : index
    %swap3A_31 = arith.constant 0 : index
    %swap3A_32 = vector.load %arg4[%swap3A, %swap3A_31] : memref<4000x128xf32, #tpu.memory_space<vmem>>, vector<4000x128xf32>
    tpu.vector_store %arg4[%swap3A, %swap3A_31], %convert_element_type3A_30 {strides = array<i32>} : memref<4000x128xf32, #tpu.memory_space<vmem>>, vector<4000x128xf32>,
    return
  }
  func.func @transform_0(%arg0: i32) -> (i32, i32) {
    %c0_i32 = arith.constant 0 : i32
    %c0_i32_0 = arith.constant 0 : i32
    return %arg0, %c0_i32 : i32, i32
  }
  func.func @transform_1(%arg0: i32) -> (i32, i32) {
    %c0_i32 = arith.constant 0 : i32
    %c0_i32_0 = arith.constant 0 : i32
    return %arg0, %c0_i32 : i32, i32
  }
  func.func @transform_2(%arg0: i32) -> (i32, i32) {
    %c0_i32 = arith.constant 0 : i32
    %c0_i32_0 = arith.constant 0 : i32
    return %arg0, %c0_i32 : i32, i32
  }
  func.func @transform_3(%arg0: i32) -> (i32, i32) {
    %c0_i32 = arith.constant 0 : i32
    %c0_i32_0 = arith.constant 0 : i32
    return %arg0, %c0_i32 : i32, i32
  }
}

module attributes {stable_mosaic.version = 14 : i64} {
  func.func @body(%arg0: i32, %arg1: memref<1000x128xf32, #tpu.memory_space<vmem>>, %arg2: memref<1000x128xf32, #tpu.memory_space<vmem>>, %arg3: memref<8x128xf32, #tpu.memory_space<vmem>>, %arg4: memref<1000x128xf32, #tpu.memory_space<vmem>>) attributes {dimension_semantics = [#tpu.dimension_semantics<arbitrary>], iteration_bounds = array<i64: 10>, scalar_prefetch = 0 : i64, scratch_operands = 0 : i64, tpu.core_type = #tpu.core_type<tc>, window_params = [{transform_indices = @transform_0, window_bounds = array<i64: 1000, 128>}, {transform_indices = @transform_1, window_bounds = array<i64: 1000, 128>}, {pipeline_mode = #tpu.pipeline_mode<synchronous>, transform_indices = @transform_2, window_bounds = array<i64: 8, 128>}, {transform_indices = @transform_3, window_bounds = array<i64: 1000, 128>}]} {
    %get3A = arith.constant 0 : index
    %get3A_0 = arith.constant 0 : index
    %get3A_1 = vector.load %arg1[%get3A, %get3A_0] : memref<1000x128xf32, #tpu.memory_space<vmem>>, vector<1000x128xf32>
    %get3A_2 = arith.constant 0 : index
    %get3A_3 = arith.constant 0 : index
    %get3A_4 = vector.load %arg2[%get3A_2, %get3A_3] : memref<1000x128xf32, #tpu.memory_space<vmem>>, vector<1000x128xf32>
    %add3A = arith.addf %get3A_1, %get3A_4 : vector<1000x128xf32>
    %get3A_5 = arith.constant 0 : index
    %get3A_6 = arith.constant 0 : index
    %get3A_7 = vector.load %arg3[%get3A_5, %get3A_6] : memref<8x128xf32, #tpu.memory_space<vmem>>, vector<1x128xf32>
    %add3A_8 = vector.broadcast %get3A_7 : vector<1x128xf32> to vector<1000x128xf32>
    %add3A_9 = arith.addf %add3A, %add3A_8 : vector<1000x128xf32>
    %swap3A = arith.constant 0 : index
    %swap3A_10 = arith.constant 0 : index
    %swap3A_11 = vector.load %arg4[%swap3A, %swap3A_10] : memref<1000x128xf32, #tpu.memory_space<vmem>>, vector<1000x128xf32>
    tpu.vector_store %arg4[%swap3A, %swap3A_10], %add3A_9 {strides = array<i32>} : memref<1000x128xf32, #tpu.memory_space<vmem>>, vector<1000x128xf32>,
    return
  }
  func.func @transform_0(%arg0: i32) -> (i32, i32) {
    %c0_i32 = arith.constant 0 : i32
    %c0_i32_0 = arith.constant 0 : i32
    return %arg0, %c0_i32 : i32, i32
  }
  func.func @transform_1(%arg0: i32) -> (i32, i32) {
    %c0_i32 = arith.constant 0 : i32
    %c0_i32_0 = arith.constant 0 : i32
    return %arg0, %c0_i32 : i32, i32
  }
  func.func @transform_2(%arg0: i32) -> (i32, i32) {
    %c0_i32 = arith.constant 0 : i32
    %c0_i32_0 = arith.constant 0 : i32
    %c0_i32_1 = arith.constant 0 : i32
    return %c0_i32, %c0_i32_0 : i32, i32
  }
  func.func @transform_3(%arg0: i32) -> (i32, i32) {
    %c0_i32 = arith.constant 0 : i32
    %c0_i32_0 = arith.constant 0 : i32
    return %arg0, %c0_i32 : i32, i32
  }
}

</mosaic_0001>

<sc_bundles>
// kernel: kernel.11.cloned.1.call-start
scs
__scs_entry_jumppad:
0x0: {  	(pc) =	sbr.rel $0x88, $3  }
0x1: {  	(tag) =	ssettag $0x0;
	lr =	simm.s32 $0x1  }
0x2: {  	[smem:$0x3F99] =	sst lr;
	_ =	strace $0xD0000000  }
0x3: {  	_ = 	snop  }
0x4: {  	_ = 	snop  }
0x5: {  	_ = 	snop  }
0x6: {  	_ = 	snop  }
0x7: {  	_ = 	snop  }
__scs_overlays_trampoline_lowered:
0x8: {  	[smem:$0x3FA8] =	sst s0  }
0x9: {  	[smem:$0x3FA9] =	sst s1  }
0xa: {  	[smem:$0x3FAA] =	sst s2  }
0xb: {  	[smem:$0x3FAB] =	sst s3  }
0xc: {  	[smem:$0x3FAC] =	sst s4  }
0xd: {  	[smem:$0x3FAD] =	sst s5  }
0xe: {  	[smem:$0x3FAE] =	sst s6  }
0xf: {  	[smem:$0x3FAF] =	sst s7  }
0x10: {  	[smem:$0x3FB0] =	sst s8  }
0x11: {  	[smem:$0x3FB1] =	sst s9;
	s0 =	simm.s32 @!p0 $0x0  }
0x12: {  	s1 =	sld [smem:$0x3F97];
	s0 =	simm.s32 @p0 $0x1  }
0x13: {  	[smem:$0x3FB2] =	sst s0;
	s0 =	simm.s32 @!p1 $0x0  }
0x14: {  	s2 =	sld [smem:$0x3F96];
	s0 =	simm.s32 @p1 $0x1  }
0x15: {  	[smem:$0x3FB3] =	sst s0;
	s0 =	simm.s32 @!p2 $0x0  }
0x16: {  	s3 =	sld [smem:$0x3FDB];
	s0 =	simm.s32 @p2 $0x1  }
0x17: {  	s4 =	simm.s32 $0x1BF5;
	[smem:$0x3FB5] =	sst s0  }
0x18: {  	s0 =	sld [smem:$0x3F98];
	_ =	swait.ge [sflag:s4], $0x0  }
0x19: {  	s7 =	sld [smem:$0x3F99]  }
0x1a: {  	s8 =	sadd.s32 $0xFFFFE003, lr  }
0x1b: {  	s9 =	sadd.s32 $0xFFFFFEF7, lr;
	s5 =	simm.s32 $0xFFFFFFFF;
	p2 =	slt.u32 s8, $0xFFFFF086  }
0x1c: {  	p1 =	slt.u32 s9, $0xF7A;
	s5 =	simm.s32 @!p2 $0x0  }
0x1d: {  	s5 =	simm.s32 @p1 $0x1;
	p0 =	seq.s32 s7, s2  }
0x1e: {  	s7 =	smul.u32 @!p0 $0xF7A, s2;
	p2 =	seq.s32 @!p0 s5, $0x0  }
0x1f: {  	s9 =	smul.u32 $0xF7A, s1;
	s8 =	simm.s32 @!p0 $0x1BF5;
	p2 =	por !p2, p0  }
0x20: {  	[sflag:s8] =	ssyncset.s32 @!p0 $0xFFFFF086;
	s6 =	sadd.s32 @!p0 s3, s7;
	s7 =	simm.s32 @!p0 $0x108  }
0x21: {  	s3 =	sadd.s32 s3, s9;
	s6 =	sadd.s32 @!p0 $0x88, s6;
	s7 =	simm.s32 @p2 $0x1082  }
0x22: {  	[simem:s7], [sflag:s8] =	dma.local @!p0 [hbm:s6], $0xF7A  }
0x23: {  	s9 =	sor.u32 $0xD0000000, s2;
	s6 =	simm.s32 $0x108;
	_ =	swait.ge @!p0 [sflag:s8], $0x0  }
0x24: {  	s3 =	sadd.s32 $0x88, s3;
	s6 =	simm.s32 @!p1 $0x1082;
	[sflag:s4] =	ssyncset.s32 $0xFFFFF086  }
0x25: {  	[simem:s6], [sflag:s4] =	dma.local [hbm:s3], $0xF7A  }
0x26: {  	[smem:$0x3F99] =	sst s1;
	(tag) =	ssettag s2;
	_ =	strace s9  }
0x27: {  	s1 =	sld [smem:$0x3FA9]  }
0x28: {  	s2 =	sld [smem:$0x3FAA]  }
0x29: {  	s4 =	sld [smem:$0x3FAC]  }
0x2a: {  	p0 =	seq.s32 s5, $0x0;
	s5 =	sld [smem:$0x3FAD]  }
0x2b: {  	s6 =	sld [smem:$0x3FAE]  }
0x2c: {  	s7 =	sld [smem:$0x3FAF]  }
0x2d: {  	s3 =	simm.s32 $0x108;
	s8 =	sld [smem:$0x3FB0]  }
0x2e: {  	s3 =	simm.s32 @!p0 $0x1082;
	s9 =	sld [smem:$0x3FB1]  }
0x2f: {  	lr =	sadd.s32 s0, s3;
	s0 =	sld [smem:$0x3FA8]  }
0x30: {  	s3 =	sld [smem:$0x3FAB]  }
0x31: {  	[smem:$0x3FB4] =	sst s10  }
0x32: {  	s10 =	sld [smem:$0x3FB2];
	_ =	sdelay $0x3  }
0x33: {  	p0 =	seq.s32 s10, $0x1;
	s10 =	sld [smem:$0x3FB4];
	_ =	sdelay $0x3  }
0x34: {  	[smem:$0x3FB4] =	sst s10  }
0x35: {  	s10 =	sld [smem:$0x3FB3];
	_ =	sdelay $0x3  }
0x36: {  	p1 =	seq.s32 s10, $0x1;
	s10 =	sld [smem:$0x3FB4];
	_ =	sdelay $0x3  }
0x37: {  	[smem:$0x3FB4] =	sst s10  }
0x38: {  	s10 =	sld [smem:$0x3FB5]  }
0x39: {  	_ = 	snop;
	(pc) =	sbr.ind lr, $3  }
0x3a: {  	_ = 	snop  }
0x3b: {  	_ = 	snop  }
0x3c: {  	p2 =	seq.s32 s10, $0x1;
	s10 =	sld [smem:$0x3FB4]  }
0x3d: {  	_ =	shalt  }
0x3e: {  	_ =	shalt  }
0x3f: {  	_ =	shalt  }
0x40: {  	_ =	shalt  }
0x41: {  	_ =	shalt  }
0x42: {  	_ =	shalt  }
0x43: {  	_ =	shalt  }
0x44: {  	_ =	shalt  }
0x45: {  	_ =	shalt  }
0x46: {  	_ =	shalt  }
0x47: {  	_ =	shalt  }
0x48: {  	_ =	shalt  }
0x49: {  	_ =	shalt  }
0x4a: {  	_ =	shalt  }
0x4b: {  	_ =	shalt  }
0x4c: {  	_ =	shalt  }
0x4d: {  	_ =	shalt  }
0x4e: {  	_ =	shalt  }
0x4f: {  	_ =	shalt  }
0x50: {  	_ =	shalt  }
0x51: {  	_ =	shalt  }
0x52: {  	_ =	shalt  }
0x53: {  	_ =	shalt  }
0x54: {  	_ =	shalt  }
0x55: {  	_ =	shalt  }
0x56: {  	_ =	shalt  }
0x57: {  	_ =	shalt  }
0x58: {  	_ =	shalt  }
0x59: {  	_ =	shalt  }
0x5a: {  	_ =	shalt  }
0x5b: {  	_ =	shalt  }
0x5c: {  	_ =	shalt  }
0x5d: {  	_ =	shalt  }
0x5e: {  	_ =	shalt  }
0x5f: {  	_ =	shalt  }
0x60: {  	_ =	shalt  }
0x61: {  	_ =	shalt  }
0x62: {  	_ =	shalt  }
0x63: {  	_ =	shalt  }
0x64: {  	_ =	shalt  }
0x65: {  	_ =	shalt  }
0x66: {  	_ =	shalt  }
0x67: {  	_ =	shalt  }
0x68: {  	_ =	shalt  }
0x69: {  	_ =	shalt  }
0x6a: {  	_ =	shalt  }
0x6b: {  	_ =	shalt  }
0x6c: {  	_ =	shalt  }
0x6d: {  	_ =	shalt  }
0x6e: {  	_ =	shalt  }
0x6f: {  	_ =	shalt  }
0x70: {  	_ =	shalt  }
0x71: {  	_ =	shalt  }
0x72: {  	_ =	shalt  }
0x73: {  	_ =	shalt  }
0x74: {  	_ =	shalt  }
0x75: {  	_ =	shalt  }
0x76: {  	_ =	shalt  }
0x77: {  	_ =	shalt  }
0x78: {  	_ =	shalt  }
0x79: {  	_ =	shalt  }
0x7a: {  	_ =	shalt  }
0x7b: {  	_ =	shalt  }
0x7c: {  	_ =	shalt  }
0x7d: {  	_ =	shalt  }
0x7e: {  	_ =	shalt  }
0x7f: {  	_ =	shalt  }
0x80: {  	_ =	shalt  }
0x81: {  	_ =	shalt  }
0x82: {  	_ =	shalt  }
0x83: {  	_ =	shalt  }
0x84: {  	_ =	shalt  }
0x85: {  	_ =	shalt  }
0x86: {  	_ =	shalt  }
0x87: {  	_ =	shalt  }
.Lfunc_end0:
.L_simem_size_0:
called_computation_lowered:
.L_overlay_start_0:
0x88: {  	s2 =	sld [smem:$0x3FD9]  }
0x89: {  	s3 =	sld [smem:$0x3FFE];
	_ =	sdelay $0x1  }
0x8a: {  	s1 =	srdreg.scid  }
0x8b: {  	s0 =	sand.u32 $0x1, s1  }
0x8c: {  	s17 =	sshll.u32 s0, $0xA;
	s2 =	sadd.s32 s3, s2  }
0x8d: {  	s2 =	sadd.s32 s2, s17  }
0x8e: {  	[smem:$0x3FC0] =	sst s2  }
0x8f: {  	_ = 	snop  }
0x90: {  	s2 =	sld [smem:$0x3FC9]  }
0x91: {  	s18 =	sld [smem:$0x3FD0];
	(tm) =	ssettm $0x1  }
0x92: {  	s4 =	sld [smem:$0x3FFB];
	_ =	sdelay $0x3  }
0x93: {  	_ =	strace s4  }
0x94: {  	s4 =	sld [smem:$0x3FFC];
	_ =	sdelay $0x3  }
0x95: {  	_ =	strace s4  }
0x96: {  	s4 =	sld [smem:$0x3FFD];
	_ =	sdelay $0x3  }
0x97: {  	_ =	strace s4  }
0x98: {  	_ =	strace $0x8FFFFFFF  }
0x99: {  	s19 =	sld [smem:$0x3FDB];
	_ =	sdelay $0x1  }
0x9a: {  	s5 =	simm.s32 $_scs_section_size  }
0x9b: {  	s6 =	simm.s32 $_size__tile_overlayer_lowered;
	s7 =	simm.s32 $_tile_overlayer_lowered  }
0x9c: {  	s22 =	simm.s32 $0x1BFF;
	s21 =	sshll.u32 s7, $0x1;
	s4 =	sadd.s32 s5, s19  }
0x9d: {  	s8 =	simm.s32 $0x0;
	s20 =	sshll.u32 s6, $0x1;
	s6 =	sadd.s32 s21, s4  }
0x9e: {  	[timem:s8], [sflag:s22] =	dma.local [hbm:s6], s20  }
0x9f: {  	_ =	swait.ge [sflag:s22], s20  }
0xa0: {  	s5 =	ssub.s32 $0x0, s20;
	[sflag:s22] =	ssyncset.done $0x0  }
0xa1: {  	[sflag:s22] =	ssyncadd.s32 s5;
	_ =	sdelay $0x1  }
0xa2: {  	s23 =	simm.s32 $0x1B8B  }
0xa3: {  	_ =	swait.ge [sflag:s23], $0x1  }
0xa4: {  	[sflag:s23] =	ssyncset.done $0x0  }
0xa5: {  	s25 =	simm.s32 $0x1B8E;
	s24 =	sld [smem:$0x3FFE];
	[sflag:s23] =	ssyncadd.s32 $0xFFFFFFFF  }
0xa6: {  	s26 =	simm.s32 $execute0_lowered;
	[smem:$0x3FD2] =	sst s25  }
0xa7: {  	s6 =	sshll.u32 s26, $0x1;
	_ =	strace $0x80000046;
	[dreg:$0x1] =	wrdreg $0xFFFFFFFF  }
0xa8: {  	s28 =	simm.s32 $_size_execute0_lowered;
	s4 =	sadd.s32 s4, s6;
	[dreg:$0x0] =	wrdreg $0x0  }
0xa9: {  	s6 =	sshll.u32 s28, $0x1;
	[dreg:$0x2] =	wrdreg s4  }
0xaa: {  	[dreg:$0x3] =	wrdreg s6  }
0xab: {  	[dreg:$0x4] =	wrdreg $0xC0  }
0xac: {  	_ =	task [dreg:s8], $0x5FFFF  }
0xad: {  	[dreg:$0x1] =	wrdreg $0xFFFFFFFF  }
0xae: {  	[dreg:$0x0] =	wrdreg $0x60  }
0xaf: {  	[dreg:$0x2] =	wrdreg s2  }
0xb0: {  	[dreg:$0x3] =	wrdreg s24  }
0xb1: {  	[dreg:$0x4] =	wrdreg s18  }
0xb2: {  	[dreg:$0x5] =	wrdreg $0x9  }
0xb3: {  	_ =	task.clear_ibuf [dreg:s8], $0x6FFFF;
	_ =	strace $0x90000046  }
0xb4: {  	s29 =	simm.s32 $0x9;
	_ =	strace $0x80000048  }
0xb5: {  	_ =	swait.ge [sflag:s29], $0x1  }
0xb6: {  	[sflag:s29] =	ssyncadd.s32 $0xFFFFFFFF  }
0xb7: {  	_ =	strace $0x90000048  }
0xb8: {  	_ =	sfence  }
0xb9: {  	s30 =	sld [smem:$0x0];
	_ =	sdelay $0x2  }
0xba: {  	s31 =	sshll.u32 s1, $0xD;
	s1 =	sshrl.u32 s1, $0x2  }
0xbb: {  	s3 =	sand.u32 $0x4000, s31;
	s1 =	sadd.s32 s1, s30  }
0xbc: {  	s0 =	sor.u32 s3, s0;
	s1 =	sshll.u32 s1, $0x11  }
0xbd: {  	s0 =	sor.u32 s1, s0  }
0xbe: {  	s0 =	sadd.s32 $0x8F2B, s0  }
0xbf: {  	[sflag:s0] =	ssyncadd.remote.s32 $0x1  }
0xc0: {  	_ =	sfence.sel $0xFFFF  }
0xc1: {  	[dreg:$0x0] =	wrdreg $0xFFFFFFFF;
	(pc) =	sbr.abs _section_cstart, $3  }
0xc2: {  	[dreg:$0x1] =	wrdreg $0xFFFFFFFF  }
0xc3: {  	_ =	task.clear_ibuf [dreg:s8], $0x2FFFF;
	_ =	strace $0x9FFFFFFF  }
0xc4: {  	(tm) =	ssettm $0x7FFFFFFF  }
0xc5: {  	_ =	shalt  }
tec
execute0_lowered:
.L_overlay_start_1:
0x0: {  	(tag) =	ssettag $0x1  }
0x1: {  	s1 =	rddreg [dreg:$0x0]  }
0x2: {  	s0 =	rddreg [dreg:$0x1]  }
0x3: {  	s2 =	srdreg.scid;
	s15 =	stileid.u32  }
0x4: {  	s5 =	rddreg [dreg:$0x2];
	s3 =	simm.s32 $0x0;
	s18 =	simm.s32 $0x2780  }
0x5: {  	s19 =	simm.s32 $0x80;
	s20 =	simm.s32 $0x4F00;
	s21 =	simm.s32 $0x8F00  }
0x6: {  	s22 =	simm.s32 $0x1;
	s23 =	simm.s32 $0x3;
	s13 =	smul.u32 $0x4E200, s15  }
0x7: {  	s2 =	sand.u32 $0x1, s2;
	s4 =	sshll.u32 s15, $0x1;
	s15 =	smul.u32 $0x271000, s15  }
0x8: {  	s24 =	simm.s32 $0x2;
	s25 =	simm.s32 $0x4;
	s16 =	smul.u32 $0x138800, s2  }
0x9: {  	s7 =	sor.u32 s2, s4;
	s9 =	ssub.s32 $0x2, s2;
	s2 =	smul.u32 $0x27100, s2  }
0xa: {  	[smem:$0x7FF] =	sst s3;
	s14 =	sadd.s32 $0xB000, s0;
	s6 =	smul.u32 $0x4E2, s7  }
0xb: {  	s31 =	simm.s32 $0x0;
	_ =	strace $0x80000047;
	s4 =	smul.u32 $0x138800, s7  }
0xc: {  	s10 =	sshrl.u32 s9, $0x1;
	s12 =	smul.u32 $0x27100, s7;
	s17 =	sadd.s32 s13, s14  }
0xd: {  	s9 =	ssub.s32 s9, s10;
	s15 =	sadd.s32 s16, s15;
	s29 =	sadd.s32 s2, s17  }
0xe: {  	s17 =	simm.s32 $0x5;
	s8 =	sadd.s32 s6, s0;
	s0 =	sadd.s32 $0x4ED000, s0  }
0xf: {  	s11 =	sshrl.u32 s4, $0x3;
	s5 =	sadd.s32 s5, s6;
	s12 =	sadd.s32 $0x26800, s12  }
0x10: {  	s30 =	sshrl.u32 s15, $0x3;
	s4 =	sadd.s32 $0x1200, s8;
	s26 =	sadd.s32 $0x27000, s11  }
0x11: {  	s28 =	sadd.s32 $0x26000, s11;
	s8 =	smax.u32 s9, $0x1;
	s11 =	sadd.s32 s14, s12  }
0x12: {  	s12 =	sadd.s32 s0, s12;
	s13 =	sadd.s32 s13, s0;
	s16 =	sadd.s32 s30, s0  }
0x13: {  	s6 =	sadd.s32 s14, s26;
	s7 =	sadd.s32 s0, s26;
	s9 =	sadd.s32 s14, s28  }
0x14: {  	s10 =	sadd.s32 s0, s28;
	s2 =	sadd.s32 s2, s13;
	s13 =	sadd.s32 $0x800, s29  }
0x15: {  	s14 =	sadd.s32 s30, s14;
	s26 =	simm.s32 $0x10;
	s15 =	sadd.s32 $0x800, s2  }
.LBB2_1:
0x16: {  	[tilespmem:s3], [sflag:$0x5] =	stream.linear.gather [hbm4b:s4+s3], $0x2710, $0x38;
	[tilespmem:$0xCF00] =	vst v63  }
0x17: {  	_ =	swait.ge [sflag:s17], $0x2710  }
0x18: {  	[sflag:s17] =	ssyncset.done $0x0  }
0x19: {  	[sflag:s17] =	ssyncadd.s32 $0xFFFFD8F0  }
0x1a: {  	[tilespmem:s18], [sflag:$0x5] =	stream.linear.gather [hbm4b:s5+s3], $0x2710, $0x38;
	[tilespmem:$0xCF00] =	vst v63  }
0x1b: {  	_ =	swait.ge [sflag:s17], $0x2710  }
0x1c: {  	[sflag:s17] =	ssyncset.done $0x0  }
0x1d: {  	[sflag:s17] =	ssyncadd.s32 $0xFFFFD8F0  }
0x1e: {  	[tilespmem:s20], [sflag:$0x1] =	stream.indirect.gather [hbm4b:s1+s19], $0x80, s3, s19, $0xb8;
	[tilespmem:$0xCF00] =	vst v63  }
0x1f: {  	_ = 	snop  }
0x20: {  	[tilespmem:s21], [sflag:$0x2] =	stream.indirect.gather [hbm4b:s1+s19], $0x80, s19, s19, $0xb8;
	[tilespmem:$0xCF00] =	vst v63  }
0x21: {  	_ =	swait.ge [sflag:s22], $0x4000  }
0x22: {  	[sflag:s22] =	ssyncset.done $0x0  }
0x23: {  	s0 =	sadd.s32 $0x0, s14;
	[sflag:s22] =	ssyncadd.s32 $0xFFFFC000  }
0x24: {  	[hbm4b:s0+s3] =	stream.linear.scatter [tilespmem:s20], [sflag:$0x3], $0x4000, $0x38;
	[tilespmem:$0xCF00] =	vst v63  }
0x25: {  	_ =	swait.ge [sflag:s23], $0x4000  }
0x26: {  	[sflag:s23] =	ssyncset.done $0x0  }
0x27: {  	s29 =	simm.s32 $0x100;
	[sflag:s23] =	ssyncadd.s32 $0xFFFFC000  }
0x28: {  	[tilespmem:s20], [sflag:$0x1] =	stream.indirect.gather [hbm4b:s1+s19], $0x80, s29, s19, $0xb8;
	[tilespmem:$0xCF00] =	vst v63  }
0x29: {  	_ =	swait.ge [sflag:s24], $0x4000  }
0x2a: {  	[sflag:s24] =	ssyncset.done $0x0  }
0x2b: {  	s30 =	sadd.s32 $0x0, s13;
	[sflag:s24] =	ssyncadd.s32 $0xFFFFC000  }
0x2c: {  	[hbm4b:s30+s3] =	stream.linear.scatter [tilespmem:s21], [sflag:$0x4], $0x4000, $0x38;
	[tilespmem:$0xCF00] =	vst v63  }
0x2d: {  	_ =	swait.ge [sflag:s25], $0x4000  }
0x2e: {  	s2 =	simm.s32 $0x180;
	[sflag:s25] =	ssyncset.done $0x0  }
0x2f: {  	s28 =	simm.s32 $0x280;
	s0 =	simm.s32 $0x1000;
	[sflag:s25] =	ssyncadd.s32 $0xFFFFC000  }
.LBB2_2:
0x30: {  	[tilespmem:s21], [sflag:$0x2] =	stream.indirect.gather [hbm4b:s1+s19], $0x80, s2, s19, $0xb8;
	[tilespmem:$0xCF00] =	vst v63  }
0x31: {  	s29 =	smov.u32 s0;
	s2 =	smov.u32 s28  }
0x32: {  	p0 =	sne.s32 s0, $0x25000;
	s0 =	sadd.s32 $0x1000, s0;
	_ =	swait.ge [sflag:s22], $0x4000  }
0x33: {  	[sflag:s22] =	ssyncset.done $0x0  }
0x34: {  	s30 =	sadd.s32 s29, s14;
	[sflag:s22] =	ssyncadd.s32 $0xFFFFC000  }
0x35: {  	[hbm4b:s30+s3] =	stream.linear.scatter [tilespmem:s20], [sflag:$0x3], $0x4000, $0x38;
	[tilespmem:$0xCF00] =	vst v63  }
0x36: {  	_ =	swait.ge [sflag:s23], $0x4000  }
0x37: {  	[sflag:s23] =	ssyncset.done $0x0  }
0x38: {  	s30 =	sadd.s32 $0xFFFFFF80, s28;
	[sflag:s23] =	ssyncadd.s32 $0xFFFFC000  }
0x39: {  	[tilespmem:s20], [sflag:$0x1] =	stream.indirect.gather [hbm4b:s1+s19], $0x80, s30, s19, $0xb8;
	[tilespmem:$0xCF00] =	vst v63  }
0x3a: {  	_ =	swait.ge [sflag:s24], $0x4000  }
0x3b: {  	[sflag:s24] =	ssyncset.done $0x0  }
.Ltmp0:
0x3c: {  	s29 =	sadd.s32 s29, s13;
	[sflag:s24] =	ssyncadd.s32 $0xFFFFC000;
	(pc) =	sbr.rel @p0 .LBB2_2-.Ltmp0, $4  }
0x3d: {  	[hbm4b:s29+s3] =	stream.linear.scatter [tilespmem:s21], [sflag:$0x4], $0x4000, $0x38;
	[tilespmem:$0xCF00] =	vst v63  }
0x3e: {  	_ =	swait.ge [sflag:s25], $0x4000  }
0x3f: {  	[sflag:s25] =	ssyncset.done $0x0  }
0x40: {  	s28 =	sadd.s32 $0x100, s28;
	[sflag:s25] =	ssyncadd.s32 $0xFFFFC000  }
0x41: {  	[tilespmem:s21], [sflag:$0x2] =	stream.indirect.gather [hbm4b:s1+s19], $0x80, s2, s19, $0xb8;
	[tilespmem:$0xCF00] =	vst v63  }
0x42: {  	_ =	swait.ge [sflag:s22], $0x4000  }
0x43: {  	[sflag:s22] =	ssyncset.done $0x0  }
0x44: {  	s0 =	simm.s32 $0x0;
	[sflag:s22] =	ssyncadd.s32 $0xFFFFC000  }
0x45: {  	[hbm4b:s9+s0] =	stream.linear.scatter [tilespmem:s20], [sflag:$0x3], $0x4000, $0x38;
	[tilespmem:$0xCF00] =	vst v63  }
0x46: {  	_ =	swait.ge [sflag:s23], $0x4000  }
0x47: {  	[sflag:s23] =	ssyncset.done $0x0  }
0x48: {  	[sflag:s23] =	ssyncadd.s32 $0xFFFFC000  }
0x49: {  	_ =	swait.ge [sflag:s24], $0x4000  }
0x4a: {  	[sflag:s24] =	ssyncset.done $0x0  }
0x4b: {  	[sflag:s24] =	ssyncadd.s32 $0xFFFFC000  }
0x4c: {  	[hbm4b:s11+s0] =	stream.linear.scatter [tilespmem:s21], [sflag:$0x4], $0x4000, $0x38;
	[tilespmem:$0xCF00] =	vst v63  }
0x4d: {  	_ =	swait.ge [sflag:s25], $0x4000  }
0x4e: {  	[sflag:s25] =	ssyncset.done $0x0  }
0x4f: {  	s29 =	simm.s32 $0x2700;
	[sflag:s25] =	ssyncadd.s32 $0xFFFFC000  }
0x50: {  	[tilespmem:s20], [sflag:$0x5] =	stream.indirect.gather [hbm4b:s1+s26], $0x80, s29, s26, $0xb8;
	[tilespmem:$0xCF00] =	vst v63  }
0x51: {  	_ =	swait.ge [sflag:s17], $0x800  }
0x52: {  	[sflag:s17] =	ssyncset.done $0x0  }
0x53: {  	[sflag:s17] =	ssyncadd.s32 $0xFFFFF800  }
0x54: {  	[hbm4b:s6+s0] =	stream.linear.scatter [tilespmem:s20], [sflag:$0x5], $0x800, $0x38;
	[tilespmem:$0xCF00] =	vst v63  }
0x55: {  	_ =	swait.ge [sflag:s17], $0x800  }
0x56: {  	[sflag:s17] =	ssyncset.done $0x0  }
0x57: {  	[sflag:s17] =	ssyncadd.s32 $0xFFFFF800  }
0x58: {  	[tilespmem:s20], [sflag:$0x1] =	stream.indirect.gather [hbm4b:s1+s19], $0x80, s18, s19, $0xb8;
	[tilespmem:$0xCF00] =	vst v63  }
0x59: {  	s30 =	simm.s32 $0x2800  }
0x5a: {  	[tilespmem:s21], [sflag:$0x2] =	stream.indirect.gather [hbm4b:s1+s19], $0x80, s30, s19, $0xb8;
	[tilespmem:$0xCF00] =	vst v63  }
0x5b: {  	_ =	swait.ge [sflag:s22], $0x4000  }
0x5c: {  	[sflag:s22] =	ssyncset.done $0x0  }
0x5d: {  	s2 =	sadd.s32 $0x0, s16;
	[sflag:s22] =	ssyncadd.s32 $0xFFFFC000  }
0x5e: {  	[hbm4b:s2+s3] =	stream.linear.scatter [tilespmem:s20], [sflag:$0x3], $0x4000, $0x38;
	[tilespmem:$0xCF00] =	vst v63  }
0x5f: {  	_ =	swait.ge [sflag:s23], $0x4000  }
0x60: {  	[sflag:s23] =	ssyncset.done $0x0  }
0x61: {  	s29 =	simm.s32 $0x2880;
	[sflag:s23] =	ssyncadd.s32 $0xFFFFC000  }
0x62: {  	[tilespmem:s20], [sflag:$0x1] =	stream.indirect.gather [hbm4b:s1+s19], $0x80, s29, s19, $0xb8;
	[tilespmem:$0xCF00] =	vst v63  }
0x63: {  	_ =	swait.ge [sflag:s24], $0x4000  }
0x64: {  	[sflag:s24] =	ssyncset.done $0x0  }
0x65: {  	s30 =	sadd.s32 $0x0, s15;
	[sflag:s24] =	ssyncadd.s32 $0xFFFFC000  }
0x66: {  	[hbm4b:s30+s3] =	stream.linear.scatter [tilespmem:s21], [sflag:$0x4], $0x4000, $0x38;
	[tilespmem:$0xCF00] =	vst v63  }
0x67: {  	_ =	swait.ge [sflag:s25], $0x4000  }
0x68: {  	s28 =	simm.s32 $0x2A00;
	[sflag:s25] =	ssyncset.done $0x0  }
0x69: {  	s0 =	simm.s32 $0x1000;
	s2 =	simm.s32 $0x2900;
	[sflag:s25] =	ssyncadd.s32 $0xFFFFC000  }
.LBB2_4:
0x6a: {  	[tilespmem:s21], [sflag:$0x2] =	stream.indirect.gather [hbm4b:s1+s19], $0x80, s2, s19, $0xb8;
	[tilespmem:$0xCF00] =	vst v63  }
0x6b: {  	s29 =	smov.u32 s0;
	s2 =	smov.u32 s28  }
0x6c: {  	p0 =	sne.s32 s0, $0x25000;
	s0 =	sadd.s32 $0x1000, s0;
	_ =	swait.ge [sflag:s22], $0x4000  }
0x6d: {  	[sflag:s22] =	ssyncset.done $0x0  }
0x6e: {  	s30 =	sadd.s32 s29, s16;
	[sflag:s22] =	ssyncadd.s32 $0xFFFFC000  }
0x6f: {  	[hbm4b:s30+s3] =	stream.linear.scatter [tilespmem:s20], [sflag:$0x3], $0x4000, $0x38;
	[tilespmem:$0xCF00] =	vst v63  }
0x70: {  	_ =	swait.ge [sflag:s23], $0x4000  }
0x71: {  	[sflag:s23] =	ssyncset.done $0x0  }
0x72: {  	s30 =	sadd.s32 $0xFFFFFF80, s28;
	[sflag:s23] =	ssyncadd.s32 $0xFFFFC000  }
0x73: {  	[tilespmem:s20], [sflag:$0x1] =	stream.indirect.gather [hbm4b:s1+s19], $0x80, s30, s19, $0xb8;
	[tilespmem:$0xCF00] =	vst v63  }
0x74: {  	_ =	swait.ge [sflag:s24], $0x4000  }
0x75: {  	[sflag:s24] =	ssyncset.done $0x0  }
.Ltmp1:
0x76: {  	s29 =	sadd.s32 s29, s15;
	[sflag:s24] =	ssyncadd.s32 $0xFFFFC000;
	(pc) =	sbr.rel @p0 .LBB2_4-.Ltmp1, $4  }
0x77: {  	[hbm4b:s29+s3] =	stream.linear.scatter [tilespmem:s21], [sflag:$0x4], $0x4000, $0x38;
	[tilespmem:$0xCF00] =	vst v63  }
0x78: {  	_ =	swait.ge [sflag:s25], $0x4000  }
0x79: {  	[sflag:s25] =	ssyncset.done $0x0  }
0x7a: {  	s28 =	sadd.s32 $0x100, s28;
	[sflag:s25] =	ssyncadd.s32 $0xFFFFC000  }
0x7b: {  	[tilespmem:s21], [sflag:$0x2] =	stream.indirect.gather [hbm4b:s1+s19], $0x80, s2, s19, $0xb8;
	[tilespmem:$0xCF00] =	vst v63  }
0x7c: {  	_ =	swait.ge [sflag:s22], $0x4000  }
0x7d: {  	[sflag:s22] =	ssyncset.done $0x0  }
0x7e: {  	[sflag:s22] =	ssyncadd.s32 $0xFFFFC000  }
0x7f: {  	[hbm4b:s10+s3] =	stream.linear.scatter [tilespmem:s20], [sflag:$0x3], $0x4000, $0x38;
	[tilespmem:$0xCF00] =	vst v63  }
0x80: {  	_ =	swait.ge [sflag:s23], $0x4000  }
0x81: {  	[sflag:s23] =	ssyncset.done $0x0  }
0x82: {  	[sflag:s23] =	ssyncadd.s32 $0xFFFFC000  }
0x83: {  	_ =	swait.ge [sflag:s24], $0x4000  }
0x84: {  	[sflag:s24] =	ssyncset.done $0x0  }
0x85: {  	[sflag:s24] =	ssyncadd.s32 $0xFFFFC000  }
0x86: {  	[hbm4b:s12+s3] =	stream.linear.scatter [tilespmem:s21], [sflag:$0x4], $0x4000, $0x38;
	[tilespmem:$0xCF00] =	vst v63  }
0x87: {  	_ =	swait.ge [sflag:s25], $0x4000  }
0x88: {  	[sflag:s25] =	ssyncset.done $0x0  }
0x89: {  	s0 =	simm.s32 $0x4E80;
	[sflag:s25] =	ssyncadd.s32 $0xFFFFC000  }
0x8a: {  	[tilespmem:s20], [sflag:$0x5] =	stream.indirect.gather [hbm4b:s1+s26], $0x80, s0, s26, $0xb8;
	[tilespmem:$0xCF00] =	vst v63  }
0x8b: {  	s31 =	sadd.s32 $0x1, s31;
	_ =	swait.ge [sflag:s17], $0x800  }
0x8c: {  	p0 =	sne.s32 s31, s8;
	[sflag:s17] =	ssyncset.done $0x0  }
.Ltmp2:
0x8d: {  	[sflag:s17] =	ssyncadd.s32 $0xFFFFF800;
	(pc) =	sbr.rel @p0 .LBB2_1-.Ltmp2, $4  }
0x8e: {  	[hbm4b:s7+s3] =	stream.linear.scatter [tilespmem:s20], [sflag:$0x5], $0x800, $0x38;
	[tilespmem:$0xCF00] =	vst v63  }
0x8f: {  	_ =	swait.ge [sflag:s17], $0x800  }
0x90: {  	[sflag:s17] =	ssyncset.done $0x0  }
0x91: {  	[sflag:s17] =	ssyncadd.s32 $0xFFFFF800  }
0x92: {  	_ =	sfence.sel $0x180000  }
0x93: {  	[bflag:$0x0] =	sbarrier.arrive $0xFFFF  }
0x94: {  	_ =	strace $0x90000047  }
0x95: {  	s0 =	stileid.u32;
	[bflag:$0x2] =	sbarrier.arrive $0xFFFF  }
0x96: {  	p0 =	sne.s32 s0, $0x0;
	s0 =	rddreg [dreg:$0x3]  }
0x97: {  	s0 =	sadd.s32 @!p0 $0x100000, s0  }
0x98: {  	[sflag:s0] =	ssyncadd.tile.s32 @!p0 $0x1;
	_ =	shalt  }
.Lfunc_end2:
_tile_overlayer_lowered:
.L_overlay_start_2:
0x99: {  	(tag) =	ssettag $0x2  }
0x9a: {  	s0 =	rddreg [dreg:$0x0];
	s2 =	stileid.u32  }
0x9b: {  	s1 =	rddreg [dreg:$0x1];
	p0 =	sne.s32 s2, $0x0  }
0x9c: {  	s3 =	rddreg [dreg:$0x2];
	[bflag:$0x3] =	sbarrier.arrive $0xFFFF;
	s2 =	simm.s32 @!p0 $0x1C05  }
0x9d: {  	[timem:s3], [sflag:s2] =	dma.local @!p0 [hbm:s0], s1  }
0x9e: {  	s0 =	simm.s32 @!p0 $0x5  }
0x9f: {  	_ =	swait.ge @!p0 [sflag:s0], s1  }
0xa0: {  	s1 =	ssub.s32 @!p0 $0x0, s1;
	[sflag:s0] =	ssyncset.done @!p0 $0x0  }
0xa1: {  	[sflag:s0] =	ssyncadd.s32 @!p0 s1  }
0xa2: {  	[bflag:$0x3] =	sbarrier.arrive $0xFFFF  }
0xa3: {  	_ =	shalt  }

// kernel: kernel.14.cloned.1.call-start
scs
__scs_entry_jumppad:
0x0: {  	(pc) =	sbr.rel $0x88, $3  }
0x1: {  	(tag) =	ssettag $0x0;
	lr =	simm.s32 $0x1  }
0x2: {  	[smem:$0x3F99] =	sst lr;
	_ =	strace $0xD0000000  }
0x3: {  	_ = 	snop  }
0x4: {  	_ = 	snop  }
0x5: {  	_ = 	snop  }
0x6: {  	_ = 	snop  }
0x7: {  	_ = 	snop  }
__scs_overlays_trampoline_lowered:
0x8: {  	[smem:$0x3FA8] =	sst s0  }
0x9: {  	[smem:$0x3FA9] =	sst s1  }
0xa: {  	[smem:$0x3FAA] =	sst s2  }
0xb: {  	[smem:$0x3FAB] =	sst s3  }
0xc: {  	[smem:$0x3FAC] =	sst s4  }
0xd: {  	[smem:$0x3FAD] =	sst s5  }
0xe: {  	[smem:$0x3FAE] =	sst s6  }
0xf: {  	[smem:$0x3FAF] =	sst s7  }
0x10: {  	[smem:$0x3FB0] =	sst s8  }
0x11: {  	[smem:$0x3FB1] =	sst s9;
	s0 =	simm.s32 @!p0 $0x0  }
0x12: {  	s1 =	sld [smem:$0x3F97];
	s0 =	simm.s32 @p0 $0x1  }
0x13: {  	[smem:$0x3FB2] =	sst s0;
	s0 =	simm.s32 @!p1 $0x0  }
0x14: {  	s2 =	sld [smem:$0x3F96];
	s0 =	simm.s32 @p1 $0x1  }
0x15: {  	[smem:$0x3FB3] =	sst s0;
	s0 =	simm.s32 @!p2 $0x0  }
0x16: {  	s3 =	sld [smem:$0x3FDB];
	s0 =	simm.s32 @p2 $0x1  }
0x17: {  	s4 =	simm.s32 $0x1BF5;
	[smem:$0x3FB5] =	sst s0  }
0x18: {  	s0 =	sld [smem:$0x3F98];
	_ =	swait.ge [sflag:s4], $0x0  }
0x19: {  	s7 =	sld [smem:$0x3F99]  }
0x1a: {  	s8 =	sadd.s32 $0xFFFFE003, lr  }
0x1b: {  	s9 =	sadd.s32 $0xFFFFFEF7, lr;
	s5 =	simm.s32 $0xFFFFFFFF;
	p2 =	slt.u32 s8, $0xFFFFF086  }
0x1c: {  	p1 =	slt.u32 s9, $0xF7A;
	s5 =	simm.s32 @!p2 $0x0  }
0x1d: {  	s5 =	simm.s32 @p1 $0x1;
	p0 =	seq.s32 s7, s2  }
0x1e: {  	s7 =	smul.u32 @!p0 $0xF7A, s2;
	p2 =	seq.s32 @!p0 s5, $0x0  }
0x1f: {  	s9 =	smul.u32 $0xF7A, s1;
	s8 =	simm.s32 @!p0 $0x1BF5;
	p2 =	por !p2, p0  }
0x20: {  	[sflag:s8] =	ssyncset.s32 @!p0 $0xFFFFF086;
	s6 =	sadd.s32 @!p0 s3, s7;
	s7 =	simm.s32 @!p0 $0x108  }
0x21: {  	s3 =	sadd.s32 s3, s9;
	s6 =	sadd.s32 @!p0 $0x88, s6;
	s7 =	simm.s32 @p2 $0x1082  }
0x22: {  	[simem:s7], [sflag:s8] =	dma.local @!p0 [hbm:s6], $0xF7A  }
0x23: {  	s9 =	sor.u32 $0xD0000000, s2;
	s6 =	simm.s32 $0x108;
	_ =	swait.ge @!p0 [sflag:s8], $0x0  }
0x24: {  	s3 =	sadd.s32 $0x88, s3;
	s6 =	simm.s32 @!p1 $0x1082;
	[sflag:s4] =	ssyncset.s32 $0xFFFFF086  }
0x25: {  	[simem:s6], [sflag:s4] =	dma.local [hbm:s3], $0xF7A  }
0x26: {  	[smem:$0x3F99] =	sst s1;
	(tag) =	ssettag s2;
	_ =	strace s9  }
0x27: {  	s1 =	sld [smem:$0x3FA9]  }
0x28: {  	s2 =	sld [smem:$0x3FAA]  }
0x29: {  	s4 =	sld [smem:$0x3FAC]  }
0x2a: {  	p0 =	seq.s32 s5, $0x0;
	s5 =	sld [smem:$0x3FAD]  }
0x2b: {  	s6 =	sld [smem:$0x3FAE]  }
0x2c: {  	s7 =	sld [smem:$0x3FAF]  }
0x2d: {  	s3 =	simm.s32 $0x108;
	s8 =	sld [smem:$0x3FB0]  }
0x2e: {  	s3 =	simm.s32 @!p0 $0x1082;
	s9 =	sld [smem:$0x3FB1]  }
0x2f: {  	lr =	sadd.s32 s0, s3;
	s0 =	sld [smem:$0x3FA8]  }
0x30: {  	s3 =	sld [smem:$0x3FAB]  }
0x31: {  	[smem:$0x3FB4] =	sst s10  }
0x32: {  	s10 =	sld [smem:$0x3FB2];
	_ =	sdelay $0x3  }
0x33: {  	p0 =	seq.s32 s10, $0x1;
	s10 =	sld [smem:$0x3FB4];
	_ =	sdelay $0x3  }
0x34: {  	[smem:$0x3FB4] =	sst s10  }
0x35: {  	s10 =	sld [smem:$0x3FB3];
	_ =	sdelay $0x3  }
0x36: {  	p1 =	seq.s32 s10, $0x1;
	s10 =	sld [smem:$0x3FB4];
	_ =	sdelay $0x3  }
0x37: {  	[smem:$0x3FB4] =	sst s10  }
0x38: {  	s10 =	sld [smem:$0x3FB5]  }
0x39: {  	_ = 	snop;
	(pc) =	sbr.ind lr, $3  }
0x3a: {  	_ = 	snop  }
0x3b: {  	_ = 	snop  }
0x3c: {  	p2 =	seq.s32 s10, $0x1;
	s10 =	sld [smem:$0x3FB4]  }
0x3d: {  	_ =	shalt  }
0x3e: {  	_ =	shalt  }
0x3f: {  	_ =	shalt  }
0x40: {  	_ =	shalt  }
0x41: {  	_ =	shalt  }
0x42: {  	_ =	shalt  }
0x43: {  	_ =	shalt  }
0x44: {  	_ =	shalt  }
0x45: {  	_ =	shalt  }
0x46: {  	_ =	shalt  }
0x47: {  	_ =	shalt  }
0x48: {  	_ =	shalt  }
0x49: {  	_ =	shalt  }
0x4a: {  	_ =	shalt  }
0x4b: {  	_ =	shalt  }
0x4c: {  	_ =	shalt  }
0x4d: {  	_ =	shalt  }
0x4e: {  	_ =	shalt  }
0x4f: {  	_ =	shalt  }
0x50: {  	_ =	shalt  }
0x51: {  	_ =	shalt  }
0x52: {  	_ =	shalt  }
0x53: {  	_ =	shalt  }
0x54: {  	_ =	shalt  }
0x55: {  	_ =	shalt  }
0x56: {  	_ =	shalt  }
0x57: {  	_ =	shalt  }
0x58: {  	_ =	shalt  }
0x59: {  	_ =	shalt  }
0x5a: {  	_ =	shalt  }
0x5b: {  	_ =	shalt  }
0x5c: {  	_ =	shalt  }
0x5d: {  	_ =	shalt  }
0x5e: {  	_ =	shalt  }
0x5f: {  	_ =	shalt  }
0x60: {  	_ =	shalt  }
0x61: {  	_ =	shalt  }
0x62: {  	_ =	shalt  }
0x63: {  	_ =	shalt  }
0x64: {  	_ =	shalt  }
0x65: {  	_ =	shalt  }
0x66: {  	_ =	shalt  }
0x67: {  	_ =	shalt  }
0x68: {  	_ =	shalt  }
0x69: {  	_ =	shalt  }
0x6a: {  	_ =	shalt  }
0x6b: {  	_ =	shalt  }
0x6c: {  	_ =	shalt  }
0x6d: {  	_ =	shalt  }
0x6e: {  	_ =	shalt  }
0x6f: {  	_ =	shalt  }
0x70: {  	_ =	shalt  }
0x71: {  	_ =	shalt  }
0x72: {  	_ =	shalt  }
0x73: {  	_ =	shalt  }
0x74: {  	_ =	shalt  }
0x75: {  	_ =	shalt  }
0x76: {  	_ =	shalt  }
0x77: {  	_ =	shalt  }
0x78: {  	_ =	shalt  }
0x79: {  	_ =	shalt  }
0x7a: {  	_ =	shalt  }
0x7b: {  	_ =	shalt  }
0x7c: {  	_ =	shalt  }
0x7d: {  	_ =	shalt  }
0x7e: {  	_ =	shalt  }
0x7f: {  	_ =	shalt  }
0x80: {  	_ =	shalt  }
0x81: {  	_ =	shalt  }
0x82: {  	_ =	shalt  }
0x83: {  	_ =	shalt  }
0x84: {  	_ =	shalt  }
0x85: {  	_ =	shalt  }
0x86: {  	_ =	shalt  }
0x87: {  	_ =	shalt  }
.Lfunc_end0:
.L_simem_size_0:
called_computation.1_lowered:
.L_overlay_start_0:
0x88: {  	s2 =	sld [smem:$0x3FD9]  }
0x89: {  	s3 =	sld [smem:$0x3FFE];
	_ =	sdelay $0x1  }
0x8a: {  	s1 =	srdreg.scid  }
0x8b: {  	s0 =	sand.u32 $0x1, s1  }
0x8c: {  	s17 =	sshll.u32 s0, $0xA;
	s2 =	sadd.s32 s3, s2  }
0x8d: {  	s2 =	sadd.s32 s2, s17  }
0x8e: {  	[smem:$0x3FC0] =	sst s2  }
0x8f: {  	_ = 	snop  }
0x90: {  	s2 =	sld [smem:$0x3FD0];
	(tm) =	ssettm $0x1  }
0x91: {  	s18 =	sld [smem:$0x3FFB];
	_ =	sdelay $0x3  }
0x92: {  	_ =	strace s18  }
0x93: {  	s3 =	sld [smem:$0x3FFC];
	_ =	sdelay $0x3  }
0x94: {  	_ =	strace s3  }
0x95: {  	s3 =	sld [smem:$0x3FFD];
	_ =	sdelay $0x3  }
0x96: {  	_ =	strace s3  }
0x97: {  	_ =	strace $0x8FFFFFFF  }
0x98: {  	s19 =	sld [smem:$0x3FDB];
	_ =	sdelay $0x1  }
0x99: {  	s4 =	simm.s32 $_scs_section_size  }
0x9a: {  	s5 =	simm.s32 $_size__tile_overlayer_lowered;
	s6 =	simm.s32 $_tile_overlayer_lowered  }
0x9b: {  	s22 =	simm.s32 $0x1BFF;
	s21 =	sshll.u32 s6, $0x1;
	s3 =	sadd.s32 s4, s19  }
0x9c: {  	s7 =	simm.s32 $0x0;
	s20 =	sshll.u32 s5, $0x1;
	s5 =	sadd.s32 s21, s3  }
0x9d: {  	[timem:s7], [sflag:s22] =	dma.local [hbm:s5], s20  }
0x9e: {  	_ =	swait.ge [sflag:s22], s20  }
0x9f: {  	s4 =	ssub.s32 $0x0, s20;
	[sflag:s22] =	ssyncset.done $0x0  }
0xa0: {  	[sflag:s22] =	ssyncadd.s32 s4;
	_ =	sdelay $0x1  }
0xa1: {  	s23 =	simm.s32 $0x1B8B  }
0xa2: {  	_ =	swait.ge [sflag:s23], $0x1  }
0xa3: {  	[sflag:s23] =	ssyncset.done $0x0  }
0xa4: {  	s25 =	simm.s32 $0x1B8E;
	s24 =	sld [smem:$0x3FFE];
	[sflag:s23] =	ssyncadd.s32 $0xFFFFFFFF  }
0xa5: {  	s26 =	simm.s32 $execute0_lowered;
	[smem:$0x3FD2] =	sst s25  }
0xa6: {  	s5 =	sshll.u32 s26, $0x1;
	_ =	strace $0x80000049;
	[dreg:$0x1] =	wrdreg $0xFFFFFFFF  }
0xa7: {  	s28 =	simm.s32 $_size_execute0_lowered;
	s3 =	sadd.s32 s3, s5;
	[dreg:$0x0] =	wrdreg $0x0  }
0xa8: {  	s5 =	sshll.u32 s28, $0x1;
	[dreg:$0x2] =	wrdreg s3  }
0xa9: {  	[dreg:$0x3] =	wrdreg s5  }
0xaa: {  	[dreg:$0x4] =	wrdreg $0xC0  }
0xab: {  	_ =	task [dreg:s7], $0x5FFFF  }
0xac: {  	[dreg:$0x1] =	wrdreg $0xFFFFFFFF  }
0xad: {  	[dreg:$0x0] =	wrdreg $0x60  }
0xae: {  	[dreg:$0x2] =	wrdreg s24  }
0xaf: {  	[dreg:$0x3] =	wrdreg s2  }
0xb0: {  	[dreg:$0x4] =	wrdreg $0x11000  }
0xb1: {  	[dreg:$0x5] =	wrdreg $0x9  }
0xb2: {  	_ =	task.clear_ibuf [dreg:s7], $0x6FFFF;
	_ =	strace $0x90000049  }
0xb3: {  	s29 =	simm.s32 $0x9;
	_ =	strace $0x8000004B  }
0xb4: {  	_ =	swait.ge [sflag:s29], $0x1  }
0xb5: {  	[sflag:s29] =	ssyncadd.s32 $0xFFFFFFFF  }
0xb6: {  	_ =	strace $0x9000004B  }
0xb7: {  	_ =	sfence  }
0xb8: {  	s30 =	sld [smem:$0x0];
	_ =	sdelay $0x2  }
0xb9: {  	s31 =	sshll.u32 s1, $0xD;
	s1 =	sshrl.u32 s1, $0x2  }
0xba: {  	s3 =	sand.u32 $0x4000, s31;
	s1 =	sadd.s32 s1, s30  }
0xbb: {  	s0 =	sor.u32 s3, s0;
	s1 =	sshll.u32 s1, $0x11  }
0xbc: {  	s0 =	sor.u32 s1, s0  }
0xbd: {  	s0 =	sadd.s32 $0x8F2B, s0  }
0xbe: {  	[sflag:s0] =	ssyncadd.remote.s32 $0x1  }
0xbf: {  	_ =	sfence.sel $0xFFFF  }
0xc0: {  	[dreg:$0x0] =	wrdreg $0xFFFFFFFF;
	(pc) =	sbr.abs _section_cstart, $3  }
0xc1: {  	[dreg:$0x1] =	wrdreg $0xFFFFFFFF  }
0xc2: {  	_ =	task.clear_ibuf [dreg:s7], $0x2FFFF;
	_ =	strace $0x9FFFFFFF  }
0xc3: {  	(tm) =	ssettm $0x7FFFFFFF  }
tec
execute0_lowered:
.L_overlay_start_1:
0x0: {  	(tag) =	ssettag $0x1  }
0x1: {  	s4 =	rddreg [dreg:$0x0]  }
0x2: {  	s10 =	rddreg [dreg:$0x1]  }
0x3: {  	s1 =	rddreg [dreg:$0x2]  }
0x4: {  	s2 =	simm.s32 $0x0;
	s3 =	srdreg.scid;
	s0 =	stileid.u32  }
0x5: {  	s28 =	simm.s32 $0x0;
	[smem:$0x7FF] =	sst s2;
	s12 =	sadd.s32 $0x4ED000, s4  }
0x6: {  	s11 =	sand.u32 $0x1, s3;
	s13 =	sadd.s32 $0x1200, s4;
	s14 =	smul.u32 $0x2780, s0  }
0x7: {  	s4 =	sadd.s32 $0x589400, s4;
	s9 =	sshll.u32 s0, $0x6;
	s26 =	sshll.u32 s0, $0x4  }
0x8: {  	s30 =	sshll.u32 s0, $0x8;
	p0 =	sgt.u32 s0, $0x1;
	s6 =	smul.u32 $0x4E2, s11  }
0x9: {  	_ =	strace $0x8000004A;
	s5 =	ssub.s32 $0x2, s11;
	s21 =	smul.u32 $0x4E20, s11  }
0xa: {  	s23 =	smul.u32 $0x4E200, s11;
	s7 =	sshrl.u32 s5, $0x1;
	s17 =	sadd.s32 s14, s1  }
0xb: {  	s25 =	sshrl.u32 s14, $0x3;
	s15 =	ssub.s32 s5, s7;
	s16 =	sadd.s32 s0, s6  }
0xc: {  	s5 =	sor.u32 $0x1C07, s9;
	s29 =	sadd.s32 s23, s12;
	s23 =	simm.s32 $0x2  }
0xd: {  	s6 =	sshll.u32 s16, $0x4;
	s18 =	sshll.u32 s16, $0x7;
	s8 =	sshll.u32 s16, $0x8  }
0xe: {  	s20 =	sadd.s32 $0x4E0, s16;
	s31 =	sadd.s32 s30, s29;
	s16 =	simm.s32 $0x7  }
0xf: {  	s6 =	sadd.s32 s13, s6;
	s9 =	sadd.s32 $0x800, s18;
	s18 =	smul.u32 $0x4F00, s11  }
0x10: {  	s7 =	sadd.s32 s12, s8;
	s22 =	sshll.u32 s20, $0x4;
	s14 =	sshll.u32 s20, $0x8  }
0x11: {  	s20 =	simm.s32 $0x1;
	s19 =	sshrl.u32 s9, $0x3;
	s9 =	sshll.u32 s9, $0x1  }
0x12: {  	s11 =	sadd.s32 s13, s22;
	s22 =	simm.s32 $0x5;
	s8 =	sadd.s32 s13, s19  }
0x13: {  	s9 =	sadd.s32 s12, s9;
	s24 =	sadd.s32 s10, s18;
	s10 =	smax.u32 s15, $0x1  }
0x14: {  	s13 =	sadd.s32 s21, s13;
	s12 =	sadd.s32 s12, s14;
	s14 =	sadd.s32 $0x3000, s31  }
0x15: {  	s15 =	sshrl.u32 s17, $0x3;
	s17 =	simm.s32 $0x100;
	s18 =	simm.s32 $0x80  }
0x16: {  	s19 =	simm.s32 $0x900;
	s21 =	simm.s32 $0x3;
	s13 =	sadd.s32 s26, s13  }
0x17: {  	s24 =	sadd.s32 s25, s24;
	s25 =	simm.s32 $0x4;
	s26 =	simm.s32 $0x6  }
.LBB2_1:
0x18: {  	[spmem:s15], [sflag:s5] =	dma.local [hbm:s4], $0x4F0  }
0x19: {  	_ =	swait.ge [sflag:s16], $0x4F0  }
0x1a: {  	[sflag:s16] =	ssyncset.done $0x0  }
0x1b: {  	[sflag:s16] =	ssyncadd.s32 $0xFFFFFB10  }
0x1c: {  	[bflag:$0x0] =	sbarrier.arrive $0xFFFF  }
0x1d: {  	[tilespmem:s2], [sflag:$0x1] =	stream.linear.gather [hbm4b:s6+s2], $0x80, $0x38;
	[tilespmem:$0x3880] =	vst v63  }
0x1e: {  	_ = 	snop  }
0x1f: {  	[tilespmem:s17], [sflag:$0x3] =	stream.linear.gather [hbm4b:s7+s2], $0x800, $0x38;
	[tilespmem:$0x3880] =	vst v63  }
0x20: {  	_ = 	snop  }
0x21: {  	[tilespmem:s18], [sflag:$0x2] =	stream.linear.gather [hbm4b:s8+s2], $0x80, $0x38;
	[tilespmem:$0x3880] =	vst v63  }
0x22: {  	_ = 	snop  }
0x23: {  	[tilespmem:s19], [sflag:$0x4] =	stream.linear.gather [hbm4b:s9+s2], $0x800, $0x38;
	[tilespmem:$0x3880] =	vst v63  }
0x24: {  	_ =	swait.ge [sflag:s20], $0x80  }
0x25: {  	[sflag:s20] =	ssyncset.done $0x0  }
0x26: {  	[sflag:s20] =	ssyncadd.s32 $0xFFFFFF80  }
0x27: {  	_ =	swait.ge [sflag:s21], $0x800  }
0x28: {  	[sflag:s21] =	ssyncset.done $0x0  }
0x29: {  	[sflag:s21] =	ssyncadd.s32 $0xFFFFF800  }
0x2a: {  	[spmem:s1] =	stream.indirect.scatter.add.f32 [tilespmem:s17], [sflag:$0x5], $0x10, s2, s18, $0xb8;
	[tilespmem:$0x3880] =	vst v63  }
0x2b: {  	_ =	swait.ge [sflag:s22], $0x800  }
0x2c: {  	s29 =	sadd.s32 $0x0, s13;
	[sflag:s22] =	ssyncset.done $0x0  }
0x2d: {  	s30 =	sadd.s32 $0x200, s29;
	[sflag:s22] =	ssyncadd.s32 $0xFFFFF800  }
0x2e: {  	[tilespmem:s2], [sflag:$0x1] =	stream.linear.gather [hbm4b:s30+s2], $0x80, $0x38;
	[tilespmem:$0x3880] =	vst v63  }
0x2f: {  	s30 =	sadd.s32 $0xFFFFF000, s14  }
0x30: {  	[tilespmem:s17], [sflag:$0x3] =	stream.linear.gather [hbm4b:s30+s2], $0x800, $0x38;
	[tilespmem:$0x3880] =	vst v63  }
0x31: {  	_ =	swait.ge [sflag:s23], $0x80  }
0x32: {  	[sflag:s23] =	ssyncset.done $0x0  }
0x33: {  	[sflag:s23] =	ssyncadd.s32 $0xFFFFFF80  }
0x34: {  	_ =	swait.ge [sflag:s25], $0x800  }
0x35: {  	[sflag:s25] =	ssyncset.done $0x0  }
0x36: {  	[sflag:s25] =	ssyncadd.s32 $0xFFFFF800  }
0x37: {  	[spmem:s1] =	stream.indirect.scatter.add.f32 [tilespmem:s19], [sflag:$0x6], $0x10, s18, s18, $0xb8;
	[tilespmem:$0x3880] =	vst v63  }
0x38: {  	_ =	swait.ge [sflag:s26], $0x800  }
0x39: {  	[sflag:s26] =	ssyncset.done $0x0  }
0x3a: {  	s29 =	sadd.s32 $0x300, s29;
	[sflag:s26] =	ssyncadd.s32 $0xFFFFF800  }
0x3b: {  	[tilespmem:s18], [sflag:$0x2] =	stream.linear.gather [hbm4b:s29+s2], $0x80, $0x38;
	[tilespmem:$0x3880] =	vst v63  }
0x3c: {  	s31 =	smov.u32 s14;
	s30 =	sadd.s32 $0x2000, s14;
	s29 =	simm.s32 $0x200  }
.LBB2_2:
0x3d: {  	[tilespmem:s19], [sflag:$0x4] =	stream.linear.gather [hbm4b:s31+s2], $0x800, $0x38;
	[tilespmem:$0x3880] =	vst v63  }
0x3e: {  	s0 =	smov.u32 s29;
	s31 =	smov.u32 s30  }
0x3f: {  	p1 =	sne.s32 s29, $0x4A00;
	s29 =	sadd.s32 $0x200, s29;
	_ =	swait.ge [sflag:s20], $0x80  }
0x40: {  	[sflag:s20] =	ssyncset.done $0x0  }
0x41: {  	[sflag:s20] =	ssyncadd.s32 $0xFFFFFF80  }
0x42: {  	_ =	swait.ge [sflag:s21], $0x800  }
0x43: {  	[sflag:s21] =	ssyncset.done $0x0  }
0x44: {  	[sflag:s21] =	ssyncadd.s32 $0xFFFFF800  }
0x45: {  	[spmem:s1] =	stream.indirect.scatter.add.f32 [tilespmem:s17], [sflag:$0x5], $0x10, s2, s18, $0xb8;
	[tilespmem:$0x3880] =	vst v63  }
0x46: {  	_ =	swait.ge [sflag:s22], $0x800  }
0x47: {  	s0 =	sadd.s32 s0, s13;
	[sflag:s22] =	ssyncset.done $0x0  }
0x48: {  	s3 =	sadd.s32 $0x200, s0;
	[sflag:s22] =	ssyncadd.s32 $0xFFFFF800  }
0x49: {  	[tilespmem:s2], [sflag:$0x1] =	stream.linear.gather [hbm4b:s3+s2], $0x80, $0x38;
	[tilespmem:$0x3880] =	vst v63  }
0x4a: {  	s3 =	sadd.s32 $0xFFFFF000, s30  }
0x4b: {  	[tilespmem:s17], [sflag:$0x3] =	stream.linear.gather [hbm4b:s3+s2], $0x800, $0x38;
	[tilespmem:$0x3880] =	vst v63  }
0x4c: {  	_ =	swait.ge [sflag:s23], $0x80  }
0x4d: {  	[sflag:s23] =	ssyncset.done $0x0  }
0x4e: {  	[sflag:s23] =	ssyncadd.s32 $0xFFFFFF80  }
0x4f: {  	_ =	swait.ge [sflag:s25], $0x800  }
0x50: {  	[sflag:s25] =	ssyncset.done $0x0  }
0x51: {  	[sflag:s25] =	ssyncadd.s32 $0xFFFFF800  }
0x52: {  	[spmem:s1] =	stream.indirect.scatter.add.f32 [tilespmem:s19], [sflag:$0x6], $0x10, s18, s18, $0xb8;
	[tilespmem:$0x3880] =	vst v63  }
.Ltmp0:
0x53: {  	_ =	swait.ge [sflag:s26], $0x800;
	(pc) =	sbr.rel @p1 .LBB2_2-.Ltmp0, $4  }
0x54: {  	[sflag:s26] =	ssyncset.done $0x0  }
0x55: {  	s0 =	sadd.s32 $0x300, s0;
	[sflag:s26] =	ssyncadd.s32 $0xFFFFF800  }
0x56: {  	[tilespmem:s18], [sflag:$0x2] =	stream.linear.gather [hbm4b:s0+s2], $0x80, $0x38;
	[tilespmem:$0x3880] =	vst v63  }
0x57: {  	s30 =	sadd.s32 $0x2000, s30  }
0x58: {  	[tilespmem:s19], [sflag:$0x4] =	stream.linear.gather [hbm4b:s31+s2], $0x800, $0x38;
	[tilespmem:$0x3880] =	vst v63  }
0x59: {  	_ =	swait.ge [sflag:s20], $0x80  }
0x5a: {  	[sflag:s20] =	ssyncset.done $0x0  }
0x5b: {  	[sflag:s20] =	ssyncadd.s32 $0xFFFFFF80  }
0x5c: {  	_ =	swait.ge [sflag:s21], $0x800  }
0x5d: {  	[sflag:s21] =	ssyncset.done $0x0  }
0x5e: {  	[sflag:s21] =	ssyncadd.s32 $0xFFFFF800  }
0x5f: {  	[spmem:s1] =	stream.indirect.scatter.add.f32 [tilespmem:s17], [sflag:$0x5], $0x10, s2, s18, $0xb8;
	[tilespmem:$0x3880] =	vst v63  }
0x60: {  	_ =	swait.ge [sflag:s22], $0x800  }
0x61: {  	[sflag:s22] =	ssyncset.done $0x0  }
0x62: {  	s0 =	simm.s32 @!p0 $0x0;
	[sflag:s22] =	ssyncadd.s32 $0xFFFFF800  }
0x63: {  	[tilespmem:s0], [sflag:$0x1] =	stream.linear.gather @!p0 [hbm4b:s11+s0], $0x80, $0x38;
	[tilespmem:$0x3880] =	vst v63  }
0x64: {  	s3 =	simm.s32 @!p0 $0x100  }
0x65: {  	[tilespmem:s3], [sflag:$0x3] =	stream.linear.gather @!p0 [hbm4b:s12+s0], $0x800, $0x38;
	[tilespmem:$0x3880] =	vst v63  }
0x66: {  	_ =	swait.ge [sflag:s23], $0x80  }
0x67: {  	[sflag:s23] =	ssyncset.done $0x0  }
0x68: {  	[sflag:s23] =	ssyncadd.s32 $0xFFFFFF80  }
0x69: {  	_ =	swait.ge [sflag:s25], $0x800  }
0x6a: {  	[sflag:s25] =	ssyncset.done $0x0  }
0x6b: {  	[sflag:s25] =	ssyncadd.s32 $0xFFFFF800  }
0x6c: {  	[spmem:s1] =	stream.indirect.scatter.add.f32 [tilespmem:s19], [sflag:$0x6], $0x10, s18, s18, $0xb8;
	[tilespmem:$0x3880] =	vst v63  }
0x6d: {  	_ =	swait.ge [sflag:s26], $0x800  }
0x6e: {  	[sflag:s26] =	ssyncset.done $0x0  }
0x6f: {  	s29 =	simm.s32 @!p0 $0x1;
	[sflag:s26] =	ssyncadd.s32 $0xFFFFF800  }
0x70: {  	_ =	swait.ge @!p0 [sflag:s29], $0x80  }
0x71: {  	[sflag:s29] =	ssyncset.done @!p0 $0x0  }
0x72: {  	[sflag:s29] =	ssyncadd.s32 @!p0 $0xFFFFFF80;
	s29 =	simm.s32 @!p0 $0x3  }
0x73: {  	_ =	swait.ge @!p0 [sflag:s29], $0x800  }
0x74: {  	[sflag:s29] =	ssyncset.done @!p0 $0x0  }
0x75: {  	[sflag:s29] =	ssyncadd.s32 @!p0 $0xFFFFF800;
	s29 =	simm.s32 @!p0 $0x80  }
0x76: {  	[spmem:s1] =	stream.indirect.scatter.add.f32 @!p0 [tilespmem:s3], [sflag:$0x5], $0x10, s0, s29, $0xb8;
	[tilespmem:$0x3880] =	vst v63  }
0x77: {  	s0 =	simm.s32 @!p0 $0x5  }
0x78: {  	_ =	swait.ge @!p0 [sflag:s0], $0x800  }
0x79: {  	s28 =	sadd.s32 $0x1, s28;
	[sflag:s0] =	ssyncset.done @!p0 $0x0  }
0x7a: {  	p1 =	sne.s32 s28, s10;
	[sflag:s0] =	ssyncadd.s32 @!p0 $0xFFFFF800  }
.Ltmp1:
0x7b: {  	[bflag:$0x0] =	sbarrier.arrive $0xFFFF;
	(pc) =	sbr.rel @p1 .LBB2_1-.Ltmp1, $4  }
0x7c: {  	[hbm:s24], [sflag:s5] =	dma.local [spmem:s15], $0x4F0  }
0x7d: {  	_ =	swait.ge [sflag:s16], $0x4F0  }
0x7e: {  	[sflag:s16] =	ssyncset.done $0x0  }
0x7f: {  	[sflag:s16] =	ssyncadd.s32 $0xFFFFFB10  }
0x80: {  	_ =	sfence.sel $0x180000  }
0x81: {  	[bflag:$0x0] =	sbarrier.arrive $0xFFFF  }
0x82: {  	_ =	strace $0x9000004A  }
0x83: {  	s0 =	stileid.u32;
	[bflag:$0x2] =	sbarrier.arrive $0xFFFF  }
0x84: {  	p0 =	sne.s32 s0, $0x0;
	s0 =	rddreg [dreg:$0x3]  }
0x85: {  	s0 =	sadd.s32 @!p0 $0x100000, s0  }
0x86: {  	[sflag:s0] =	ssyncadd.tile.s32 @!p0 $0x1;
	_ =	shalt  }
.Lfunc_end2:
_tile_overlayer_lowered:
.L_overlay_start_2:
0x87: {  	(tag) =	ssettag $0x2  }
0x88: {  	s0 =	rddreg [dreg:$0x0];
	s2 =	stileid.u32  }
0x89: {  	s1 =	rddreg [dreg:$0x1];
	p0 =	sne.s32 s2, $0x0  }
0x8a: {  	s3 =	rddreg [dreg:$0x2];
	[bflag:$0x3] =	sbarrier.arrive $0xFFFF;
	s2 =	simm.s32 @!p0 $0x1C07  }
0x8b: {  	[timem:s3], [sflag:s2] =	dma.local @!p0 [hbm:s0], s1  }
0x8c: {  	s0 =	simm.s32 @!p0 $0x7  }
0x8d: {  	_ =	swait.ge @!p0 [sflag:s0], s1  }
0x8e: {  	s1 =	ssub.s32 @!p0 $0x0, s1;
	[sflag:s0] =	ssyncset.done @!p0 $0x0  }
0x8f: {  	[sflag:s0] =	ssyncadd.s32 @!p0 s1  }
0x90: {  	[bflag:$0x3] =	sbarrier.arrive $0xFFFF  }
0x91: {  	_ =	shalt  }

// kernel: kernel.17.cloned.1.call-start
scs
__scs_entry_jumppad:
0x0: {  	(pc) =	sbr.rel $0x88, $3  }
0x1: {  	(tag) =	ssettag $0x0;
	lr =	simm.s32 $0x1  }
0x2: {  	[smem:$0x3F99] =	sst lr;
	_ =	strace $0xD0000000  }
0x3: {  	_ = 	snop  }
0x4: {  	_ = 	snop  }
0x5: {  	_ = 	snop  }
0x6: {  	_ = 	snop  }
0x7: {  	_ = 	snop  }
__scs_overlays_trampoline_lowered:
0x8: {  	[smem:$0x3FA8] =	sst s0  }
0x9: {  	[smem:$0x3FA9] =	sst s1  }
0xa: {  	[smem:$0x3FAA] =	sst s2  }
0xb: {  	[smem:$0x3FAB] =	sst s3  }
0xc: {  	[smem:$0x3FAC] =	sst s4  }
0xd: {  	[smem:$0x3FAD] =	sst s5  }
0xe: {  	[smem:$0x3FAE] =	sst s6  }
0xf: {  	[smem:$0x3FAF] =	sst s7  }
0x10: {  	[smem:$0x3FB0] =	sst s8  }
0x11: {  	[smem:$0x3FB1] =	sst s9;
	s0 =	simm.s32 @!p0 $0x0  }
0x12: {  	s1 =	sld [smem:$0x3F97];
	s0 =	simm.s32 @p0 $0x1  }
0x13: {  	[smem:$0x3FB2] =	sst s0;
	s0 =	simm.s32 @!p1 $0x0  }
0x14: {  	s2 =	sld [smem:$0x3F96];
	s0 =	simm.s32 @p1 $0x1  }
0x15: {  	[smem:$0x3FB3] =	sst s0;
	s0 =	simm.s32 @!p2 $0x0  }
0x16: {  	s3 =	sld [smem:$0x3FDB];
	s0 =	simm.s32 @p2 $0x1  }
0x17: {  	s4 =	simm.s32 $0x1BF5;
	[smem:$0x3FB5] =	sst s0  }
0x18: {  	s0 =	sld [smem:$0x3F98];
	_ =	swait.ge [sflag:s4], $0x0  }
0x19: {  	s7 =	sld [smem:$0x3F99]  }
0x1a: {  	s8 =	sadd.s32 $0xFFFFE003, lr  }
0x1b: {  	s9 =	sadd.s32 $0xFFFFFEF7, lr;
	s5 =	simm.s32 $0xFFFFFFFF;
	p2 =	slt.u32 s8, $0xFFFFF086  }
0x1c: {  	p1 =	slt.u32 s9, $0xF7A;
	s5 =	simm.s32 @!p2 $0x0  }
0x1d: {  	s5 =	simm.s32 @p1 $0x1;
	p0 =	seq.s32 s7, s2  }
0x1e: {  	s7 =	smul.u32 @!p0 $0xF7A, s2;
	p2 =	seq.s32 @!p0 s5, $0x0  }
0x1f: {  	s9 =	smul.u32 $0xF7A, s1;
	s8 =	simm.s32 @!p0 $0x1BF5;
	p2 =	por !p2, p0  }
0x20: {  	[sflag:s8] =	ssyncset.s32 @!p0 $0xFFFFF086;
	s6 =	sadd.s32 @!p0 s3, s7;
	s7 =	simm.s32 @!p0 $0x108  }
0x21: {  	s3 =	sadd.s32 s3, s9;
	s6 =	sadd.s32 @!p0 $0x88, s6;
	s7 =	simm.s32 @p2 $0x1082  }
0x22: {  	[simem:s7], [sflag:s8] =	dma.local @!p0 [hbm:s6], $0xF7A  }
0x23: {  	s9 =	sor.u32 $0xD0000000, s2;
	s6 =	simm.s32 $0x108;
	_ =	swait.ge @!p0 [sflag:s8], $0x0  }
0x24: {  	s3 =	sadd.s32 $0x88, s3;
	s6 =	simm.s32 @!p1 $0x1082;
	[sflag:s4] =	ssyncset.s32 $0xFFFFF086  }
0x25: {  	[simem:s6], [sflag:s4] =	dma.local [hbm:s3], $0xF7A  }
0x26: {  	[smem:$0x3F99] =	sst s1;
	(tag) =	ssettag s2;
	_ =	strace s9  }
0x27: {  	s1 =	sld [smem:$0x3FA9]  }
0x28: {  	s2 =	sld [smem:$0x3FAA]  }
0x29: {  	s4 =	sld [smem:$0x3FAC]  }
0x2a: {  	p0 =	seq.s32 s5, $0x0;
	s5 =	sld [smem:$0x3FAD]  }
0x2b: {  	s6 =	sld [smem:$0x3FAE]  }
0x2c: {  	s7 =	sld [smem:$0x3FAF]  }
0x2d: {  	s3 =	simm.s32 $0x108;
	s8 =	sld [smem:$0x3FB0]  }
0x2e: {  	s3 =	simm.s32 @!p0 $0x1082;
	s9 =	sld [smem:$0x3FB1]  }
0x2f: {  	lr =	sadd.s32 s0, s3;
	s0 =	sld [smem:$0x3FA8]  }
0x30: {  	s3 =	sld [smem:$0x3FAB]  }
0x31: {  	[smem:$0x3FB4] =	sst s10  }
0x32: {  	s10 =	sld [smem:$0x3FB2];
	_ =	sdelay $0x3  }
0x33: {  	p0 =	seq.s32 s10, $0x1;
	s10 =	sld [smem:$0x3FB4];
	_ =	sdelay $0x3  }
0x34: {  	[smem:$0x3FB4] =	sst s10  }
0x35: {  	s10 =	sld [smem:$0x3FB3];
	_ =	sdelay $0x3  }
0x36: {  	p1 =	seq.s32 s10, $0x1;
	s10 =	sld [smem:$0x3FB4];
	_ =	sdelay $0x3  }
0x37: {  	[smem:$0x3FB4] =	sst s10  }
0x38: {  	s10 =	sld [smem:$0x3FB5]  }
0x39: {  	_ = 	snop;
	(pc) =	sbr.ind lr, $3  }
0x3a: {  	_ = 	snop  }
0x3b: {  	_ = 	snop  }
0x3c: {  	p2 =	seq.s32 s10, $0x1;
	s10 =	sld [smem:$0x3FB4]  }
0x3d: {  	_ =	shalt  }
0x3e: {  	_ =	shalt  }
0x3f: {  	_ =	shalt  }
0x40: {  	_ =	shalt  }
0x41: {  	_ =	shalt  }
0x42: {  	_ =	shalt  }
0x43: {  	_ =	shalt  }
0x44: {  	_ =	shalt  }
0x45: {  	_ =	shalt  }
0x46: {  	_ =	shalt  }
0x47: {  	_ =	shalt  }
0x48: {  	_ =	shalt  }
0x49: {  	_ =	shalt  }
0x4a: {  	_ =	shalt  }
0x4b: {  	_ =	shalt  }
0x4c: {  	_ =	shalt  }
0x4d: {  	_ =	shalt  }
0x4e: {  	_ =	shalt  }
0x4f: {  	_ =	shalt  }
0x50: {  	_ =	shalt  }
0x51: {  	_ =	shalt  }
0x52: {  	_ =	shalt  }
0x53: {  	_ =	shalt  }
0x54: {  	_ =	shalt  }
0x55: {  	_ =	shalt  }
0x56: {  	_ =	shalt  }
0x57: {  	_ =	shalt  }
0x58: {  	_ =	shalt  }
0x59: {  	_ =	shalt  }
0x5a: {  	_ =	shalt  }
0x5b: {  	_ =	shalt  }
0x5c: {  	_ =	shalt  }
0x5d: {  	_ =	shalt  }
0x5e: {  	_ =	shalt  }
0x5f: {  	_ =	shalt  }
0x60: {  	_ =	shalt  }
0x61: {  	_ =	shalt  }
0x62: {  	_ =	shalt  }
0x63: {  	_ =	shalt  }
0x64: {  	_ =	shalt  }
0x65: {  	_ =	shalt  }
0x66: {  	_ =	shalt  }
0x67: {  	_ =	shalt  }
0x68: {  	_ =	shalt  }
0x69: {  	_ =	shalt  }
0x6a: {  	_ =	shalt  }
0x6b: {  	_ =	shalt  }
0x6c: {  	_ =	shalt  }
0x6d: {  	_ =	shalt  }
0x6e: {  	_ =	shalt  }
0x6f: {  	_ =	shalt  }
0x70: {  	_ =	shalt  }
0x71: {  	_ =	shalt  }
0x72: {  	_ =	shalt  }
0x73: {  	_ =	shalt  }
0x74: {  	_ =	shalt  }
0x75: {  	_ =	shalt  }
0x76: {  	_ =	shalt  }
0x77: {  	_ =	shalt  }
0x78: {  	_ =	shalt  }
0x79: {  	_ =	shalt  }
0x7a: {  	_ =	shalt  }
0x7b: {  	_ =	shalt  }
0x7c: {  	_ =	shalt  }
0x7d: {  	_ =	shalt  }
0x7e: {  	_ =	shalt  }
0x7f: {  	_ =	shalt  }
0x80: {  	_ =	shalt  }
0x81: {  	_ =	shalt  }
0x82: {  	_ =	shalt  }
0x83: {  	_ =	shalt  }
0x84: {  	_ =	shalt  }
0x85: {  	_ =	shalt  }
0x86: {  	_ =	shalt  }
0x87: {  	_ =	shalt  }
.Lfunc_end0:
.L_simem_size_0:
called_computation.2_lowered:
.L_overlay_start_0:
0x88: {  	s2 =	sld [smem:$0x3FD9]  }
0x89: {  	s3 =	sld [smem:$0x3FFE];
	_ =	sdelay $0x1  }
0x8a: {  	s1 =	srdreg.scid  }
0x8b: {  	s0 =	sand.u32 $0x1, s1  }
0x8c: {  	s17 =	sshll.u32 s0, $0xA;
	s2 =	sadd.s32 s3, s2  }
0x8d: {  	s2 =	sadd.s32 s2, s17  }
0x8e: {  	[smem:$0x3FC0] =	sst s2  }
0x8f: {  	_ = 	snop  }
0x90: {  	s2 =	sld [smem:$0x3FD0];
	(tm) =	ssettm $0x1  }
0x91: {  	s18 =	sld [smem:$0x3FFB];
	_ =	sdelay $0x3  }
0x92: {  	_ =	strace s18  }
0x93: {  	s3 =	sld [smem:$0x3FFC];
	_ =	sdelay $0x3  }
0x94: {  	_ =	strace s3  }
0x95: {  	s3 =	sld [smem:$0x3FFD];
	_ =	sdelay $0x3  }
0x96: {  	_ =	strace s3  }
0x97: {  	_ =	strace $0x8FFFFFFF  }
0x98: {  	s19 =	sld [smem:$0x3FDB];
	_ =	sdelay $0x1  }
0x99: {  	s4 =	simm.s32 $_scs_section_size  }
0x9a: {  	s5 =	simm.s32 $_size__tile_overlayer_lowered;
	s6 =	simm.s32 $_tile_overlayer_lowered  }
0x9b: {  	s22 =	simm.s32 $0x1BFF;
	s21 =	sshll.u32 s6, $0x1;
	s3 =	sadd.s32 s4, s19  }
0x9c: {  	s7 =	simm.s32 $0x0;
	s20 =	sshll.u32 s5, $0x1;
	s5 =	sadd.s32 s21, s3  }
0x9d: {  	[timem:s7], [sflag:s22] =	dma.local [hbm:s5], s20  }
0x9e: {  	_ =	swait.ge [sflag:s22], s20  }
0x9f: {  	s4 =	ssub.s32 $0x0, s20;
	[sflag:s22] =	ssyncset.done $0x0  }
0xa0: {  	[sflag:s22] =	ssyncadd.s32 s4;
	_ =	sdelay $0x1  }
0xa1: {  	s23 =	simm.s32 $0x1B8B  }
0xa2: {  	_ =	swait.ge [sflag:s23], $0x1  }
0xa3: {  	[sflag:s23] =	ssyncset.done $0x0  }
0xa4: {  	s25 =	simm.s32 $0x1B8E;
	s24 =	sld [smem:$0x3FFE];
	[sflag:s23] =	ssyncadd.s32 $0xFFFFFFFF  }
0xa5: {  	s26 =	simm.s32 $execute0_lowered;
	[smem:$0x3FD2] =	sst s25  }
0xa6: {  	s5 =	sshll.u32 s26, $0x1;
	_ =	strace $0x8000004C;
	[dreg:$0x1] =	wrdreg $0xFFFFFFFF  }
0xa7: {  	s28 =	simm.s32 $_size_execute0_lowered;
	s3 =	sadd.s32 s3, s5;
	[dreg:$0x0] =	wrdreg $0x0  }
0xa8: {  	s5 =	sshll.u32 s28, $0x1;
	[dreg:$0x2] =	wrdreg s3  }
0xa9: {  	[dreg:$0x3] =	wrdreg s5  }
0xaa: {  	[dreg:$0x4] =	wrdreg $0xC0  }
0xab: {  	_ =	task [dreg:s7], $0x5FFFF  }
0xac: {  	[dreg:$0x1] =	wrdreg $0xFFFFFFFF  }
0xad: {  	[dreg:$0x0] =	wrdreg $0x60  }
0xae: {  	[dreg:$0x2] =	wrdreg s2  }
0xaf: {  	[dreg:$0x3] =	wrdreg s24  }
0xb0: {  	[dreg:$0x4] =	wrdreg $0x9  }
0xb1: {  	_ =	task.clear_ibuf [dreg:s7], $0x5FFFF;
	_ =	strace $0x9000004C  }
0xb2: {  	s29 =	simm.s32 $0x9;
	_ =	strace $0x8000004E  }
0xb3: {  	_ =	swait.ge [sflag:s29], $0x1  }
0xb4: {  	[sflag:s29] =	ssyncadd.s32 $0xFFFFFFFF  }
0xb5: {  	_ =	strace $0x9000004E  }
0xb6: {  	_ =	sfence  }
0xb7: {  	s30 =	sld [smem:$0x0];
	_ =	sdelay $0x2  }
0xb8: {  	s31 =	sshll.u32 s1, $0xD;
	s1 =	sshrl.u32 s1, $0x2  }
0xb9: {  	s3 =	sand.u32 $0x4000, s31;
	s1 =	sadd.s32 s1, s30  }
0xba: {  	s0 =	sor.u32 s3, s0;
	s1 =	sshll.u32 s1, $0x11  }
0xbb: {  	s0 =	sor.u32 s1, s0  }
0xbc: {  	s0 =	sadd.s32 $0x8F2B, s0  }
0xbd: {  	[sflag:s0] =	ssyncadd.remote.s32 $0x1  }
0xbe: {  	_ =	sfence.sel $0xFFFF  }
0xbf: {  	[dreg:$0x0] =	wrdreg $0xFFFFFFFF;
	(pc) =	sbr.abs _section_cstart, $3  }
0xc0: {  	[dreg:$0x1] =	wrdreg $0xFFFFFFFF  }
0xc1: {  	_ =	task.clear_ibuf [dreg:s7], $0x2FFFF;
	_ =	strace $0x9FFFFFFF  }
0xc2: {  	(tm) =	ssettm $0x7FFFFFFF  }
0xc3: {  	_ =	shalt  }
tec
execute0_lowered:
.L_overlay_start_1:
0x0: {  	(tag) =	ssettag $0x1  }
0x1: {  	s1 =	srdreg.scid  }
0x2: {  	s0 =	stileid.u32;
	s2 =	rddreg [dreg:$0x0]  }
0x3: {  	s4 =	rddreg [dreg:$0x1];
	s3 =	simm.s32 $0x0;
	s16 =	simm.s32 $0x3  }
0x4: {  	s17 =	simm.s32 $0x2;
	s18 =	simm.s32 $0x4;
	s19 =	simm.s32 $0x10  }
0x5: {  	s20 =	simm.s32 $0x2700;
	s21 =	simm.s32 $0x0;
	s11 =	smul.u32 $0x9C40, s0  }
0x6: {  	s6 =	sand.u32 $0x1, s1;
	s1 =	rddreg [dreg:$0x2];
	s14 =	smul.u32 $0x4E200, s0  }
0x7: {  	s25 =	sshll.u32 s0, $0x1;
	[smem:$0x7FF] =	sst s3;
	s12 =	smul.u32 $0x4E20, s6  }
0x8: {  	s10 =	sadd.s32 $0x4ED000, s4;
	s5 =	sor.u32 s6, s25;
	s15 =	smul.u32 $0x27100, s6  }
0x9: {  	_ =	strace $0x8000004D;
	s26 =	ssub.s32 $0x2, s6;
	s7 =	smul.u32 $0x4E2, s5  }
0xa: {  	s8 =	smul.u32 $0x27100, s5;
	s28 =	sshrl.u32 s26, $0x1;
	s29 =	sadd.s32 s11, s10  }
0xb: {  	s9 =	smul.u32 $0x4E20, s5;
	s13 =	ssub.s32 s26, s28;
	s11 =	sadd.s32 s12, s29  }
0xc: {  	s30 =	sadd.s32 s15, s14;
	s12 =	simm.s32 $0x80;
	s14 =	simm.s32 $0x2F10  }
0xd: {  	s15 =	simm.s32 $0x1;
	s7 =	sadd.s32 s7, s4;
	s8 =	sshrl.u32 s8, $0x3  }
0xe: {  	s6 =	smax.u32 s13, $0x1;
	s9 =	sadd.s32 s9, s10;
	s31 =	sshrl.u32 s30, $0x3  }
0xf: {  	s13 =	simm.s32 $0x2710;
	s8 =	sadd.s32 s10, s8;
	s4 =	sadd.s32 $0x1200, s7  }
0x10: {  	s10 =	sadd.s32 s31, s10;
	s5 =	sadd.s32 $0x4E00, s8;
	s7 =	sadd.s32 $0x4C00, s8  }
0x11: {  	s8 =	sadd.s32 $0x4D00, s9;
	s9 =	sadd.s32 $0x100, s11;
	s11 =	simm.s32 $0x5  }
.LBB2_1:
0x12: {  	[tilespmem:s3], [sflag:$0x5] =	stream.linear.gather [hbm4b:s4+s3], $0x2710, $0x38;
	[tilespmem:$0x3710] =	vst v63  }
0x13: {  	_ =	swait.ge [sflag:s11], $0x2710  }
0x14: {  	[sflag:s11] =	ssyncset.done $0x0  }
0x15: {  	[sflag:s11] =	ssyncadd.s32 $0xFFFFD8F0  }
0x16: {  	[tilespmem:s13], [sflag:$0x1] =	stream.indirect.gather [hbm4b:s2+s12], $0x10, s3, s12, $0xb8;
	[tilespmem:$0x3710] =	vst v63  }
0x17: {  	_ = 	snop  }
0x18: {  	[tilespmem:s14], [sflag:$0x2] =	stream.indirect.gather [hbm4b:s2+s12], $0x10, s12, s12, $0xb8;
	[tilespmem:$0x3710] =	vst v63  }
0x19: {  	_ =	swait.ge [sflag:s15], $0x800  }
0x1a: {  	[sflag:s15] =	ssyncset.done $0x0  }
0x1b: {  	s22 =	sadd.s32 $0x0, s10;
	[sflag:s15] =	ssyncadd.s32 $0xFFFFF800  }
0x1c: {  	[hbm4b:s22+s3] =	stream.linear.scatter [tilespmem:s13], [sflag:$0x3], $0x800, $0x38;
	[tilespmem:$0x3710] =	vst v63  }
0x1d: {  	_ =	swait.ge [sflag:s16], $0x800  }
0x1e: {  	[sflag:s16] =	ssyncset.done $0x0  }
0x1f: {  	s30 =	simm.s32 $0x100;
	[sflag:s16] =	ssyncadd.s32 $0xFFFFF800  }
0x20: {  	[tilespmem:s13], [sflag:$0x1] =	stream.indirect.gather [hbm4b:s2+s12], $0x10, s30, s12, $0xb8;
	[tilespmem:$0x3710] =	vst v63  }
0x21: {  	_ =	swait.ge [sflag:s17], $0x800  }
0x22: {  	[sflag:s17] =	ssyncset.done $0x0  }
0x23: {  	s31 =	sadd.s32 $0x0, s9;
	[sflag:s17] =	ssyncadd.s32 $0xFFFFF800  }
0x24: {  	[hbm4b:s31+s3] =	stream.linear.scatter [tilespmem:s14], [sflag:$0x4], $0x800, $0x38;
	[tilespmem:$0x3710] =	vst v63  }
0x25: {  	_ =	swait.ge [sflag:s18], $0x800  }
0x26: {  	s23 =	simm.s32 $0x200;
	[sflag:s18] =	ssyncset.done $0x0  }
0x27: {  	s24 =	simm.s32 $0x280;
	s22 =	simm.s32 $0x180;
	[sflag:s18] =	ssyncadd.s32 $0xFFFFF800  }
.LBB2_2:
0x28: {  	[tilespmem:s14], [sflag:$0x2] =	stream.indirect.gather [hbm4b:s2+s12], $0x10, s22, s12, $0xb8;
	[tilespmem:$0x3710] =	vst v63  }
0x29: {  	s25 =	smov.u32 s23;
	s22 =	smov.u32 s24  }
0x2a: {  	p0 =	sne.s32 s23, $0x4A00;
	s23 =	sadd.s32 $0x200, s23;
	_ =	swait.ge [sflag:s15], $0x800  }
0x2b: {  	[sflag:s15] =	ssyncset.done $0x0  }
0x2c: {  	s26 =	sadd.s32 s25, s10;
	[sflag:s15] =	ssyncadd.s32 $0xFFFFF800  }
0x2d: {  	[hbm4b:s26+s3] =	stream.linear.scatter [tilespmem:s13], [sflag:$0x3], $0x800, $0x38;
	[tilespmem:$0x3710] =	vst v63  }
0x2e: {  	_ =	swait.ge [sflag:s16], $0x800  }
0x2f: {  	[sflag:s16] =	ssyncset.done $0x0  }
0x30: {  	s26 =	sadd.s32 $0xFFFFFF80, s24;
	[sflag:s16] =	ssyncadd.s32 $0xFFFFF800  }
0x31: {  	[tilespmem:s13], [sflag:$0x1] =	stream.indirect.gather [hbm4b:s2+s12], $0x10, s26, s12, $0xb8;
	[tilespmem:$0x3710] =	vst v63  }
0x32: {  	_ =	swait.ge [sflag:s17], $0x800  }
0x33: {  	[sflag:s17] =	ssyncset.done $0x0  }
.Ltmp0:
0x34: {  	s25 =	sadd.s32 s25, s9;
	[sflag:s17] =	ssyncadd.s32 $0xFFFFF800;
	(pc) =	sbr.rel @p0 .LBB2_2-.Ltmp0, $4  }
0x35: {  	[hbm4b:s25+s3] =	stream.linear.scatter [tilespmem:s14], [sflag:$0x4], $0x800, $0x38;
	[tilespmem:$0x3710] =	vst v63  }
0x36: {  	_ =	swait.ge [sflag:s18], $0x800  }
0x37: {  	[sflag:s18] =	ssyncset.done $0x0  }
0x38: {  	s24 =	sadd.s32 $0x100, s24;
	[sflag:s18] =	ssyncadd.s32 $0xFFFFF800  }
0x39: {  	[tilespmem:s14], [sflag:$0x2] =	stream.indirect.gather [hbm4b:s2+s12], $0x10, s22, s12, $0xb8;
	[tilespmem:$0x3710] =	vst v63  }
0x3a: {  	_ =	swait.ge [sflag:s15], $0x800  }
0x3b: {  	[sflag:s15] =	ssyncset.done $0x0  }
0x3c: {  	[sflag:s15] =	ssyncadd.s32 $0xFFFFF800  }
0x3d: {  	[hbm4b:s7+s3] =	stream.linear.scatter [tilespmem:s13], [sflag:$0x3], $0x800, $0x38;
	[tilespmem:$0x3710] =	vst v63  }
0x3e: {  	_ =	swait.ge [sflag:s16], $0x800  }
0x3f: {  	[sflag:s16] =	ssyncset.done $0x0  }
0x40: {  	[sflag:s16] =	ssyncadd.s32 $0xFFFFF800  }
0x41: {  	_ =	swait.ge [sflag:s17], $0x800  }
0x42: {  	[sflag:s17] =	ssyncset.done $0x0  }
0x43: {  	[sflag:s17] =	ssyncadd.s32 $0xFFFFF800  }
0x44: {  	[hbm4b:s8+s3] =	stream.linear.scatter [tilespmem:s14], [sflag:$0x4], $0x800, $0x38;
	[tilespmem:$0x3710] =	vst v63  }
0x45: {  	_ =	swait.ge [sflag:s18], $0x800  }
0x46: {  	[sflag:s18] =	ssyncset.done $0x0  }
0x47: {  	[sflag:s18] =	ssyncadd.s32 $0xFFFFF800  }
0x48: {  	[tilespmem:s13], [sflag:$0x5] =	stream.indirect.gather [hbm4b:s2+s19], $0x10, s20, s19, $0xb8;
	[tilespmem:$0x3710] =	vst v63  }
0x49: {  	s21 =	sadd.s32 $0x1, s21;
	_ =	swait.ge [sflag:s11], $0x100  }
0x4a: {  	p0 =	sne.s32 s21, s6;
	[sflag:s11] =	ssyncset.done $0x0  }
.Ltmp1:
0x4b: {  	[sflag:s11] =	ssyncadd.s32 $0xFFFFFF00;
	(pc) =	sbr.rel @p0 .LBB2_1-.Ltmp1, $4  }
0x4c: {  	[hbm4b:s5+s3] =	stream.linear.scatter [tilespmem:s13], [sflag:$0x5], $0x100, $0x38;
	[tilespmem:$0x3710] =	vst v63  }
0x4d: {  	_ =	swait.ge [sflag:s11], $0x100  }
0x4e: {  	[sflag:s11] =	ssyncset.done $0x0  }
0x4f: {  	[sflag:s11] =	ssyncadd.s32 $0xFFFFFF00  }
0x50: {  	_ =	sfence.sel $0x180000  }
0x51: {  	[bflag:$0x0] =	sbarrier.arrive $0xFFFF  }
0x52: {  	p0 =	sne.s32 s0, $0x0;
	_ =	strace $0x9000004D  }
0x53: {  	s0 =	sadd.s32 @!p0 $0x100000, s1;
	[bflag:$0x2] =	sbarrier.arrive $0xFFFF  }
0x54: {  	[sflag:s0] =	ssyncadd.tile.s32 @!p0 $0x1;
	_ =	shalt  }
.Lfunc_end2:
_tile_overlayer_lowered:
.L_overlay_start_2:
0x55: {  	(tag) =	ssettag $0x2  }
0x56: {  	s0 =	rddreg [dreg:$0x0];
	s2 =	stileid.u32  }
0x57: {  	s1 =	rddreg [dreg:$0x1];
	p0 =	sne.s32 s2, $0x0  }
0x58: {  	s3 =	rddreg [dreg:$0x2];
	[bflag:$0x3] =	sbarrier.arrive $0xFFFF;
	s2 =	simm.s32 @!p0 $0x1C05  }
0x59: {  	[timem:s3], [sflag:s2] =	dma.local @!p0 [hbm:s0], s1  }
0x5a: {  	s0 =	simm.s32 @!p0 $0x5  }
0x5b: {  	_ =	swait.ge @!p0 [sflag:s0], s1  }
0x5c: {  	s1 =	ssub.s32 @!p0 $0x0, s1;
	[sflag:s0] =	ssyncset.done @!p0 $0x0  }
0x5d: {  	[sflag:s0] =	ssyncadd.s32 @!p0 s1  }
0x5e: {  	[bflag:$0x3] =	sbarrier.arrive $0xFFFF  }
0x5f: {  	_ =	shalt  }

// kernel: kernel.20.cloned.1.call-start
scs
__scs_entry_jumppad:
0x0: {  	(pc) =	sbr.rel $0x88, $3  }
0x1: {  	(tag) =	ssettag $0x0;
	lr =	simm.s32 $0x1  }
0x2: {  	[smem:$0x3F99] =	sst lr;
	_ =	strace $0xD0000000  }
0x3: {  	_ = 	snop  }
0x4: {  	_ = 	snop  }
0x5: {  	_ = 	snop  }
0x6: {  	_ = 	snop  }
0x7: {  	_ = 	snop  }
__scs_overlays_trampoline_lowered:
0x8: {  	[smem:$0x3FA8] =	sst s0  }
0x9: {  	[smem:$0x3FA9] =	sst s1  }
0xa: {  	[smem:$0x3FAA] =	sst s2  }
0xb: {  	[smem:$0x3FAB] =	sst s3  }
0xc: {  	[smem:$0x3FAC] =	sst s4  }
0xd: {  	[smem:$0x3FAD] =	sst s5  }
0xe: {  	[smem:$0x3FAE] =	sst s6  }
0xf: {  	[smem:$0x3FAF] =	sst s7  }
0x10: {  	[smem:$0x3FB0] =	sst s8  }
0x11: {  	[smem:$0x3FB1] =	sst s9;
	s0 =	simm.s32 @!p0 $0x0  }
0x12: {  	s1 =	sld [smem:$0x3F97];
	s0 =	simm.s32 @p0 $0x1  }
0x13: {  	[smem:$0x3FB2] =	sst s0;
	s0 =	simm.s32 @!p1 $0x0  }
0x14: {  	s2 =	sld [smem:$0x3F96];
	s0 =	simm.s32 @p1 $0x1  }
0x15: {  	[smem:$0x3FB3] =	sst s0;
	s0 =	simm.s32 @!p2 $0x0  }
0x16: {  	s3 =	sld [smem:$0x3FDB];
	s0 =	simm.s32 @p2 $0x1  }
0x17: {  	s4 =	simm.s32 $0x1BF5;
	[smem:$0x3FB5] =	sst s0  }
0x18: {  	s0 =	sld [smem:$0x3F98];
	_ =	swait.ge [sflag:s4], $0x0  }
0x19: {  	s7 =	sld [smem:$0x3F99]  }
0x1a: {  	s8 =	sadd.s32 $0xFFFFE003, lr  }
0x1b: {  	s9 =	sadd.s32 $0xFFFFFEF7, lr;
	s5 =	simm.s32 $0xFFFFFFFF;
	p2 =	slt.u32 s8, $0xFFFFF086  }
0x1c: {  	p1 =	slt.u32 s9, $0xF7A;
	s5 =	simm.s32 @!p2 $0x0  }
0x1d: {  	s5 =	simm.s32 @p1 $0x1;
	p0 =	seq.s32 s7, s2  }
0x1e: {  	s7 =	smul.u32 @!p0 $0xF7A, s2;
	p2 =	seq.s32 @!p0 s5, $0x0  }
0x1f: {  	s9 =	smul.u32 $0xF7A, s1;
	s8 =	simm.s32 @!p0 $0x1BF5;
	p2 =	por !p2, p0  }
0x20: {  	[sflag:s8] =	ssyncset.s32 @!p0 $0xFFFFF086;
	s6 =	sadd.s32 @!p0 s3, s7;
	s7 =	simm.s32 @!p0 $0x108  }
0x21: {  	s3 =	sadd.s32 s3, s9;
	s6 =	sadd.s32 @!p0 $0x88, s6;
	s7 =	simm.s32 @p2 $0x1082  }
0x22: {  	[simem:s7], [sflag:s8] =	dma.local @!p0 [hbm:s6], $0xF7A  }
0x23: {  	s9 =	sor.u32 $0xD0000000, s2;
	s6 =	simm.s32 $0x108;
	_ =	swait.ge @!p0 [sflag:s8], $0x0  }
0x24: {  	s3 =	sadd.s32 $0x88, s3;
	s6 =	simm.s32 @!p1 $0x1082;
	[sflag:s4] =	ssyncset.s32 $0xFFFFF086  }
0x25: {  	[simem:s6], [sflag:s4] =	dma.local [hbm:s3], $0xF7A  }
0x26: {  	[smem:$0x3F99] =	sst s1;
	(tag) =	ssettag s2;
	_ =	strace s9  }
0x27: {  	s1 =	sld [smem:$0x3FA9]  }
0x28: {  	s2 =	sld [smem:$0x3FAA]  }
0x29: {  	s4 =	sld [smem:$0x3FAC]  }
0x2a: {  	p0 =	seq.s32 s5, $0x0;
	s5 =	sld [smem:$0x3FAD]  }
0x2b: {  	s6 =	sld [smem:$0x3FAE]  }
0x2c: {  	s7 =	sld [smem:$0x3FAF]  }
0x2d: {  	s3 =	simm.s32 $0x108;
	s8 =	sld [smem:$0x3FB0]  }
0x2e: {  	s3 =	simm.s32 @!p0 $0x1082;
	s9 =	sld [smem:$0x3FB1]  }
0x2f: {  	lr =	sadd.s32 s0, s3;
	s0 =	sld [smem:$0x3FA8]  }
0x30: {  	s3 =	sld [smem:$0x3FAB]  }
0x31: {  	[smem:$0x3FB4] =	sst s10  }
0x32: {  	s10 =	sld [smem:$0x3FB2];
	_ =	sdelay $0x3  }
0x33: {  	p0 =	seq.s32 s10, $0x1;
	s10 =	sld [smem:$0x3FB4];
	_ =	sdelay $0x3  }
0x34: {  	[smem:$0x3FB4] =	sst s10  }
0x35: {  	s10 =	sld [smem:$0x3FB3];
	_ =	sdelay $0x3  }
0x36: {  	p1 =	seq.s32 s10, $0x1;
	s10 =	sld [smem:$0x3FB4];
	_ =	sdelay $0x3  }
0x37: {  	[smem:$0x3FB4] =	sst s10  }
0x38: {  	s10 =	sld [smem:$0x3FB5]  }
0x39: {  	_ = 	snop;
	(pc) =	sbr.ind lr, $3  }
0x3a: {  	_ = 	snop  }
0x3b: {  	_ = 	snop  }
0x3c: {  	p2 =	seq.s32 s10, $0x1;
	s10 =	sld [smem:$0x3FB4]  }
0x3d: {  	_ =	shalt  }
0x3e: {  	_ =	shalt  }
0x3f: {  	_ =	shalt  }
0x40: {  	_ =	shalt  }
0x41: {  	_ =	shalt  }
0x42: {  	_ =	shalt  }
0x43: {  	_ =	shalt  }
0x44: {  	_ =	shalt  }
0x45: {  	_ =	shalt  }
0x46: {  	_ =	shalt  }
0x47: {  	_ =	shalt  }
0x48: {  	_ =	shalt  }
0x49: {  	_ =	shalt  }
0x4a: {  	_ =	shalt  }
0x4b: {  	_ =	shalt  }
0x4c: {  	_ =	shalt  }
0x4d: {  	_ =	shalt  }
0x4e: {  	_ =	shalt  }
0x4f: {  	_ =	shalt  }
0x50: {  	_ =	shalt  }
0x51: {  	_ =	shalt  }
0x52: {  	_ =	shalt  }
0x53: {  	_ =	shalt  }
0x54: {  	_ =	shalt  }
0x55: {  	_ =	shalt  }
0x56: {  	_ =	shalt  }
0x57: {  	_ =	shalt  }
0x58: {  	_ =	shalt  }
0x59: {  	_ =	shalt  }
0x5a: {  	_ =	shalt  }
0x5b: {  	_ =	shalt  }
0x5c: {  	_ =	shalt  }
0x5d: {  	_ =	shalt  }
0x5e: {  	_ =	shalt  }
0x5f: {  	_ =	shalt  }
0x60: {  	_ =	shalt  }
0x61: {  	_ =	shalt  }
0x62: {  	_ =	shalt  }
0x63: {  	_ =	shalt  }
0x64: {  	_ =	shalt  }
0x65: {  	_ =	shalt  }
0x66: {  	_ =	shalt  }
0x67: {  	_ =	shalt  }
0x68: {  	_ =	shalt  }
0x69: {  	_ =	shalt  }
0x6a: {  	_ =	shalt  }
0x6b: {  	_ =	shalt  }
0x6c: {  	_ =	shalt  }
0x6d: {  	_ =	shalt  }
0x6e: {  	_ =	shalt  }
0x6f: {  	_ =	shalt  }
0x70: {  	_ =	shalt  }
0x71: {  	_ =	shalt  }
0x72: {  	_ =	shalt  }
0x73: {  	_ =	shalt  }
0x74: {  	_ =	shalt  }
0x75: {  	_ =	shalt  }
0x76: {  	_ =	shalt  }
0x77: {  	_ =	shalt  }
0x78: {  	_ =	shalt  }
0x79: {  	_ =	shalt  }
0x7a: {  	_ =	shalt  }
0x7b: {  	_ =	shalt  }
0x7c: {  	_ =	shalt  }
0x7d: {  	_ =	shalt  }
0x7e: {  	_ =	shalt  }
0x7f: {  	_ =	shalt  }
0x80: {  	_ =	shalt  }
0x81: {  	_ =	shalt  }
0x82: {  	_ =	shalt  }
0x83: {  	_ =	shalt  }
0x84: {  	_ =	shalt  }
0x85: {  	_ =	shalt  }
0x86: {  	_ =	shalt  }
0x87: {  	_ =	shalt  }
.Lfunc_end0:
.L_simem_size_0:
called_computation.3_lowered:
.L_overlay_start_0:
0x88: {  	s2 =	sld [smem:$0x3FD9]  }
0x89: {  	s3 =	sld [smem:$0x3FFE];
	_ =	sdelay $0x1  }
0x8a: {  	s1 =	srdreg.scid  }
0x8b: {  	s0 =	sand.u32 $0x1, s1  }
0x8c: {  	s17 =	sshll.u32 s0, $0xA;
	s2 =	sadd.s32 s3, s2  }
0x8d: {  	s2 =	sadd.s32 s2, s17  }
0x8e: {  	[smem:$0x3FC0] =	sst s2  }
0x8f: {  	_ = 	snop  }
0x90: {  	s2 =	sld [smem:$0x3FD0];
	(tm) =	ssettm $0x1  }
0x91: {  	s18 =	sld [smem:$0x3FFB];
	_ =	sdelay $0x3  }
0x92: {  	_ =	strace s18  }
0x93: {  	s3 =	sld [smem:$0x3FFC];
	_ =	sdelay $0x3  }
0x94: {  	_ =	strace s3  }
0x95: {  	s3 =	sld [smem:$0x3FFD];
	_ =	sdelay $0x3  }
0x96: {  	_ =	strace s3  }
0x97: {  	_ =	strace $0x8FFFFFFF  }
0x98: {  	s19 =	sld [smem:$0x3FDB];
	_ =	sdelay $0x1  }
0x99: {  	s4 =	simm.s32 $_scs_section_size  }
0x9a: {  	s5 =	simm.s32 $_size__tile_overlayer_lowered;
	s6 =	simm.s32 $_tile_overlayer_lowered  }
0x9b: {  	s22 =	simm.s32 $0x1BFF;
	s21 =	sshll.u32 s6, $0x1;
	s3 =	sadd.s32 s4, s19  }
0x9c: {  	s7 =	simm.s32 $0x0;
	s20 =	sshll.u32 s5, $0x1;
	s5 =	sadd.s32 s21, s3  }
0x9d: {  	[timem:s7], [sflag:s22] =	dma.local [hbm:s5], s20  }
0x9e: {  	_ =	swait.ge [sflag:s22], s20  }
0x9f: {  	s4 =	ssub.s32 $0x0, s20;
	[sflag:s22] =	ssyncset.done $0x0  }
0xa0: {  	[sflag:s22] =	ssyncadd.s32 s4;
	_ =	sdelay $0x1  }
0xa1: {  	s23 =	simm.s32 $0x1B8B  }
0xa2: {  	_ =	swait.ge [sflag:s23], $0x1  }
0xa3: {  	[sflag:s23] =	ssyncset.done $0x0  }
0xa4: {  	s25 =	simm.s32 $0x1B8E;
	s24 =	sld [smem:$0x3FFE];
	[sflag:s23] =	ssyncadd.s32 $0xFFFFFFFF  }
0xa5: {  	s26 =	simm.s32 $execute0_lowered;
	[smem:$0x3FD2] =	sst s25  }
0xa6: {  	s5 =	sshll.u32 s26, $0x1;
	_ =	strace $0x8000004F;
	[dreg:$0x1] =	wrdreg $0xFFFFFFFF  }
0xa7: {  	s28 =	simm.s32 $_size_execute0_lowered;
	s3 =	sadd.s32 s3, s5;
	[dreg:$0x0] =	wrdreg $0x0  }
0xa8: {  	s5 =	sshll.u32 s28, $0x1;
	[dreg:$0x2] =	wrdreg s3  }
0xa9: {  	[dreg:$0x3] =	wrdreg s5  }
0xaa: {  	[dreg:$0x4] =	wrdreg $0xC0  }
0xab: {  	_ =	task [dreg:s7], $0x5FFFF  }
0xac: {  	[dreg:$0x1] =	wrdreg $0xFFFFFFFF  }
0xad: {  	[dreg:$0x0] =	wrdreg $0x60  }
0xae: {  	[dreg:$0x2] =	wrdreg s24  }
0xaf: {  	[dreg:$0x3] =	wrdreg s2  }
0xb0: {  	[dreg:$0x4] =	wrdreg $0x81000  }
0xb1: {  	[dreg:$0x5] =	wrdreg $0x9  }
0xb2: {  	_ =	task.clear_ibuf [dreg:s7], $0x6FFFF;
	_ =	strace $0x9000004F  }
0xb3: {  	s29 =	simm.s32 $0x9;
	_ =	strace $0x80000051  }
0xb4: {  	_ =	swait.ge [sflag:s29], $0x1  }
0xb5: {  	[sflag:s29] =	ssyncadd.s32 $0xFFFFFFFF  }
0xb6: {  	_ =	strace $0x90000051  }
0xb7: {  	_ =	sfence  }
0xb8: {  	s30 =	sld [smem:$0x0];
	_ =	sdelay $0x2  }
0xb9: {  	s31 =	sshll.u32 s1, $0xD;
	s1 =	sshrl.u32 s1, $0x2  }
0xba: {  	s3 =	sand.u32 $0x4000, s31;
	s1 =	sadd.s32 s1, s30  }
0xbb: {  	s0 =	sor.u32 s3, s0;
	s1 =	sshll.u32 s1, $0x11  }
0xbc: {  	s0 =	sor.u32 s1, s0  }
0xbd: {  	s0 =	sadd.s32 $0x8F2B, s0  }
0xbe: {  	[sflag:s0] =	ssyncadd.remote.s32 $0x1  }
0xbf: {  	_ =	sfence.sel $0xFFFF  }
0xc0: {  	[dreg:$0x0] =	wrdreg $0xFFFFFFFF;
	(pc) =	sbr.abs _section_cstart, $3  }
0xc1: {  	[dreg:$0x1] =	wrdreg $0xFFFFFFFF  }
0xc2: {  	_ =	task.clear_ibuf [dreg:s7], $0x2FFFF;
	_ =	strace $0x9FFFFFFF  }
0xc3: {  	(tm) =	ssettm $0x7FFFFFFF  }
tec
execute0_lowered:
.L_overlay_start_1:
0x0: {  	(tag) =	ssettag $0x1  }
0x1: {  	s5 =	rddreg [dreg:$0x0]  }
0x2: {  	s1 =	rddreg [dreg:$0x1]  }
0x3: {  	s2 =	rddreg [dreg:$0x2];
	s3 =	simm.s32 $0x0  }
0x4: {  	s4 =	srdreg.scid;
	s0 =	stileid.u32;
	s28 =	simm.s32 $0x0  }
0x5: {  	[smem:$0x7FF] =	sst s3;
	s11 =	sand.u32 $0x1, s4;
	s8 =	smul.u32 $0x4F000, s0  }
0x6: {  	s12 =	sadd.s32 $0x1875000, s5;
	s13 =	sadd.s32 $0x1200, s5;
	s24 =	smul.u32 $0x2780, s0  }
0x7: {  	s26 =	sshll.u32 s0, $0x4;
	s30 =	sshll.u32 s0, $0xB;
	p0 =	sgt.u32 s0, $0x1  }
0x8: {  	_ =	strace $0x80000050;
	s6 =	smul.u32 $0x27800, s11;
	s7 =	ssub.s32 $0x2, s11  }
0x9: {  	s10 =	smul.u32 $0x4E2, s11;
	s9 =	sshrl.u32 s7, $0x1;
	s8 =	sshrl.u32 s8, $0x2  }
0xa: {  	s14 =	sadd.s32 s6, s5;
	s15 =	ssub.s32 s7, s9;
	s9 =	sshll.u32 s0, $0x6  }
0xb: {  	s16 =	sadd.s32 s8, s2;
	s10 =	sadd.s32 s0, s10;
	s5 =	sor.u32 $0x1C07, s9  }
0xc: {  	s17 =	sshll.u32 s10, $0x4;
	s18 =	sshll.u32 s10, $0x7;
	s19 =	sshll.u32 s10, $0xB  }
0xd: {  	s25 =	sadd.s32 $0xB000, s14;
	s22 =	sadd.s32 $0x4E0, s10;
	s10 =	smax.u32 s15, $0x1  }
0xe: {  	s15 =	sshrl.u32 s16, $0x3;
	s16 =	simm.s32 $0x7;
	s6 =	sadd.s32 s13, s17  }
0xf: {  	s20 =	sadd.s32 $0x800, s18;
	s7 =	sadd.s32 s12, s19;
	s17 =	smul.u32 $0x4E20, s11  }
0x10: {  	s23 =	sshll.u32 s22, $0x4;
	s18 =	smul.u32 $0x271000, s11;
	s14 =	sshll.u32 s22, $0xB  }
0x11: {  	s19 =	simm.s32 $0x4100;
	s22 =	simm.s32 $0x5;
	s24 =	sadd.s32 s24, s25  }
0x12: {  	s25 =	simm.s32 $0x4;
	s21 =	sshrl.u32 s20, $0x3;
	s9 =	sshll.u32 s20, $0x4  }
0x13: {  	s11 =	sadd.s32 s13, s23;
	s20 =	simm.s32 $0x1;
	s23 =	simm.s32 $0x2  }
0x14: {  	s8 =	sadd.s32 s13, s21;
	s9 =	sadd.s32 s12, s9;
	s13 =	sadd.s32 s17, s13  }
0x15: {  	s29 =	sadd.s32 s18, s12;
	s12 =	sadd.s32 s12, s14;
	s17 =	simm.s32 $0x100  }
0x16: {  	s18 =	simm.s32 $0x80;
	s21 =	simm.s32 $0x3;
	s31 =	sadd.s32 s30, s29  }
0x17: {  	s13 =	sadd.s32 s26, s13;
	s26 =	simm.s32 $0x6;
	s14 =	sadd.s32 $0x18000, s31  }
.LBB2_1:
0x18: {  	[spmem:s15], [sflag:s5] =	dma.local [hbm:s1], $0x2780  }
0x19: {  	_ =	swait.ge [sflag:s16], $0x2780  }
0x1a: {  	[sflag:s16] =	ssyncset.done $0x0  }
0x1b: {  	[sflag:s16] =	ssyncadd.s32 $0xFFFFD880  }
0x1c: {  	[bflag:$0x0] =	sbarrier.arrive $0xFFFF  }
0x1d: {  	[tilespmem:s3], [sflag:$0x1] =	stream.linear.gather [hbm4b:s6+s3], $0x80, $0x38;
	[tilespmem:$0x1BD00] =	vst v63  }
0x1e: {  	_ = 	snop  }
0x1f: {  	[tilespmem:s17], [sflag:$0x3] =	stream.linear.gather [hbm4b:s7+s3], $0x4000, $0x38;
	[tilespmem:$0x1BD00] =	vst v63  }
0x20: {  	_ = 	snop  }
0x21: {  	[tilespmem:s18], [sflag:$0x2] =	stream.linear.gather [hbm4b:s8+s3], $0x80, $0x38;
	[tilespmem:$0x1BD00] =	vst v63  }
0x22: {  	_ = 	snop  }
0x23: {  	[tilespmem:s19], [sflag:$0x4] =	stream.linear.gather [hbm4b:s9+s3], $0x4000, $0x38;
	[tilespmem:$0x1BD00] =	vst v63  }
0x24: {  	_ =	swait.ge [sflag:s20], $0x80  }
0x25: {  	[sflag:s20] =	ssyncset.done $0x0  }
0x26: {  	[sflag:s20] =	ssyncadd.s32 $0xFFFFFF80  }
0x27: {  	_ =	swait.ge [sflag:s21], $0x4000  }
0x28: {  	[sflag:s21] =	ssyncset.done $0x0  }
0x29: {  	[sflag:s21] =	ssyncadd.s32 $0xFFFFC000  }
0x2a: {  	[spmem:s2] =	stream.indirect.scatter.add.f32 [tilespmem:s17], [sflag:$0x5], $0x80, s3, s18, $0xb8;
	[tilespmem:$0x1BD00] =	vst v63  }
0x2b: {  	_ =	swait.ge [sflag:s22], $0x4000  }
0x2c: {  	s29 =	sadd.s32 $0x0, s13;
	[sflag:s22] =	ssyncset.done $0x0  }
0x2d: {  	s30 =	sadd.s32 $0x200, s29;
	[sflag:s22] =	ssyncadd.s32 $0xFFFFC000  }
0x2e: {  	[tilespmem:s3], [sflag:$0x1] =	stream.linear.gather [hbm4b:s30+s3], $0x80, $0x38;
	[tilespmem:$0x1BD00] =	vst v63  }
0x2f: {  	s30 =	sadd.s32 $0xFFFF8000, s14  }
0x30: {  	[tilespmem:s17], [sflag:$0x3] =	stream.linear.gather [hbm4b:s30+s3], $0x4000, $0x38;
	[tilespmem:$0x1BD00] =	vst v63  }
0x31: {  	_ =	swait.ge [sflag:s23], $0x80  }
0x32: {  	[sflag:s23] =	ssyncset.done $0x0  }
0x33: {  	[sflag:s23] =	ssyncadd.s32 $0xFFFFFF80  }
0x34: {  	_ =	swait.ge [sflag:s25], $0x4000  }
0x35: {  	[sflag:s25] =	ssyncset.done $0x0  }
0x36: {  	[sflag:s25] =	ssyncadd.s32 $0xFFFFC000  }
0x37: {  	[spmem:s2] =	stream.indirect.scatter.add.f32 [tilespmem:s19], [sflag:$0x6], $0x80, s18, s18, $0xb8;
	[tilespmem:$0x1BD00] =	vst v63  }
0x38: {  	_ =	swait.ge [sflag:s26], $0x4000  }
0x39: {  	[sflag:s26] =	ssyncset.done $0x0  }
0x3a: {  	s29 =	sadd.s32 $0x300, s29;
	[sflag:s26] =	ssyncadd.s32 $0xFFFFC000  }
0x3b: {  	[tilespmem:s18], [sflag:$0x2] =	stream.linear.gather [hbm4b:s29+s3], $0x80, $0x38;
	[tilespmem:$0x1BD00] =	vst v63  }
0x3c: {  	s31 =	smov.u32 s14;
	s30 =	sadd.s32 $0x10000, s14;
	s29 =	simm.s32 $0x200  }
.LBB2_2:
0x3d: {  	[tilespmem:s19], [sflag:$0x4] =	stream.linear.gather [hbm4b:s31+s3], $0x4000, $0x38;
	[tilespmem:$0x1BD00] =	vst v63  }
0x3e: {  	s0 =	smov.u32 s29;
	s31 =	smov.u32 s30  }
0x3f: {  	p1 =	sne.s32 s29, $0x4A00;
	s29 =	sadd.s32 $0x200, s29;
	_ =	swait.ge [sflag:s20], $0x80  }
0x40: {  	[sflag:s20] =	ssyncset.done $0x0  }
0x41: {  	[sflag:s20] =	ssyncadd.s32 $0xFFFFFF80  }
0x42: {  	_ =	swait.ge [sflag:s21], $0x4000  }
0x43: {  	[sflag:s21] =	ssyncset.done $0x0  }
0x44: {  	[sflag:s21] =	ssyncadd.s32 $0xFFFFC000  }
0x45: {  	[spmem:s2] =	stream.indirect.scatter.add.f32 [tilespmem:s17], [sflag:$0x5], $0x80, s3, s18, $0xb8;
	[tilespmem:$0x1BD00] =	vst v63  }
0x46: {  	_ =	swait.ge [sflag:s22], $0x4000  }
0x47: {  	s0 =	sadd.s32 s0, s13;
	[sflag:s22] =	ssyncset.done $0x0  }
0x48: {  	s4 =	sadd.s32 $0x200, s0;
	[sflag:s22] =	ssyncadd.s32 $0xFFFFC000  }
0x49: {  	[tilespmem:s3], [sflag:$0x1] =	stream.linear.gather [hbm4b:s4+s3], $0x80, $0x38;
	[tilespmem:$0x1BD00] =	vst v63  }
0x4a: {  	s4 =	sadd.s32 $0xFFFF8000, s30  }
0x4b: {  	[tilespmem:s17], [sflag:$0x3] =	stream.linear.gather [hbm4b:s4+s3], $0x4000, $0x38;
	[tilespmem:$0x1BD00] =	vst v63  }
0x4c: {  	_ =	swait.ge [sflag:s23], $0x80  }
0x4d: {  	[sflag:s23] =	ssyncset.done $0x0  }
0x4e: {  	[sflag:s23] =	ssyncadd.s32 $0xFFFFFF80  }
0x4f: {  	_ =	swait.ge [sflag:s25], $0x4000  }
0x50: {  	[sflag:s25] =	ssyncset.done $0x0  }
0x51: {  	[sflag:s25] =	ssyncadd.s32 $0xFFFFC000  }
0x52: {  	[spmem:s2] =	stream.indirect.scatter.add.f32 [tilespmem:s19], [sflag:$0x6], $0x80, s18, s18, $0xb8;
	[tilespmem:$0x1BD00] =	vst v63  }
.Ltmp0:
0x53: {  	_ =	swait.ge [sflag:s26], $0x4000;
	(pc) =	sbr.rel @p1 .LBB2_2-.Ltmp0, $4  }
0x54: {  	[sflag:s26] =	ssyncset.done $0x0  }
0x55: {  	s0 =	sadd.s32 $0x300, s0;
	[sflag:s26] =	ssyncadd.s32 $0xFFFFC000  }
0x56: {  	[tilespmem:s18], [sflag:$0x2] =	stream.linear.gather [hbm4b:s0+s3], $0x80, $0x38;
	[tilespmem:$0x1BD00] =	vst v63  }
0x57: {  	s30 =	sadd.s32 $0x10000, s30  }
0x58: {  	[tilespmem:s19], [sflag:$0x4] =	stream.linear.gather [hbm4b:s31+s3], $0x4000, $0x38;
	[tilespmem:$0x1BD00] =	vst v63  }
0x59: {  	_ =	swait.ge [sflag:s20], $0x80  }
0x5a: {  	[sflag:s20] =	ssyncset.done $0x0  }
0x5b: {  	[sflag:s20] =	ssyncadd.s32 $0xFFFFFF80  }
0x5c: {  	_ =	swait.ge [sflag:s21], $0x4000  }
0x5d: {  	[sflag:s21] =	ssyncset.done $0x0  }
0x5e: {  	[sflag:s21] =	ssyncadd.s32 $0xFFFFC000  }
0x5f: {  	[spmem:s2] =	stream.indirect.scatter.add.f32 [tilespmem:s17], [sflag:$0x5], $0x80, s3, s18, $0xb8;
	[tilespmem:$0x1BD00] =	vst v63  }
0x60: {  	_ =	swait.ge [sflag:s22], $0x4000  }
0x61: {  	[sflag:s22] =	ssyncset.done $0x0  }
0x62: {  	s0 =	simm.s32 @!p0 $0x0;
	[sflag:s22] =	ssyncadd.s32 $0xFFFFC000  }
0x63: {  	[tilespmem:s0], [sflag:$0x1] =	stream.linear.gather @!p0 [hbm4b:s11+s0], $0x80, $0x38;
	[tilespmem:$0x1BD00] =	vst v63  }
0x64: {  	s4 =	simm.s32 @!p0 $0x100  }
0x65: {  	[tilespmem:s4], [sflag:$0x3] =	stream.linear.gather @!p0 [hbm4b:s12+s0], $0x4000, $0x38;
	[tilespmem:$0x1BD00] =	vst v63  }
0x66: {  	_ =	swait.ge [sflag:s23], $0x80  }
0x67: {  	[sflag:s23] =	ssyncset.done $0x0  }
0x68: {  	[sflag:s23] =	ssyncadd.s32 $0xFFFFFF80  }
0x69: {  	_ =	swait.ge [sflag:s25], $0x4000  }
0x6a: {  	[sflag:s25] =	ssyncset.done $0x0  }
0x6b: {  	[sflag:s25] =	ssyncadd.s32 $0xFFFFC000  }
0x6c: {  	[spmem:s2] =	stream.indirect.scatter.add.f32 [tilespmem:s19], [sflag:$0x6], $0x80, s18, s18, $0xb8;
	[tilespmem:$0x1BD00] =	vst v63  }
0x6d: {  	_ =	swait.ge [sflag:s26], $0x4000  }
0x6e: {  	[sflag:s26] =	ssyncset.done $0x0  }
0x6f: {  	s29 =	simm.s32 @!p0 $0x1;
	[sflag:s26] =	ssyncadd.s32 $0xFFFFC000  }
0x70: {  	_ =	swait.ge @!p0 [sflag:s29], $0x80  }
0x71: {  	[sflag:s29] =	ssyncset.done @!p0 $0x0  }
0x72: {  	[sflag:s29] =	ssyncadd.s32 @!p0 $0xFFFFFF80;
	s29 =	simm.s32 @!p0 $0x3  }
0x73: {  	_ =	swait.ge @!p0 [sflag:s29], $0x4000  }
0x74: {  	[sflag:s29] =	ssyncset.done @!p0 $0x0  }
0x75: {  	[sflag:s29] =	ssyncadd.s32 @!p0 $0xFFFFC000;
	s29 =	simm.s32 @!p0 $0x80  }
0x76: {  	[spmem:s2] =	stream.indirect.scatter.add.f32 @!p0 [tilespmem:s4], [sflag:$0x5], $0x80, s0, s29, $0xb8;
	[tilespmem:$0x1BD00] =	vst v63  }
0x77: {  	s0 =	simm.s32 @!p0 $0x5  }
0x78: {  	_ =	swait.ge @!p0 [sflag:s0], $0x4000  }
0x79: {  	s28 =	sadd.s32 $0x1, s28;
	[sflag:s0] =	ssyncset.done @!p0 $0x0  }
0x7a: {  	p1 =	sne.s32 s28, s10;
	[sflag:s0] =	ssyncadd.s32 @!p0 $0xFFFFC000  }
.Ltmp1:
0x7b: {  	[bflag:$0x0] =	sbarrier.arrive $0xFFFF;
	(pc) =	sbr.rel @p1 .LBB2_1-.Ltmp1, $4  }
0x7c: {  	[hbm:s24], [sflag:s5] =	dma.local [spmem:s15], $0x2780  }
0x7d: {  	_ =	swait.ge [sflag:s16], $0x2780  }
0x7e: {  	[sflag:s16] =	ssyncset.done $0x0  }
0x7f: {  	[sflag:s16] =	ssyncadd.s32 $0xFFFFD880  }
0x80: {  	_ =	sfence.sel $0x180000  }
0x81: {  	[bflag:$0x0] =	sbarrier.arrive $0xFFFF  }
0x82: {  	_ =	strace $0x90000050  }
0x83: {  	s0 =	stileid.u32;
	[bflag:$0x2] =	sbarrier.arrive $0xFFFF  }
0x84: {  	p0 =	sne.s32 s0, $0x0;
	s0 =	rddreg [dreg:$0x3]  }
0x85: {  	s0 =	sadd.s32 @!p0 $0x100000, s0  }
0x86: {  	[sflag:s0] =	ssyncadd.tile.s32 @!p0 $0x1;
	_ =	shalt  }
.Lfunc_end2:
_tile_overlayer_lowered:
.L_overlay_start_2:
0x87: {  	(tag) =	ssettag $0x2  }
0x88: {  	s0 =	rddreg [dreg:$0x0];
	s2 =	stileid.u32  }
0x89: {  	s1 =	rddreg [dreg:$0x1];
	p0 =	sne.s32 s2, $0x0  }
0x8a: {  	s3 =	rddreg [dreg:$0x2];
	[bflag:$0x3] =	sbarrier.arrive $0xFFFF;
	s2 =	simm.s32 @!p0 $0x1C07  }
0x8b: {  	[timem:s3], [sflag:s2] =	dma.local @!p0 [hbm:s0], s1  }
0x8c: {  	s0 =	simm.s32 @!p0 $0x7  }
0x8d: {  	_ =	swait.ge @!p0 [sflag:s0], s1  }
0x8e: {  	s1 =	ssub.s32 @!p0 $0x0, s1;
	[sflag:s0] =	ssyncset.done @!p0 $0x0  }
0x8f: {  	[sflag:s0] =	ssyncadd.s32 @!p0 s1  }
0x90: {  	[bflag:$0x3] =	sbarrier.arrive $0xFFFF  }
0x91: {  	_ =	shalt  }

</sc_bundles>
